<compile_context>
chip_gen: v7x
topology: tpu7x:2x2x1
jax: 0.10.2.dev20260603
libtpu: 0.0.44.dev20260713+nightly
codegen_flags: <defaults>
</compile_context>

<pallas_src>
import functools

import jax
import jax.numpy as jnp
from jax import lax
from jax.experimental import pallas as pl
from jax.experimental.pallas import tpu as pltpu
from jax.experimental.pallas import tpu_sc as plsc

K = 32
PAD_COLS = 528
OUT_COLS = 516

NEG_INF = float("-inf")



def _table_body(pos_ref, feat_ref, inv_ref, tab_ref):
    pos = pos_ref[...]
    feat = feat_ref[...]
    cx = 0.5 * (pos[:, 0:1] + pos[:, 2:3])
    cy = 0.5 * (pos[:, 1:2] + pos[:, 3:4])
    w = jnp.maximum(pos[:, 2:3] - pos[:, 0:1], 1e-6)
    h = jnp.maximum(pos[:, 3:4] - pos[:, 1:2], 1e-6)
    tab_ref[:, 0:1] = cx * inv_ref[0, 0]
    tab_ref[:, 1:2] = cy * inv_ref[0, 1]
    tab_ref[:, 2:3] = jnp.log(w)
    tab_ref[:, 3:4] = jnp.log(h)
    tab_ref[:, 4:4 + feat.shape[1]] = feat
    tab_ref[:, 4 + feat.shape[1]:] = jnp.zeros(
        (feat.shape[0], PAD_COLS - 4 - feat.shape[1]), jnp.float32)


def _build_table(pos, feat, inv_wh, block_rows):
    n, dim = feat.shape
    grid = (n // block_rows,)
    return pl.pallas_call(
        _table_body,
        grid=grid,
        in_specs=[
            pl.BlockSpec((block_rows, 4), lambda i: (i, 0)),
            pl.BlockSpec((block_rows, dim), lambda i: (i, 0)),
            pl.BlockSpec(memory_space=pltpu.SMEM),
        ],
        out_specs=pl.BlockSpec((block_rows, PAD_COLS), lambda i: (i, 0)),
        out_shape=jax.ShapeDtypeStruct((n, PAD_COLS), jnp.float32),
    )(pos, feat, inv_wh)


def _normalize_body(feat_ref, out_ref):
    f = feat_ref[...]
    nrm = jnp.sqrt(jnp.sum(f * f, axis=1, keepdims=True))
    out_ref[...] = f / jnp.maximum(nrm, 1e-12)


def _normalize_rows(feat, block_rows):
    n, dim = feat.shape
    return pl.pallas_call(
        _normalize_body,
        grid=(n // block_rows,),
        in_specs=[pl.BlockSpec((block_rows, dim), lambda i: (i, 0))],
        out_specs=pl.BlockSpec((block_rows, dim), lambda i: (i, 0)),
        out_shape=jax.ShapeDtypeStruct((n, dim), jnp.float32),
    )(feat)



def _topk_body(tf_ref, dq_ref, out_ref, vals_ref, idxs_ref, *, bd, nj, k):
    j = pl.program_id(1)

    @pl.when(j == 0)
    def _():
        vals_ref[...] = jnp.full(vals_ref.shape, NEG_INF, jnp.float32)
        idxs_ref[...] = jnp.zeros(idxs_ref.shape, jnp.int32)

    s = lax.dot_general(
        tf_ref[...], dq_ref[...],
        dimension_numbers=(((1,), (1,)), ((), ())),
        preferred_element_type=jnp.float32,
        precision=lax.Precision.DEFAULT,
    )
    bt = s.shape[0]
    colk = lax.broadcasted_iota(jnp.int32, (bt, k), 1)
    big = jnp.int32(2147483647)

    def block_col():
        return lax.broadcasted_iota(jnp.int32, (bt, bd), 1) + j * bd

    tau = vals_ref[:, k - 1:k]
    cnt = jnp.sum((s > tau).astype(jnp.int32), axis=1, keepdims=True)
    r = jnp.minimum(jnp.max(cnt), k)

    def extract_block(i, carry):
        sblk, bvals, bidx = carry
        m = jnp.max(sblk, axis=1, keepdims=True)
        picked = jnp.min(jnp.where(sblk == m, block_col(), big),
                         axis=1, keepdims=True)
        sblk = jnp.where(block_col() == picked, NEG_INF, sblk)
        bvals = jnp.where(colk == i, m, bvals)
        bidx = jnp.where(colk == i, picked, bidx)
        return sblk, bvals, bidx

    _, bvals, bidx = lax.fori_loop(
        0, r, extract_block,
        (s, jnp.full((bt, k), NEG_INF, jnp.float32),
         jnp.zeros((bt, k), jnp.int32)))

    scat0 = jnp.concatenate([vals_ref[...], bvals], axis=1)
    icat = jnp.concatenate([idxs_ref[...], bidx], axis=1)

    def extract_merge(i, carry):
        scat, vacc, iacc = carry
        m = jnp.max(scat, axis=1, keepdims=True)
        is_max = scat == m
        picked = jnp.min(jnp.where(is_max, icat, big), axis=1, keepdims=True)
        scat = jnp.where(is_max & (icat == picked), NEG_INF, scat)
        vacc = jnp.where(colk == i, m, vacc)
        iacc = jnp.where(colk == i, picked, iacc)
        return scat, vacc, iacc

    _, vals, idxs = lax.fori_loop(
        0, k, extract_merge,
        (scat0, jnp.zeros((bt, k), jnp.float32), jnp.zeros((bt, k), jnp.int32)))
    vals_ref[...] = vals
    idxs_ref[...] = idxs

    @pl.when(j == nj - 1)
    def _():
        out_ref[...] = idxs_ref[...]


def _topk_indices(tfeat, dqn, bt, bd, k):
    t, dim = tfeat.shape
    d = dqn.shape[0]
    nj = d // bd
    return pl.pallas_call(
        functools.partial(_topk_body, bd=bd, nj=nj, k=k),
        grid=(t // bt, nj),
        in_specs=[
            pl.BlockSpec((bt, dim), lambda i, j: (i, 0)),
            pl.BlockSpec((bd, dim), lambda i, j: (j, 0)),
        ],
        out_specs=pl.BlockSpec((bt, k), lambda i, j: (i, 0)),
        out_shape=jax.ShapeDtypeStruct((t, k), jnp.int32),
        scratch_shapes=[
            pltpu.VMEM((bt, k), jnp.float32),
            pltpu.VMEM((bt, k), jnp.int32),
        ],
    )(tfeat, dqn)



def _edge_kernel(t_total, k, n_half):
    info = plsc.get_sparse_core_info()
    nw = info.num_cores * info.num_subcores
    t_per_w = t_total // nw
    mesh = plsc.VectorSubcoreMesh(core_axis_name="c", subcore_axis_name="s")
    chunk_offs = [c * 16 for c in range(OUT_COLS // 16)] + [OUT_COLS - 16]

    @functools.partial(
        pl.kernel, mesh=mesh,
        compiler_params=pltpu.CompilerParams(
            use_tc_tiling_on_sc=False, needs_layout_passes=False),
        out_type=jax.ShapeDtypeStruct((2 * n_half, OUT_COLS), jnp.float32),
        scratch_types=[
            pltpu.VMEM((t_per_w * k,), jnp.int32),
            pltpu.VMEM((2, PAD_COLS), jnp.float32),
            pltpu.VMEM((k, PAD_COLS), jnp.float32),
            pltpu.VMEM((k, PAD_COLS), jnp.float32),
            pltpu.VMEM((k, OUT_COLS), jnp.float32),
            pltpu.VMEM((k, OUT_COLS), jnp.float32),
            pltpu.VMEM((k, OUT_COLS), jnp.float32),
            pltpu.VMEM((k, OUT_COLS), jnp.float32),
            pltpu.SemaphoreType.DMA,
            pltpu.SemaphoreType.DMA,
            pltpu.SemaphoreType.DMA,
        ],
    )
    def edge(idx_hbm, atab_hbm, btab_hbm, out_hbm,
             idx_all, a01, b0, b1, o1a, o2a, o1b, o2b, gsem0, gsem1, osem):
        wid = lax.axis_index("s") * info.num_cores + lax.axis_index("c")
        base = wid * t_per_w
        lane = lax.broadcasted_iota(jnp.int32, (16,), 0)
        is_pos = lane < 4
        pltpu.sync_copy(idx_hbm.at[pl.ds(base * k, t_per_w * k)], idx_all)

        def compute(par, b_rows, out1, out2):
            def per_edge(j, _):
                jv = jnp.full((16,), j, jnp.int32)
                for off in chunk_offs:
                    cols = lane + off
                    av = a01[par, pl.ds(off, 16)]
                    bv = plsc.load_gather(b_rows, [jv, cols])
                    f = 0.5 * (av + bv)
                    if off == 0:
                        diff = av - bv
                        o1 = jnp.where(is_pos, diff, f)
                        o2 = jnp.where(is_pos, -diff, f)
                    else:
                        o1 = f
                        o2 = f
                    plsc.store_scatter(out1, [jv, cols], o1)
                    plsc.store_scatter(out2, [jv, cols], o2)
                return 0

            lax.fori_loop(0, k, per_edge, 0)

        def drain_outs(t0):
            pltpu.make_async_copy(o1a, out_hbm.at[pl.ds(t0 * k, k)], osem).wait()
            pltpu.make_async_copy(
                o2a, out_hbm.at[pl.ds(n_half + t0 * k, k)], osem).wait()
            pltpu.make_async_copy(
                o1b, out_hbm.at[pl.ds((t0 + 1) * k, k)], osem).wait()
            pltpu.make_async_copy(
                o2b, out_hbm.at[pl.ds(n_half + (t0 + 1) * k, k)], osem).wait()

        def per_pair(g, _):
            t0 = base + 2 * g
            cp_g0 = pltpu.async_copy(
                btab_hbm.at[idx_all.at[pl.ds(2 * g * k, k)]], b0, gsem0)
            cp_g1 = pltpu.async_copy(
                btab_hbm.at[idx_all.at[pl.ds((2 * g + 1) * k, k)]], b1, gsem1)
            pltpu.sync_copy(atab_hbm.at[pl.ds(t0, 2)], a01)

            @pl.when(g > 0)
            def _():
                drain_outs(t0)

            cp_g0.wait()
            compute(0, b0, o1a, o2a)
            pltpu.async_copy(o1a, out_hbm.at[pl.ds(t0 * k, k)], osem)
            pltpu.async_copy(o2a, out_hbm.at[pl.ds(n_half + t0 * k, k)], osem)
            cp_g1.wait()
            compute(1, b1, o1b, o2b)
            pltpu.async_copy(o1b, out_hbm.at[pl.ds((t0 + 1) * k, k)], osem)
            pltpu.async_copy(
                o2b, out_hbm.at[pl.ds(n_half + (t0 + 1) * k, k)], osem)
            return 0

        lax.fori_loop(0, t_per_w // 2, per_pair, 0)
        drain_outs(base)

    return edge



def kernel(tracklet_feat, det_feat, tracklet_pos, det_pos, img_w, img_h):
    t, dim = tracklet_feat.shape
    d = det_feat.shape[0]
    k = min(K, d)
    inv_wh = jnp.stack([
        1.0 / jnp.asarray(img_w, jnp.float32),
        1.0 / jnp.asarray(img_h, jnp.float32),
    ]).reshape(1, 2)

    atab = _build_table(tracklet_pos, tracklet_feat, inv_wh, 512)
    btab = _build_table(det_pos, det_feat, inv_wh, 1024)
    tqn = _normalize_rows(tracklet_feat, 512)
    dqn = _normalize_rows(det_feat, 1024)
    idx = _topk_indices(tqn, dqn, 512, 2048, k)

    n_half = t * k
    return _edge_kernel(t, k, n_half)(idx.reshape(-1), atab, btab)

# --- scband reference (transcript-rebuilt; emitter-appended) ---
"""Pipeline reference for scband-association-graph-5059471474810 (READ-ONLY COPY).

The authoritative reference and input builder live on the scoring server;
editing this copy changes nothing except your own understanding.
"""

import jax, jax.numpy as jnp
import numpy as np

T, D, DIM, K = 4096, 16384, 512, 32

def _make_boxes(key, n, img_w, img_h):
    ka, kb = jax.random.split(key)
    xy = jax.random.uniform(ka, (n, 2), dtype=jnp.float32) * jnp.array([img_w - 120.0, img_h - 120.0], dtype=jnp.float32)
    wh = jax.random.uniform(kb, (n, 2), dtype=jnp.float32) * 90.0 + 10.0
    return jnp.concatenate([xy, xy + wh], axis=1)  # tlbr

def setup_inputs(seed: int = 0) -> dict:
    key = jax.random.key(seed)
    k1, k2, k3, k4 = jax.random.split(key, 4)
    return {
        "tracklet_feat": jax.random.normal(k1, (T, DIM), dtype=jnp.float32),
        "det_feat": jax.random.normal(k2, (D, DIM), dtype=jnp.float32),
        "tracklet_pos": _make_boxes(k3, T, 1920.0, 1080.0),
        "det_pos": _make_boxes(k4, D, 1920.0, 1080.0),
        "img_w": 1920,
        "img_h": 1080,
    }

def _convert_position(pos):
    # tlbr -> (cx, cy, w, h)
    cx = 0.5 * (pos[:, 0] + pos[:, 2])
    cy = 0.5 * (pos[:, 1] + pos[:, 3])
    w = jnp.maximum(pos[:, 2] - pos[:, 0], 1e-6)
    h = jnp.maximum(pos[:, 3] - pos[:, 1], 1e-6)
    return jnp.stack([cx, cy, w, h], axis=1)

def _normalize(x):
    n = jnp.maximum(jnp.linalg.norm(x, axis=1, keepdims=True), 1e-12)
    return x / n

def reference(tracklet_feat, det_feat, tracklet_pos, det_pos, img_w, img_h):
    k = min(K, det_feat.shape[0])
    # sim_dist edge building: cosine similarity KNN (compute-heavy matmul)
    tq = _normalize(tracklet_feat)
    dq = _normalize(det_feat)
    sim = jnp.matmul(tq, dq.T)  # [T, D]
    _, idx = jax.lax.top_k(sim, k)  # [T, k]
    src = jnp.repeat(jnp.arange(tracklet_feat.shape[0]), k)  # [T*k]
    dst = idx.reshape(-1)  # [T*k]
    tp = _convert_position(tracklet_pos)
    dp = _convert_position(det_pos)
    # xy_diff
    x_diff = (tp[src, 0] - dp[dst, 0]) / jnp.asarray(img_w, jnp.float32)
    y_diff = (tp[src, 1] - dp[dst, 1]) / jnp.asarray(img_h, jnp.float32)
    x_full = jnp.concatenate([x_diff, -x_diff], axis=0)
    y_full = jnp.concatenate([y_diff, -y_diff], axis=0)
    # log_wh
    log_wh = jnp.stack([
        jnp.log(tp[src, 2] / dp[dst, 2]),
        jnp.log(tp[src, 3] / dp[dst, 3]),
    ], axis=1)
    log_wh_full = jnp.concatenate([log_wh, -log_wh], axis=0)
    # feature merge (avg)
    feat_merge = 0.5 * (tracklet_feat[src] + det_feat[dst])
    feat_full = jnp.concatenate([feat_merge, feat_merge], axis=0)
    edge_attr = jnp.concatenate([x_full[:, None], y_full[:, None], log_wh_full, feat_full], axis=1)
    return edge_attr

if __name__ == "__main__":
    import jax
    _d = setup_inputs()
    print(jax.jit(kernel)(*tuple(_d.values())))

</pallas_src>

<mosaic_0001>
#map = affine_map<(d0, d1) -> (0)>
#map1 = affine_map<(d0, d1) -> (0, 0)>
module attributes {stable_mosaic.version = 14 : i64} {
  func.func @edge(%arg0: i32, %arg1: i32, %arg2: memref<131072xi32, #tpu.memory_space<hbm>>, %arg3: memref<4096x528xf32, #tpu.memory_space<hbm>>, %arg4: memref<16384x528xf32, #tpu.memory_space<hbm>>, %arg5: memref<262144x516xf32, #tpu.memory_space<hbm>>, %arg6: memref<4096xi32, #tpu.memory_space<vmem>>, %arg7: memref<2x528xf32, #tpu.memory_space<vmem>>, %arg8: memref<32x528xf32, #tpu.memory_space<vmem>>, %arg9: memref<32x528xf32, #tpu.memory_space<vmem>>, %arg10: memref<32x516xf32, #tpu.memory_space<vmem>>, %arg11: memref<32x516xf32, #tpu.memory_space<vmem>>, %arg12: memref<32x516xf32, #tpu.memory_space<vmem>>, %arg13: memref<32x516xf32, #tpu.memory_space<vmem>>, %arg14: memref<!tpu.dma_semaphore, #tpu.memory_space<semaphore_mem>>, %arg15: memref<!tpu.dma_semaphore, #tpu.memory_space<semaphore_mem>>, %arg16: memref<!tpu.dma_semaphore, #tpu.memory_space<semaphore_mem>>) attributes {dimension_semantics = [#tpu.dimension_semantics<core_parallel>, #tpu.dimension_semantics<subcore_parallel>], iteration_bounds = array<i64: 2, 16>, scalar_prefetch = 0 : i64, scratch_operands = 11 : i64, tpu.core_type = #tpu.core_type<sc_vector_subcore>, window_params = [{transform_indices = #map}, {transform_indices = #map1}, {transform_indices = #map1}, {transform_indices = #map1}]} {
    %mul3A = arith.constant 2 : i32
    %mul3A_0 = arith.muli %arg1, %mul3A : i32
    %add3A = arith.addi %mul3A_0, %arg0 : i32
    %mul3A_1 = arith.constant 128 : i32
    %mul3A_2 = arith.muli %add3A, %mul3A_1 : i32
    %iota3A = tpu.iota {dimensions = array<i32: 0>} : vector<16xi32>
    %lt3A = arith.constant 4 : i32
    %lt3A_3 = vector.broadcast %lt3A : i32 to vector<16xi32>
    %lt3A_4 = arith.cmpi slt, %iota3A, %lt3A_3 : vector<16xi32>
    %mul3A_5 = arith.constant 32 : i32
    %mul3A_6 = arith.muli %mul3A_2, %mul3A_5 : i32
    "tpu.region"() ({
      %run_scoped3A = tpu.sem_alloc : memref<!tpu.dma_semaphore, #tpu.memory_space<semaphore_mem>>
      %dma_start3A = tpu.memref_slice %arg2[%mul3A_6] : memref<131072xi32, #tpu.memory_space<hbm>> -> memref<4096xi32, #tpu.memory_space<hbm>>
      %dma_start3A_44 = tpu.memref_slice %arg2[%mul3A_6] : memref<131072xi32, #tpu.memory_space<hbm>> -> memref<4096xi32, #tpu.memory_space<hbm>>
      tpu.enqueue_dma source(%dma_start3A_44 : memref<4096xi32, #tpu.memory_space<hbm>>) target(%arg6 : memref<4096xi32, #tpu.memory_space<vmem>>) target_semaphore(%run_scoped3A : memref<!tpu.dma_semaphore, #tpu.memory_space<semaphore_mem>>)
      %dma_wait3A_45 = tpu.memref_slice %arg2[%mul3A_6] : memref<131072xi32, #tpu.memory_space<hbm>> -> memref<4096xi32, #tpu.memory_space<hbm>>
      %dma_wait3A_46 = tpu.memref_slice %arg2[%mul3A_6] : memref<131072xi32, #tpu.memory_space<hbm>> -> memref<4096xi32, #tpu.memory_space<hbm>>
      tpu.wait_dma2 semaphore(%run_scoped3A : memref<!tpu.dma_semaphore, #tpu.memory_space<semaphore_mem>>) src(%dma_wait3A_46 : memref<4096xi32, #tpu.memory_space<hbm>>) dst(%arg6 : memref<4096xi32, #tpu.memory_space<vmem>>)
      tpu.yield
    }) : () -> ()
    %scan3A = arith.constant 0 : i32
    %scan3A_7 = arith.constant 0 : i32
    %scan3A_8 = arith.constant 64 : i32
    %scan3A_9 = arith.addi %scan3A_7, %scan3A_8 : i32
    %scan3A_10 = arith.constant 1 : i32
    %scan3A_11 = scf.for %scan3A_44 = %scan3A_7 to %scan3A_9 step %scan3A_10 iter_args(%scan3A_45 = %scan3A) -> (i32)  : i32 {
      %mul3A_46 = arith.constant 2 : i32
      %mul3A_47 = arith.muli %mul3A_46, %scan3A_44 : i32
      %add3A_48 = arith.addi %mul3A_2, %mul3A_47 : i32
      %mul3A_49 = arith.constant 2 : i32
      %mul3A_50 = arith.muli %mul3A_49, %scan3A_44 : i32
      %mul3A_51 = arith.constant 32 : i32
      %mul3A_52 = arith.muli %mul3A_50, %mul3A_51 : i32
      %dma_start3A = tpu.memref_slice %arg6[%mul3A_52] : memref<4096xi32, #tpu.memory_space<vmem>> -> memref<32xi32, #tpu.memory_space<vmem>>
      %dma_start3A_53 = arith.constant 0 : i32
      %dma_start3A_54 = arith.constant 0 : i32
      %dma_start3A_55 = tpu.memref_slice %arg4[%dma_start3A_53, %dma_start3A_54] : memref<16384x528xf32, #tpu.memory_space<hbm>> -> memref<16384x528xf32, #tpu.memory_space<hbm>>
      tpu.enqueue_indirect_dma source(%dma_start3A_55 : memref<16384x528xf32, #tpu.memory_space<hbm>>) target(%arg8 : memref<32x528xf32, #tpu.memory_space<vmem>>) offsets(%dma_start3A : memref<32xi32, #tpu.memory_space<vmem>>) semaphore(%arg14 : memref<!tpu.dma_semaphore, #tpu.memory_space<semaphore_mem>>)
      %mul3A_56 = arith.constant 2 : i32
      %mul3A_57 = arith.muli %mul3A_56, %scan3A_44 : i32
      %add3A_58 = arith.constant 1 : i32
      %add3A_59 = arith.addi %mul3A_57, %add3A_58 : i32
      %mul3A_60 = arith.constant 32 : i32
      %mul3A_61 = arith.muli %add3A_59, %mul3A_60 : i32
      %dma_start3A_62 = tpu.memref_slice %arg6[%mul3A_61] : memref<4096xi32, #tpu.memory_space<vmem>> -> memref<32xi32, #tpu.memory_space<vmem>>
      %dma_start3A_63 = arith.constant 0 : i32
      %dma_start3A_64 = arith.constant 0 : i32
      %dma_start3A_65 = tpu.memref_slice %arg4[%dma_start3A_63, %dma_start3A_64] : memref<16384x528xf32, #tpu.memory_space<hbm>> -> memref<16384x528xf32, #tpu.memory_space<hbm>>
      tpu.enqueue_indirect_dma source(%dma_start3A_65 : memref<16384x528xf32, #tpu.memory_space<hbm>>) target(%arg9 : memref<32x528xf32, #tpu.memory_space<vmem>>) offsets(%dma_start3A_62 : memref<32xi32, #tpu.memory_space<vmem>>) semaphore(%arg15 : memref<!tpu.dma_semaphore, #tpu.memory_space<semaphore_mem>>)
      "tpu.region"() ({
        %run_scoped3A = tpu.sem_alloc : memref<!tpu.dma_semaphore, #tpu.memory_space<semaphore_mem>>
        %dma_start3A_123 = arith.constant 0 : i32
        %dma_start3A_124 = tpu.memref_slice %arg3[%add3A_48, %dma_start3A_123] : memref<4096x528xf32, #tpu.memory_space<hbm>> -> memref<2x528xf32, #tpu.memory_space<hbm>>
        %dma_start3A_125 = arith.constant 0 : i32
        %dma_start3A_126 = tpu.memref_slice %arg3[%add3A_48, %dma_start3A_125] : memref<4096x528xf32, #tpu.memory_space<hbm>> -> memref<2x528xf32, #tpu.memory_space<hbm>>
        tpu.enqueue_dma source(%dma_start3A_126 : memref<2x528xf32, #tpu.memory_space<hbm>>) target(%arg7 : memref<2x528xf32, #tpu.memory_space<vmem>>) target_semaphore(%run_scoped3A : memref<!tpu.dma_semaphore, #tpu.memory_space<semaphore_mem>>)
        %dma_wait3A_127 = arith.constant 0 : i32
        %dma_wait3A_128 = tpu.memref_slice %arg3[%add3A_48, %dma_wait3A_127] : memref<4096x528xf32, #tpu.memory_space<hbm>> -> memref<2x528xf32, #tpu.memory_space<hbm>>
        %dma_wait3A_129 = arith.constant 0 : i32
        %dma_wait3A_130 = tpu.memref_slice %arg3[%add3A_48, %dma_wait3A_129] : memref<4096x528xf32, #tpu.memory_space<hbm>> -> memref<2x528xf32, #tpu.memory_space<hbm>>
        tpu.wait_dma2 semaphore(%run_scoped3A : memref<!tpu.dma_semaphore, #tpu.memory_space<semaphore_mem>>) src(%dma_wait3A_130 : memref<2x528xf32, #tpu.memory_space<hbm>>) dst(%arg7 : memref<2x528xf32, #tpu.memory_space<vmem>>)
        tpu.yield
      }) : () -> ()
      %gt3A = arith.constant 0 : i32
      %gt3A_66 = arith.cmpi sgt, %scan3A_44, %gt3A : i32
      %convert_element_type3A = arith.extui %gt3A_66 : i1 to i32
      %cond3A = arith.constant 0 : i32
      %cond3A_67 = arith.cmpi ne, %convert_element_type3A, %cond3A : i32
      scf.if %cond3A_67 {
        %mul3A_123 = arith.constant 32 : i32
        %mul3A_124 = arith.muli %add3A_48, %mul3A_123 : i32
        %dma_wait3A_125 = arith.constant 0 : i32
        %dma_wait3A_126 = tpu.memref_slice %arg5[%mul3A_124, %dma_wait3A_125] : memref<262144x516xf32, #tpu.memory_space<hbm>> -> memref<32x516xf32, #tpu.memory_space<hbm>>
        %dma_wait3A_127 = arith.constant 0 : i32
        %dma_wait3A_128 = tpu.memref_slice %arg5[%mul3A_124, %dma_wait3A_127] : memref<262144x516xf32, #tpu.memory_space<hbm>> -> memref<32x516xf32, #tpu.memory_space<hbm>>
        tpu.wait_dma2 semaphore(%arg16 : memref<!tpu.dma_semaphore, #tpu.memory_space<semaphore_mem>>) src(%arg10 : memref<32x516xf32, #tpu.memory_space<vmem>>) dst(%dma_wait3A_128 : memref<32x516xf32, #tpu.memory_space<hbm>>)
        %mul3A_129 = arith.constant 32 : i32
        %mul3A_130 = arith.muli %add3A_48, %mul3A_129 : i32
        %add3A_131 = arith.constant 131072 : i32
        %add3A_132 = arith.addi %add3A_131, %mul3A_130 : i32
        %dma_wait3A_133 = arith.constant 0 : i32
        %dma_wait3A_134 = tpu.memref_slice %arg5[%add3A_132, %dma_wait3A_133] : memref<262144x516xf32, #tpu.memory_space<hbm>> -> memref<32x516xf32, #tpu.memory_space<hbm>>
        %dma_wait3A_135 = arith.constant 0 : i32
        %dma_wait3A_136 = tpu.memref_slice %arg5[%add3A_132, %dma_wait3A_135] : memref<262144x516xf32, #tpu.memory_space<hbm>> -> memref<32x516xf32, #tpu.memory_space<hbm>>
        tpu.wait_dma2 semaphore(%arg16 : memref<!tpu.dma_semaphore, #tpu.memory_space<semaphore_mem>>) src(%arg11 : memref<32x516xf32, #tpu.memory_space<vmem>>) dst(%dma_wait3A_136 : memref<32x516xf32, #tpu.memory_space<hbm>>)
        %add3A_137 = arith.constant 1 : i32
        %add3A_138 = arith.addi %add3A_48, %add3A_137 : i32
        %mul3A_139 = arith.constant 32 : i32
        %mul3A_140 = arith.muli %add3A_138, %mul3A_139 : i32
        %dma_wait3A_141 = arith.constant 0 : i32
        %dma_wait3A_142 = tpu.memref_slice %arg5[%mul3A_140, %dma_wait3A_141] : memref<262144x516xf32, #tpu.memory_space<hbm>> -> memref<32x516xf32, #tpu.memory_space<hbm>>
        %dma_wait3A_143 = arith.constant 0 : i32
        %dma_wait3A_144 = tpu.memref_slice %arg5[%mul3A_140, %dma_wait3A_143] : memref<262144x516xf32, #tpu.memory_space<hbm>> -> memref<32x516xf32, #tpu.memory_space<hbm>>
        tpu.wait_dma2 semaphore(%arg16 : memref<!tpu.dma_semaphore, #tpu.memory_space<semaphore_mem>>) src(%arg12 : memref<32x516xf32, #tpu.memory_space<vmem>>) dst(%dma_wait3A_144 : memref<32x516xf32, #tpu.memory_space<hbm>>)
        %add3A_145 = arith.constant 1 : i32
        %add3A_146 = arith.addi %add3A_48, %add3A_145 : i32
        %mul3A_147 = arith.constant 32 : i32
        %mul3A_148 = arith.muli %add3A_146, %mul3A_147 : i32
        %add3A_149 = arith.constant 131072 : i32
        %add3A_150 = arith.addi %add3A_149, %mul3A_148 : i32
        %dma_wait3A_151 = arith.constant 0 : i32
        %dma_wait3A_152 = tpu.memref_slice %arg5[%add3A_150, %dma_wait3A_151] : memref<262144x516xf32, #tpu.memory_space<hbm>> -> memref<32x516xf32, #tpu.memory_space<hbm>>
        %dma_wait3A_153 = arith.constant 0 : i32
        %dma_wait3A_154 = tpu.memref_slice %arg5[%add3A_150, %dma_wait3A_153] : memref<262144x516xf32, #tpu.memory_space<hbm>> -> memref<32x516xf32, #tpu.memory_space<hbm>>
        tpu.wait_dma2 semaphore(%arg16 : memref<!tpu.dma_semaphore, #tpu.memory_space<semaphore_mem>>) src(%arg13 : memref<32x516xf32, #tpu.memory_space<vmem>>) dst(%dma_wait3A_154 : memref<32x516xf32, #tpu.memory_space<hbm>>)
      } else {
      }
      %dma_wait3A_68 = tpu.memref_slice %arg6[%mul3A_52] : memref<4096xi32, #tpu.memory_space<vmem>> -> memref<32xi32, #tpu.memory_space<vmem>>
      %dma_wait3A_69 = arith.constant 0 : i32
      %dma_wait3A_70 = arith.constant 0 : i32
      %dma_wait3A_71 = tpu.memref_slice %arg4[%dma_wait3A_69, %dma_wait3A_70] : memref<16384x528xf32, #tpu.memory_space<hbm>> -> memref<16384x528xf32, #tpu.memory_space<hbm>>
      tpu.wait_indirect_dma semaphore(%arg14 : memref<!tpu.dma_semaphore, #tpu.memory_space<semaphore_mem>>) src(%dma_wait3A_71 : memref<16384x528xf32, #tpu.memory_space<hbm>>) dst(%arg8 : memref<32x528xf32, #tpu.memory_space<vmem>>)
      %scan3A_72 = arith.constant 0 : i32
      %scan3A_73 = arith.constant 0 : i32
      %scan3A_74 = arith.constant 32 : i32
      %scan3A_75 = arith.addi %scan3A_73, %scan3A_74 : i32
      %scan3A_76 = arith.constant 1 : i32
      %scan3A_77 = scf.for %scan3A_123 = %scan3A_73 to %scan3A_75 step %scan3A_76 iter_args(%scan3A_124 = %scan3A_72) -> (i32)  : i32 {
        %broadcast_in_dim3A = vector.broadcast %scan3A_123 : i32 to vector<16xi32>
        %add3A_125 = arith.constant 0 : i32
        %add3A_126 = vector.broadcast %add3A_125 : i32 to vector<16xi32>
        %add3A_127 = arith.addi %iota3A, %add3A_126 : vector<16xi32>
        %get3A = arith.constant 0 : i32
        %get3A_128 = arith.index_cast %get3A : i32 to index
        %get3A_129 = arith.constant 0 : index
        %get3A_130 = tpu.vector_load %arg7[%get3A_128, %get3A_129] {strides = array<i32>} : memref<2x528xf32, #tpu.memory_space<vmem>>, vector<16xf32>,
        %gather3A = tpu.vector_load_idx %arg8[%broadcast_in_dim3A, %add3A_127] : memref<32x528xf32, #tpu.memory_space<vmem>>[vector<16xi32>, vector<16xi32>], vector<16xf32>,
        %add3A_131 = arith.addf %get3A_130, %gather3A : vector<16xf32>
        %mul3A_132 = arith.constant 5.000000e-01 : f32
        %mul3A_133 = vector.broadcast %mul3A_132 : f32 to vector<16xf32>
        %mul3A_134 = arith.mulf %mul3A_133, %add3A_131 : vector<16xf32>
        %sub3A = arith.subf %get3A_130, %gather3A : vector<16xf32>
        %select_n3A = arith.select %lt3A_4, %sub3A, %mul3A_134 : vector<16xi1>, vector<16xf32>
        %neg3A = arith.constant 0.000000e+00 : f32
        %neg3A_135 = vector.broadcast %neg3A : f32 to vector<16xf32>
        %neg3A_136 = arith.subf %neg3A_135, %sub3A : vector<16xf32>
        %select_n3A_137 = arith.select %lt3A_4, %neg3A_136, %mul3A_134 : vector<16xi1>, vector<16xf32>
        tpu.vector_store_idx %arg10[%broadcast_in_dim3A, %add3A_127], %select_n3A : memref<32x516xf32, #tpu.memory_space<vmem>>[vector<16xi32>, vector<16xi32>], vector<16xf32>,
        tpu.vector_store_idx %arg11[%broadcast_in_dim3A, %add3A_127], %select_n3A_137 : memref<32x516xf32, #tpu.memory_space<vmem>>[vector<16xi32>, vector<16xi32>], vector<16xf32>,
        %add3A_138 = arith.constant 16 : i32
        %add3A_139 = vector.broadcast %add3A_138 : i32 to vector<16xi32>
        %add3A_140 = arith.addi %iota3A, %add3A_139 : vector<16xi32>
        %get3A_141 = arith.constant 0 : i32
        %get3A_142 = arith.index_cast %get3A_141 : i32 to index
        %get3A_143 = arith.constant 16 : index
        %get3A_144 = tpu.vector_load %arg7[%get3A_142, %get3A_143] {strides = array<i32>} : memref<2x528xf32, #tpu.memory_space<vmem>>, vector<16xf32>,
        %gather3A_145 = tpu.vector_load_idx %arg8[%broadcast_in_dim3A, %add3A_140] : memref<32x528xf32, #tpu.memory_space<vmem>>[vector<16xi32>, vector<16xi32>], vector<16xf32>,
        %add3A_146 = arith.addf %get3A_144, %gather3A_145 : vector<16xf32>
        %mul3A_147 = arith.constant 5.000000e-01 : f32
        %mul3A_148 = vector.broadcast %mul3A_147 : f32 to vector<16xf32>
        %mul3A_149 = arith.mulf %mul3A_148, %add3A_146 : vector<16xf32>
        tpu.vector_store_idx %arg10[%broadcast_in_dim3A, %add3A_140], %mul3A_149 : memref<32x516xf32, #tpu.memory_space<vmem>>[vector<16xi32>, vector<16xi32>], vector<16xf32>,
        tpu.vector_store_idx %arg11[%broadcast_in_dim3A, %add3A_140], %mul3A_149 : memref<32x516xf32, #tpu.memory_space<vmem>>[vector<16xi32>, vector<16xi32>], vector<16xf32>,
        %add3A_150 = arith.constant 32 : i32
        %add3A_151 = vector.broadcast %add3A_150 : i32 to vector<16xi32>
        %add3A_152 = arith.addi %iota3A, %add3A_151 : vector<16xi32>
        %get3A_153 = arith.constant 0 : i32
        %get3A_154 = arith.index_cast %get3A_153 : i32 to index
        %get3A_155 = arith.constant 32 : index
        %get3A_156 = tpu.vector_load %arg7[%get3A_154, %get3A_155] {strides = array<i32>} : memref<2x528xf32, #tpu.memory_space<vmem>>, vector<16xf32>,
        %gather3A_157 = tpu.vector_load_idx %arg8[%broadcast_in_dim3A, %add3A_152] : memref<32x528xf32, #tpu.memory_space<vmem>>[vector<16xi32>, vector<16xi32>], vector<16xf32>,
        %add3A_158 = arith.addf %get3A_156, %gather3A_157 : vector<16xf32>
        %mul3A_159 = arith.constant 5.000000e-01 : f32
        %mul3A_160 = vector.broadcast %mul3A_159 : f32 to vector<16xf32>
        %mul3A_161 = arith.mulf %mul3A_160, %add3A_158 : vector<16xf32>
        tpu.vector_store_idx %arg10[%broadcast_in_dim3A, %add3A_152], %mul3A_161 : memref<32x516xf32, #tpu.memory_space<vmem>>[vector<16xi32>, vector<16xi32>], vector<16xf32>,
        tpu.vector_store_idx %arg11[%broadcast_in_dim3A, %add3A_152], %mul3A_161 : memref<32x516xf32, #tpu.memory_space<vmem>>[vector<16xi32>, vector<16xi32>], vector<16xf32>,
        %add3A_162 = arith.constant 48 : i32
        %add3A_163 = vector.broadcast %add3A_162 : i32 to vector<16xi32>
        %add3A_164 = arith.addi %iota3A, %add3A_163 : vector<16xi32>
        %get3A_165 = arith.constant 0 : i32
        %get3A_166 = arith.index_cast %get3A_165 : i32 to index
        %get3A_167 = arith.constant 48 : index
        %get3A_168 = tpu.vector_load %arg7[%get3A_166, %get3A_167] {strides = array<i32>} : memref<2x528xf32, #tpu.memory_space<vmem>>, vector<16xf32>,
        %gather3A_169 = tpu.vector_load_idx %arg8[%broadcast_in_dim3A, %add3A_164] : memref<32x528xf32, #tpu.memory_space<vmem>>[vector<16xi32>, vector<16xi32>], vector<16xf32>,
        %add3A_170 = arith.addf %get3A_168, %gather3A_169 : vector<16xf32>
        %mul3A_171 = arith.constant 5.000000e-01 : f32
        %mul3A_172 = vector.broadcast %mul3A_171 : f32 to vector<16xf32>
        %mul3A_173 = arith.mulf %mul3A_172, %add3A_170 : vector<16xf32>
        tpu.vector_store_idx %arg10[%broadcast_in_dim3A, %add3A_164], %mul3A_173 : memref<32x516xf32, #tpu.memory_space<vmem>>[vector<16xi32>, vector<16xi32>], vector<16xf32>,
        tpu.vector_store_idx %arg11[%broadcast_in_dim3A, %add3A_164], %mul3A_173 : memref<32x516xf32, #tpu.memory_space<vmem>>[vector<16xi32>, vector<16xi32>], vector<16xf32>,
        %add3A_174 = arith.constant 64 : i32
        %add3A_175 = vector.broadcast %add3A_174 : i32 to vector<16xi32>
        %add3A_176 = arith.addi %iota3A, %add3A_175 : vector<16xi32>
        %get3A_177 = arith.constant 0 : i32
        %get3A_178 = arith.index_cast %get3A_177 : i32 to index
        %get3A_179 = arith.constant 64 : index
        %get3A_180 = tpu.vector_load %arg7[%get3A_178, %get3A_179] {strides = array<i32>} : memref<2x528xf32, #tpu.memory_space<vmem>>, vector<16xf32>,
        %gather3A_181 = tpu.vector_load_idx %arg8[%broadcast_in_dim3A, %add3A_176] : memref<32x528xf32, #tpu.memory_space<vmem>>[vector<16xi32>, vector<16xi32>], vector<16xf32>,
        %add3A_182 = arith.addf %get3A_180, %gather3A_181 : vector<16xf32>
        %mul3A_183 = arith.constant 5.000000e-01 : f32
        %mul3A_184 = vector.broadcast %mul3A_183 : f32 to vector<16xf32>
        %mul3A_185 = arith.mulf %mul3A_184, %add3A_182 : vector<16xf32>
        tpu.vector_store_idx %arg10[%broadcast_in_dim3A, %add3A_176], %mul3A_185 : memref<32x516xf32, #tpu.memory_space<vmem>>[vector<16xi32>, vector<16xi32>], vector<16xf32>,
        tpu.vector_store_idx %arg11[%broadcast_in_dim3A, %add3A_176], %mul3A_185 : memref<32x516xf32, #tpu.memory_space<vmem>>[vector<16xi32>, vector<16xi32>], vector<16xf32>,
        %add3A_186 = arith.constant 80 : i32
        %add3A_187 = vector.broadcast %add3A_186 : i32 to vector<16xi32>
        %add3A_188 = arith.addi %iota3A, %add3A_187 : vector<16xi32>
        %get3A_189 = arith.constant 0 : i32
        %get3A_190 = arith.index_cast %get3A_189 : i32 to index
        %get3A_191 = arith.constant 80 : index
        %get3A_192 = tpu.vector_load %arg7[%get3A_190, %get3A_191] {strides = array<i32>} : memref<2x528xf32, #tpu.memory_space<vmem>>, vector<16xf32>,
        %gather3A_193 = tpu.vector_load_idx %arg8[%broadcast_in_dim3A, %add3A_188] : memref<32x528xf32, #tpu.memory_space<vmem>>[vector<16xi32>, vector<16xi32>], vector<16xf32>,
        %add3A_194 = arith.addf %get3A_192, %gather3A_193 : vector<16xf32>
        %mul3A_195 = arith.constant 5.000000e-01 : f32
        %mul3A_196 = vector.broadcast %mul3A_195 : f32 to vector<16xf32>
        %mul3A_197 = arith.mulf %mul3A_196, %add3A_194 : vector<16xf32>
        tpu.vector_store_idx %arg10[%broadcast_in_dim3A, %add3A_188], %mul3A_197 : memref<32x516xf32, #tpu.memory_space<vmem>>[vector<16xi32>, vector<16xi32>], vector<16xf32>,
        tpu.vector_store_idx %arg11[%broadcast_in_dim3A, %add3A_188], %mul3A_197 : memref<32x516xf32, #tpu.memory_space<vmem>>[vector<16xi32>, vector<16xi32>], vector<16xf32>,
        %add3A_198 = arith.constant 96 : i32
        %add3A_199 = vector.broadcast %add3A_198 : i32 to vector<16xi32>
        %add3A_200 = arith.addi %iota3A, %add3A_199 : vector<16xi32>
        %get3A_201 = arith.constant 0 : i32
        %get3A_202 = arith.index_cast %get3A_201 : i32 to index
        %get3A_203 = arith.constant 96 : index
        %get3A_204 = tpu.vector_load %arg7[%get3A_202, %get3A_203] {strides = array<i32>} : memref<2x528xf32, #tpu.memory_space<vmem>>, vector<16xf32>,
        %gather3A_205 = tpu.vector_load_idx %arg8[%broadcast_in_dim3A, %add3A_200] : memref<32x528xf32, #tpu.memory_space<vmem>>[vector<16xi32>, vector<16xi32>], vector<16xf32>,
        %add3A_206 = arith.addf %get3A_204, %gather3A_205 : vector<16xf32>
        %mul3A_207 = arith.constant 5.000000e-01 : f32
        %mul3A_208 = vector.broadcast %mul3A_207 : f32 to vector<16xf32>
        %mul3A_209 = arith.mulf %mul3A_208, %add3A_206 : vector<16xf32>
        tpu.vector_store_idx %arg10[%broadcast_in_dim3A, %add3A_200], %mul3A_209 : memref<32x516xf32, #tpu.memory_space<vmem>>[vector<16xi32>, vector<16xi32>], vector<16xf32>,
        tpu.vector_store_idx %arg11[%broadcast_in_dim3A, %add3A_200], %mul3A_209 : memref<32x516xf32, #tpu.memory_space<vmem>>[vector<16xi32>, vector<16xi32>], vector<16xf32>,
        %add3A_210 = arith.constant 112 : i32
        %add3A_211 = vector.broadcast %add3A_210 : i32 to vector<16xi32>
        %add3A_212 = arith.addi %iota3A, %add3A_211 : vector<16xi32>
        %get3A_213 = arith.constant 0 : i32
        %get3A_214 = arith.index_cast %get3A_213 : i32 to index
        %get3A_215 = arith.constant 112 : index
        %get3A_216 = tpu.vector_load %arg7[%get3A_214, %get3A_215] {strides = array<i32>} : memref<2x528xf32, #tpu.memory_space<vmem>>, vector<16xf32>,
        %gather3A_217 = tpu.vector_load_idx %arg8[%broadcast_in_dim3A, %add3A_212] : memref<32x528xf32, #tpu.memory_space<vmem>>[vector<16xi32>, vector<16xi32>], vector<16xf32>,
        %add3A_218 = arith.addf %get3A_216, %gather3A_217 : vector<16xf32>
        %mul3A_219 = arith.constant 5.000000e-01 : f32
        %mul3A_220 = vector.broadcast %mul3A_219 : f32 to vector<16xf32>
        %mul3A_221 = arith.mulf %mul3A_220, %add3A_218 : vector<16xf32>
        tpu.vector_store_idx %arg10[%broadcast_in_dim3A, %add3A_212], %mul3A_221 : memref<32x516xf32, #tpu.memory_space<vmem>>[vector<16xi32>, vector<16xi32>], vector<16xf32>,
        tpu.vector_store_idx %arg11[%broadcast_in_dim3A, %add3A_212], %mul3A_221 : memref<32x516xf32, #tpu.memory_space<vmem>>[vector<16xi32>, vector<16xi32>], vector<16xf32>,
        %add3A_222 = arith.constant 128 : i32
        %add3A_223 = vector.broadcast %add3A_222 : i32 to vector<16xi32>
        %add3A_224 = arith.addi %iota3A, %add3A_223 : vector<16xi32>
        %get3A_225 = arith.constant 0 : i32
        %get3A_226 = arith.index_cast %get3A_225 : i32 to index
        %get3A_227 = arith.constant 128 : index
        %get3A_228 = tpu.vector_load %arg7[%get3A_226, %get3A_227] {strides = array<i32>} : memref<2x528xf32, #tpu.memory_space<vmem>>, vector<16xf32>,
        %gather3A_229 = tpu.vector_load_idx %arg8[%broadcast_in_dim3A, %add3A_224] : memref<32x528xf32, #tpu.memory_space<vmem>>[vector<16xi32>, vector<16xi32>], vector<16xf32>,
        %add3A_230 = arith.addf %get3A_228, %gather3A_229 : vector<16xf32>
        %mul3A_231 = arith.constant 5.000000e-01 : f32
        %mul3A_232 = vector.broadcast %mul3A_231 : f32 to vector<16xf32>
        %mul3A_233 = arith.mulf %mul3A_232, %add3A_230 : vector<16xf32>
        tpu.vector_store_idx %arg10[%broadcast_in_dim3A, %add3A_224], %mul3A_233 : memref<32x516xf32, #tpu.memory_space<vmem>>[vector<16xi32>, vector<16xi32>], vector<16xf32>,
        tpu.vector_store_idx %arg11[%broadcast_in_dim3A, %add3A_224], %mul3A_233 : memref<32x516xf32, #tpu.memory_space<vmem>>[vector<16xi32>, vector<16xi32>], vector<16xf32>,
        %add3A_234 = arith.constant 144 : i32
        %add3A_235 = vector.broadcast %add3A_234 : i32 to vector<16xi32>
        %add3A_236 = arith.addi %iota3A, %add3A_235 : vector<16xi32>
        %get3A_237 = arith.constant 0 : i32
        %get3A_238 = arith.index_cast %get3A_237 : i32 to index
        %get3A_239 = arith.constant 144 : index
        %get3A_240 = tpu.vector_load %arg7[%get3A_238, %get3A_239] {strides = array<i32>} : memref<2x528xf32, #tpu.memory_space<vmem>>, vector<16xf32>,
        %gather3A_241 = tpu.vector_load_idx %arg8[%broadcast_in_dim3A, %add3A_236] : memref<32x528xf32, #tpu.memory_space<vmem>>[vector<16xi32>, vector<16xi32>], vector<16xf32>,
        %add3A_242 = arith.addf %get3A_240, %gather3A_241 : vector<16xf32>
        %mul3A_243 = arith.constant 5.000000e-01 : f32
        %mul3A_244 = vector.broadcast %mul3A_243 : f32 to vector<16xf32>
        %mul3A_245 = arith.mulf %mul3A_244, %add3A_242 : vector<16xf32>
        tpu.vector_store_idx %arg10[%broadcast_in_dim3A, %add3A_236], %mul3A_245 : memref<32x516xf32, #tpu.memory_space<vmem>>[vector<16xi32>, vector<16xi32>], vector<16xf32>,
        tpu.vector_store_idx %arg11[%broadcast_in_dim3A, %add3A_236], %mul3A_245 : memref<32x516xf32, #tpu.memory_space<vmem>>[vector<16xi32>, vector<16xi32>], vector<16xf32>,
        %add3A_246 = arith.constant 160 : i32
        %add3A_247 = vector.broadcast %add3A_246 : i32 to vector<16xi32>
        %add3A_248 = arith.addi %iota3A, %add3A_247 : vector<16xi32>
        %get3A_249 = arith.constant 0 : i32
        %get3A_250 = arith.index_cast %get3A_249 : i32 to index
        %get3A_251 = arith.constant 160 : index
        %get3A_252 = tpu.vector_load %arg7[%get3A_250, %get3A_251] {strides = array<i32>} : memref<2x528xf32, #tpu.memory_space<vmem>>, vector<16xf32>,
        %gather3A_253 = tpu.vector_load_idx %arg8[%broadcast_in_dim3A, %add3A_248] : memref<32x528xf32, #tpu.memory_space<vmem>>[vector<16xi32>, vector<16xi32>], vector<16xf32>,
        %add3A_254 = arith.addf %get3A_252, %gather3A_253 : vector<16xf32>
        %mul3A_255 = arith.constant 5.000000e-01 : f32
        %mul3A_256 = vector.broadcast %mul3A_255 : f32 to vector<16xf32>
        %mul3A_257 = arith.mulf %mul3A_256, %add3A_254 : vector<16xf32>
        tpu.vector_store_idx %arg10[%broadcast_in_dim3A, %add3A_248], %mul3A_257 : memref<32x516xf32, #tpu.memory_space<vmem>>[vector<16xi32>, vector<16xi32>], vector<16xf32>,
        tpu.vector_store_idx %arg11[%broadcast_in_dim3A, %add3A_248], %mul3A_257 : memref<32x516xf32, #tpu.memory_space<vmem>>[vector<16xi32>, vector<16xi32>], vector<16xf32>,
        %add3A_258 = arith.constant 176 : i32
        %add3A_259 = vector.broadcast %add3A_258 : i32 to vector<16xi32>
        %add3A_260 = arith.addi %iota3A, %add3A_259 : vector<16xi32>
        %get3A_261 = arith.constant 0 : i32
        %get3A_262 = arith.index_cast %get3A_261 : i32 to index
        %get3A_263 = arith.constant 176 : index
        %get3A_264 = tpu.vector_load %arg7[%get3A_262, %get3A_263] {strides = array<i32>} : memref<2x528xf32, #tpu.memory_space<vmem>>, vector<16xf32>,
        %gather3A_265 = tpu.vector_load_idx %arg8[%broadcast_in_dim3A, %add3A_260] : memref<32x528xf32, #tpu.memory_space<vmem>>[vector<16xi32>, vector<16xi32>], vector<16xf32>,
        %add3A_266 = arith.addf %get3A_264, %gather3A_265 : vector<16xf32>
        %mul3A_267 = arith.constant 5.000000e-01 : f32
        %mul3A_268 = vector.broadcast %mul3A_267 : f32 to vector<16xf32>
        %mul3A_269 = arith.mulf %mul3A_268, %add3A_266 : vector<16xf32>
        tpu.vector_store_idx %arg10[%broadcast_in_dim3A, %add3A_260], %mul3A_269 : memref<32x516xf32, #tpu.memory_space<vmem>>[vector<16xi32>, vector<16xi32>], vector<16xf32>,
        tpu.vector_store_idx %arg11[%broadcast_in_dim3A, %add3A_260], %mul3A_269 : memref<32x516xf32, #tpu.memory_space<vmem>>[vector<16xi32>, vector<16xi32>], vector<16xf32>,
        %add3A_270 = arith.constant 192 : i32
        %add3A_271 = vector.broadcast %add3A_270 : i32 to vector<16xi32>
        %add3A_272 = arith.addi %iota3A, %add3A_271 : vector<16xi32>
        %get3A_273 = arith.constant 0 : i32
        %get3A_274 = arith.index_cast %get3A_273 : i32 to index
        %get3A_275 = arith.constant 192 : index
        %get3A_276 = tpu.vector_load %arg7[%get3A_274, %get3A_275] {strides = array<i32>} : memref<2x528xf32, #tpu.memory_space<vmem>>, vector<16xf32>,
        %gather3A_277 = tpu.vector_load_idx %arg8[%broadcast_in_dim3A, %add3A_272] : memref<32x528xf32, #tpu.memory_space<vmem>>[vector<16xi32>, vector<16xi32>], vector<16xf32>,
        %add3A_278 = arith.addf %get3A_276, %gather3A_277 : vector<16xf32>
        %mul3A_279 = arith.constant 5.000000e-01 : f32
        %mul3A_280 = vector.broadcast %mul3A_279 : f32 to vector<16xf32>
        %mul3A_281 = arith.mulf %mul3A_280, %add3A_278 : vector<16xf32>
        tpu.vector_store_idx %arg10[%broadcast_in_dim3A, %add3A_272], %mul3A_281 : memref<32x516xf32, #tpu.memory_space<vmem>>[vector<16xi32>, vector<16xi32>], vector<16xf32>,
        tpu.vector_store_idx %arg11[%broadcast_in_dim3A, %add3A_272], %mul3A_281 : memref<32x516xf32, #tpu.memory_space<vmem>>[vector<16xi32>, vector<16xi32>], vector<16xf32>,
        %add3A_282 = arith.constant 208 : i32
        %add3A_283 = vector.broadcast %add3A_282 : i32 to vector<16xi32>
        %add3A_284 = arith.addi %iota3A, %add3A_283 : vector<16xi32>
        %get3A_285 = arith.constant 0 : i32
        %get3A_286 = arith.index_cast %get3A_285 : i32 to index
        %get3A_287 = arith.constant 208 : index
        %get3A_288 = tpu.vector_load %arg7[%get3A_286, %get3A_287] {strides = array<i32>} : memref<2x528xf32, #tpu.memory_space<vmem>>, vector<16xf32>,
        %gather3A_289 = tpu.vector_load_idx %arg8[%broadcast_in_dim3A, %add3A_284] : memref<32x528xf32, #tpu.memory_space<vmem>>[vector<16xi32>, vector<16xi32>], vector<16xf32>,
        %add3A_290 = arith.addf %get3A_288, %gather3A_289 : vector<16xf32>
        %mul3A_291 = arith.constant 5.000000e-01 : f32
        %mul3A_292 = vector.broadcast %mul3A_291 : f32 to vector<16xf32>
        %mul3A_293 = arith.mulf %mul3A_292, %add3A_290 : vector<16xf32>
        tpu.vector_store_idx %arg10[%broadcast_in_dim3A, %add3A_284], %mul3A_293 : memref<32x516xf32, #tpu.memory_space<vmem>>[vector<16xi32>, vector<16xi32>], vector<16xf32>,
        tpu.vector_store_idx %arg11[%broadcast_in_dim3A, %add3A_284], %mul3A_293 : memref<32x516xf32, #tpu.memory_space<vmem>>[vector<16xi32>, vector<16xi32>], vector<16xf32>,
        %add3A_294 = arith.constant 224 : i32
        %add3A_295 = vector.broadcast %add3A_294 : i32 to vector<16xi32>
        %add3A_296 = arith.addi %iota3A, %add3A_295 : vector<16xi32>
        %get3A_297 = arith.constant 0 : i32
        %get3A_298 = arith.index_cast %get3A_297 : i32 to index
        %get3A_299 = arith.constant 224 : index
        %get3A_300 = tpu.vector_load %arg7[%get3A_298, %get3A_299] {strides = array<i32>} : memref<2x528xf32, #tpu.memory_space<vmem>>, vector<16xf32>,
        %gather3A_301 = tpu.vector_load_idx %arg8[%broadcast_in_dim3A, %add3A_296] : memref<32x528xf32, #tpu.memory_space<vmem>>[vector<16xi32>, vector<16xi32>], vector<16xf32>,
        %add3A_302 = arith.addf %get3A_300, %gather3A_301 : vector<16xf32>
        %mul3A_303 = arith.constant 5.000000e-01 : f32
        %mul3A_304 = vector.broadcast %mul3A_303 : f32 to vector<16xf32>
        %mul3A_305 = arith.mulf %mul3A_304, %add3A_302 : vector<16xf32>
        tpu.vector_store_idx %arg10[%broadcast_in_dim3A, %add3A_296], %mul3A_305 : memref<32x516xf32, #tpu.memory_space<vmem>>[vector<16xi32>, vector<16xi32>], vector<16xf32>,
        tpu.vector_store_idx %arg11[%broadcast_in_dim3A, %add3A_296], %mul3A_305 : memref<32x516xf32, #tpu.memory_space<vmem>>[vector<16xi32>, vector<16xi32>], vector<16xf32>,
        %add3A_306 = arith.constant 240 : i32
        %add3A_307 = vector.broadcast %add3A_306 : i32 to vector<16xi32>
        %add3A_308 = arith.addi %iota3A, %add3A_307 : vector<16xi32>
        %get3A_309 = arith.constant 0 : i32
        %get3A_310 = arith.index_cast %get3A_309 : i32 to index
        %get3A_311 = arith.constant 240 : index
        %get3A_312 = tpu.vector_load %arg7[%get3A_310, %get3A_311] {strides = array<i32>} : memref<2x528xf32, #tpu.memory_space<vmem>>, vector<16xf32>,
        %gather3A_313 = tpu.vector_load_idx %arg8[%broadcast_in_dim3A, %add3A_308] : memref<32x528xf32, #tpu.memory_space<vmem>>[vector<16xi32>, vector<16xi32>], vector<16xf32>,
        %add3A_314 = arith.addf %get3A_312, %gather3A_313 : vector<16xf32>
        %mul3A_315 = arith.constant 5.000000e-01 : f32
        %mul3A_316 = vector.broadcast %mul3A_315 : f32 to vector<16xf32>
        %mul3A_317 = arith.mulf %mul3A_316, %add3A_314 : vector<16xf32>
        tpu.vector_store_idx %arg10[%broadcast_in_dim3A, %add3A_308], %mul3A_317 : memref<32x516xf32, #tpu.memory_space<vmem>>[vector<16xi32>, vector<16xi32>], vector<16xf32>,
        tpu.vector_store_idx %arg11[%broadcast_in_dim3A, %add3A_308], %mul3A_317 : memref<32x516xf32, #tpu.memory_space<vmem>>[vector<16xi32>, vector<16xi32>], vector<16xf32>,
        %add3A_318 = arith.constant 256 : i32
        %add3A_319 = vector.broadcast %add3A_318 : i32 to vector<16xi32>
        %add3A_320 = arith.addi %iota3A, %add3A_319 : vector<16xi32>
        %get3A_321 = arith.constant 0 : i32
        %get3A_322 = arith.index_cast %get3A_321 : i32 to index
        %get3A_323 = arith.constant 256 : index
        %get3A_324 = tpu.vector_load %arg7[%get3A_322, %get3A_323] {strides = array<i32>} : memref<2x528xf32, #tpu.memory_space<vmem>>, vector<16xf32>,
        %gather3A_325 = tpu.vector_load_idx %arg8[%broadcast_in_dim3A, %add3A_320] : memref<32x528xf32, #tpu.memory_space<vmem>>[vector<16xi32>, vector<16xi32>], vector<16xf32>,
        %add3A_326 = arith.addf %get3A_324, %gather3A_325 : vector<16xf32>
        %mul3A_327 = arith.constant 5.000000e-01 : f32
        %mul3A_328 = vector.broadcast %mul3A_327 : f32 to vector<16xf32>
        %mul3A_329 = arith.mulf %mul3A_328, %add3A_326 : vector<16xf32>
        tpu.vector_store_idx %arg10[%broadcast_in_dim3A, %add3A_320], %mul3A_329 : memref<32x516xf32, #tpu.memory_space<vmem>>[vector<16xi32>, vector<16xi32>], vector<16xf32>,
        tpu.vector_store_idx %arg11[%broadcast_in_dim3A, %add3A_320], %mul3A_329 : memref<32x516xf32, #tpu.memory_space<vmem>>[vector<16xi32>, vector<16xi32>], vector<16xf32>,
        %add3A_330 = arith.constant 272 : i32
        %add3A_331 = vector.broadcast %add3A_330 : i32 to vector<16xi32>
        %add3A_332 = arith.addi %iota3A, %add3A_331 : vector<16xi32>
        %get3A_333 = arith.constant 0 : i32
        %get3A_334 = arith.index_cast %get3A_333 : i32 to index
        %get3A_335 = arith.constant 272 : index
        %get3A_336 = tpu.vector_load %arg7[%get3A_334, %get3A_335] {strides = array<i32>} : memref<2x528xf32, #tpu.memory_space<vmem>>, vector<16xf32>,
        %gather3A_337 = tpu.vector_load_idx %arg8[%broadcast_in_dim3A, %add3A_332] : memref<32x528xf32, #tpu.memory_space<vmem>>[vector<16xi32>, vector<16xi32>], vector<16xf32>,
        %add3A_338 = arith.addf %get3A_336, %gather3A_337 : vector<16xf32>
        %mul3A_339 = arith.constant 5.000000e-01 : f32
        %mul3A_340 = vector.broadcast %mul3A_339 : f32 to vector<16xf32>
        %mul3A_341 = arith.mulf %mul3A_340, %add3A_338 : vector<16xf32>
        tpu.vector_store_idx %arg10[%broadcast_in_dim3A, %add3A_332], %mul3A_341 : memref<32x516xf32, #tpu.memory_space<vmem>>[vector<16xi32>, vector<16xi32>], vector<16xf32>,
        tpu.vector_store_idx %arg11[%broadcast_in_dim3A, %add3A_332], %mul3A_341 : memref<32x516xf32, #tpu.memory_space<vmem>>[vector<16xi32>, vector<16xi32>], vector<16xf32>,
        %add3A_342 = arith.constant 288 : i32
        %add3A_343 = vector.broadcast %add3A_342 : i32 to vector<16xi32>
        %add3A_344 = arith.addi %iota3A, %add3A_343 : vector<16xi32>
        %get3A_345 = arith.constant 0 : i32
        %get3A_346 = arith.index_cast %get3A_345 : i32 to index
        %get3A_347 = arith.constant 288 : index
        %get3A_348 = tpu.vector_load %arg7[%get3A_346, %get3A_347] {strides = array<i32>} : memref<2x528xf32, #tpu.memory_space<vmem>>, vector<16xf32>,
        %gather3A_349 = tpu.vector_load_idx %arg8[%broadcast_in_dim3A, %add3A_344] : memref<32x528xf32, #tpu.memory_space<vmem>>[vector<16xi32>, vector<16xi32>], vector<16xf32>,
        %add3A_350 = arith.addf %get3A_348, %gather3A_349 : vector<16xf32>
        %mul3A_351 = arith.constant 5.000000e-01 : f32
        %mul3A_352 = vector.broadcast %mul3A_351 : f32 to vector<16xf32>
        %mul3A_353 = arith.mulf %mul3A_352, %add3A_350 : vector<16xf32>
        tpu.vector_store_idx %arg10[%broadcast_in_dim3A, %add3A_344], %mul3A_353 : memref<32x516xf32, #tpu.memory_space<vmem>>[vector<16xi32>, vector<16xi32>], vector<16xf32>,
        tpu.vector_store_idx %arg11[%broadcast_in_dim3A, %add3A_344], %mul3A_353 : memref<32x516xf32, #tpu.memory_space<vmem>>[vector<16xi32>, vector<16xi32>], vector<16xf32>,
        %add3A_354 = arith.constant 304 : i32
        %add3A_355 = vector.broadcast %add3A_354 : i32 to vector<16xi32>
        %add3A_356 = arith.addi %iota3A, %add3A_355 : vector<16xi32>
        %get3A_357 = arith.constant 0 : i32
        %get3A_358 = arith.index_cast %get3A_357 : i32 to index
        %get3A_359 = arith.constant 304 : index
        %get3A_360 = tpu.vector_load %arg7[%get3A_358, %get3A_359] {strides = array<i32>} : memref<2x528xf32, #tpu.memory_space<vmem>>, vector<16xf32>,
        %gather3A_361 = tpu.vector_load_idx %arg8[%broadcast_in_dim3A, %add3A_356] : memref<32x528xf32, #tpu.memory_space<vmem>>[vector<16xi32>, vector<16xi32>], vector<16xf32>,
        %add3A_362 = arith.addf %get3A_360, %gather3A_361 : vector<16xf32>
        %mul3A_363 = arith.constant 5.000000e-01 : f32
        %mul3A_364 = vector.broadcast %mul3A_363 : f32 to vector<16xf32>
        %mul3A_365 = arith.mulf %mul3A_364, %add3A_362 : vector<16xf32>
        tpu.vector_store_idx %arg10[%broadcast_in_dim3A, %add3A_356], %mul3A_365 : memref<32x516xf32, #tpu.memory_space<vmem>>[vector<16xi32>, vector<16xi32>], vector<16xf32>,
        tpu.vector_store_idx %arg11[%broadcast_in_dim3A, %add3A_356], %mul3A_365 : memref<32x516xf32, #tpu.memory_space<vmem>>[vector<16xi32>, vector<16xi32>], vector<16xf32>,
        %add3A_366 = arith.constant 320 : i32
        %add3A_367 = vector.broadcast %add3A_366 : i32 to vector<16xi32>
        %add3A_368 = arith.addi %iota3A, %add3A_367 : vector<16xi32>
        %get3A_369 = arith.constant 0 : i32
        %get3A_370 = arith.index_cast %get3A_369 : i32 to index
        %get3A_371 = arith.constant 320 : index
        %get3A_372 = tpu.vector_load %arg7[%get3A_370, %get3A_371] {strides = array<i32>} : memref<2x528xf32, #tpu.memory_space<vmem>>, vector<16xf32>,
        %gather3A_373 = tpu.vector_load_idx %arg8[%broadcast_in_dim3A, %add3A_368] : memref<32x528xf32, #tpu.memory_space<vmem>>[vector<16xi32>, vector<16xi32>], vector<16xf32>,
        %add3A_374 = arith.addf %get3A_372, %gather3A_373 : vector<16xf32>
        %mul3A_375 = arith.constant 5.000000e-01 : f32
        %mul3A_376 = vector.broadcast %mul3A_375 : f32 to vector<16xf32>
        %mul3A_377 = arith.mulf %mul3A_376, %add3A_374 : vector<16xf32>
        tpu.vector_store_idx %arg10[%broadcast_in_dim3A, %add3A_368], %mul3A_377 : memref<32x516xf32, #tpu.memory_space<vmem>>[vector<16xi32>, vector<16xi32>], vector<16xf32>,
        tpu.vector_store_idx %arg11[%broadcast_in_dim3A, %add3A_368], %mul3A_377 : memref<32x516xf32, #tpu.memory_space<vmem>>[vector<16xi32>, vector<16xi32>], vector<16xf32>,
        %add3A_378 = arith.constant 336 : i32
        %add3A_379 = vector.broadcast %add3A_378 : i32 to vector<16xi32>
        %add3A_380 = arith.addi %iota3A, %add3A_379 : vector<16xi32>
        %get3A_381 = arith.constant 0 : i32
        %get3A_382 = arith.index_cast %get3A_381 : i32 to index
        %get3A_383 = arith.constant 336 : index
        %get3A_384 = tpu.vector_load %arg7[%get3A_382, %get3A_383] {strides = array<i32>} : memref<2x528xf32, #tpu.memory_space<vmem>>, vector<16xf32>,
        %gather3A_385 = tpu.vector_load_idx %arg8[%broadcast_in_dim3A, %add3A_380] : memref<32x528xf32, #tpu.memory_space<vmem>>[vector<16xi32>, vector<16xi32>], vector<16xf32>,
        %add3A_386 = arith.addf %get3A_384, %gather3A_385 : vector<16xf32>
        %mul3A_387 = arith.constant 5.000000e-01 : f32
        %mul3A_388 = vector.broadcast %mul3A_387 : f32 to vector<16xf32>
        %mul3A_389 = arith.mulf %mul3A_388, %add3A_386 : vector<16xf32>
        tpu.vector_store_idx %arg10[%broadcast_in_dim3A, %add3A_380], %mul3A_389 : memref<32x516xf32, #tpu.memory_space<vmem>>[vector<16xi32>, vector<16xi32>], vector<16xf32>,
        tpu.vector_store_idx %arg11[%broadcast_in_dim3A, %add3A_380], %mul3A_389 : memref<32x516xf32, #tpu.memory_space<vmem>>[vector<16xi32>, vector<16xi32>], vector<16xf32>,
        %add3A_390 = arith.constant 352 : i32
        %add3A_391 = vector.broadcast %add3A_390 : i32 to vector<16xi32>
        %add3A_392 = arith.addi %iota3A, %add3A_391 : vector<16xi32>
        %get3A_393 = arith.constant 0 : i32
        %get3A_394 = arith.index_cast %get3A_393 : i32 to index
        %get3A_395 = arith.constant 352 : index
        %get3A_396 = tpu.vector_load %arg7[%get3A_394, %get3A_395] {strides = array<i32>} : memref<2x528xf32, #tpu.memory_space<vmem>>, vector<16xf32>,
        %gather3A_397 = tpu.vector_load_idx %arg8[%broadcast_in_dim3A, %add3A_392] : memref<32x528xf32, #tpu.memory_space<vmem>>[vector<16xi32>, vector<16xi32>], vector<16xf32>,
        %add3A_398 = arith.addf %get3A_396, %gather3A_397 : vector<16xf32>
        %mul3A_399 = arith.constant 5.000000e-01 : f32
        %mul3A_400 = vector.broadcast %mul3A_399 : f32 to vector<16xf32>
        %mul3A_401 = arith.mulf %mul3A_400, %add3A_398 : vector<16xf32>
        tpu.vector_store_idx %arg10[%broadcast_in_dim3A, %add3A_392], %mul3A_401 : memref<32x516xf32, #tpu.memory_space<vmem>>[vector<16xi32>, vector<16xi32>], vector<16xf32>,
        tpu.vector_store_idx %arg11[%broadcast_in_dim3A, %add3A_392], %mul3A_401 : memref<32x516xf32, #tpu.memory_space<vmem>>[vector<16xi32>, vector<16xi32>], vector<16xf32>,
        %add3A_402 = arith.constant 368 : i32
        %add3A_403 = vector.broadcast %add3A_402 : i32 to vector<16xi32>
        %add3A_404 = arith.addi %iota3A, %add3A_403 : vector<16xi32>
        %get3A_405 = arith.constant 0 : i32
        %get3A_406 = arith.index_cast %get3A_405 : i32 to index
        %get3A_407 = arith.constant 368 : index
        %get3A_408 = tpu.vector_load %arg7[%get3A_406, %get3A_407] {strides = array<i32>} : memref<2x528xf32, #tpu.memory_space<vmem>>, vector<16xf32>,
        %gather3A_409 = tpu.vector_load_idx %arg8[%broadcast_in_dim3A, %add3A_404] : memref<32x528xf32, #tpu.memory_space<vmem>>[vector<16xi32>, vector<16xi32>], vector<16xf32>,
        %add3A_410 = arith.addf %get3A_408, %gather3A_409 : vector<16xf32>
        %mul3A_411 = arith.constant 5.000000e-01 : f32
        %mul3A_412 = vector.broadcast %mul3A_411 : f32 to vector<16xf32>
        %mul3A_413 = arith.mulf %mul3A_412, %add3A_410 : vector<16xf32>
        tpu.vector_store_idx %arg10[%broadcast_in_dim3A, %add3A_404], %mul3A_413 : memref<32x516xf32, #tpu.memory_space<vmem>>[vector<16xi32>, vector<16xi32>], vector<16xf32>,
        tpu.vector_store_idx %arg11[%broadcast_in_dim3A, %add3A_404], %mul3A_413 : memref<32x516xf32, #tpu.memory_space<vmem>>[vector<16xi32>, vector<16xi32>], vector<16xf32>,
        %add3A_414 = arith.constant 384 : i32
        %add3A_415 = vector.broadcast %add3A_414 : i32 to vector<16xi32>
        %add3A_416 = arith.addi %iota3A, %add3A_415 : vector<16xi32>
        %get3A_417 = arith.constant 0 : i32
        %get3A_418 = arith.index_cast %get3A_417 : i32 to index
        %get3A_419 = arith.constant 384 : index
        %get3A_420 = tpu.vector_load %arg7[%get3A_418, %get3A_419] {strides = array<i32>} : memref<2x528xf32, #tpu.memory_space<vmem>>, vector<16xf32>,
        %gather3A_421 = tpu.vector_load_idx %arg8[%broadcast_in_dim3A, %add3A_416] : memref<32x528xf32, #tpu.memory_space<vmem>>[vector<16xi32>, vector<16xi32>], vector<16xf32>,
        %add3A_422 = arith.addf %get3A_420, %gather3A_421 : vector<16xf32>
        %mul3A_423 = arith.constant 5.000000e-01 : f32
        %mul3A_424 = vector.broadcast %mul3A_423 : f32 to vector<16xf32>
        %mul3A_425 = arith.mulf %mul3A_424, %add3A_422 : vector<16xf32>
        tpu.vector_store_idx %arg10[%broadcast_in_dim3A, %add3A_416], %mul3A_425 : memref<32x516xf32, #tpu.memory_space<vmem>>[vector<16xi32>, vector<16xi32>], vector<16xf32>,
        tpu.vector_store_idx %arg11[%broadcast_in_dim3A, %add3A_416], %mul3A_425 : memref<32x516xf32, #tpu.memory_space<vmem>>[vector<16xi32>, vector<16xi32>], vector<16xf32>,
        %add3A_426 = arith.constant 400 : i32
        %add3A_427 = vector.broadcast %add3A_426 : i32 to vector<16xi32>
        %add3A_428 = arith.addi %iota3A, %add3A_427 : vector<16xi32>
        %get3A_429 = arith.constant 0 : i32
        %get3A_430 = arith.index_cast %get3A_429 : i32 to index
        %get3A_431 = arith.constant 400 : index
        %get3A_432 = tpu.vector_load %arg7[%get3A_430, %get3A_431] {strides = array<i32>} : memref<2x528xf32, #tpu.memory_space<vmem>>, vector<16xf32>,
        %gather3A_433 = tpu.vector_load_idx %arg8[%broadcast_in_dim3A, %add3A_428] : memref<32x528xf32, #tpu.memory_space<vmem>>[vector<16xi32>, vector<16xi32>], vector<16xf32>,
        %add3A_434 = arith.addf %get3A_432, %gather3A_433 : vector<16xf32>
        %mul3A_435 = arith.constant 5.000000e-01 : f32
        %mul3A_436 = vector.broadcast %mul3A_435 : f32 to vector<16xf32>
        %mul3A_437 = arith.mulf %mul3A_436, %add3A_434 : vector<16xf32>
        tpu.vector_store_idx %arg10[%broadcast_in_dim3A, %add3A_428], %mul3A_437 : memref<32x516xf32, #tpu.memory_space<vmem>>[vector<16xi32>, vector<16xi32>], vector<16xf32>,
        tpu.vector_store_idx %arg11[%broadcast_in_dim3A, %add3A_428], %mul3A_437 : memref<32x516xf32, #tpu.memory_space<vmem>>[vector<16xi32>, vector<16xi32>], vector<16xf32>,
        %add3A_438 = arith.constant 416 : i32
        %add3A_439 = vector.broadcast %add3A_438 : i32 to vector<16xi32>
        %add3A_440 = arith.addi %iota3A, %add3A_439 : vector<16xi32>
        %get3A_441 = arith.constant 0 : i32
        %get3A_442 = arith.index_cast %get3A_441 : i32 to index
        %get3A_443 = arith.constant 416 : index
        %get3A_444 = tpu.vector_load %arg7[%get3A_442, %get3A_443] {strides = array<i32>} : memref<2x528xf32, #tpu.memory_space<vmem>>, vector<16xf32>,
        %gather3A_445 = tpu.vector_load_idx %arg8[%broadcast_in_dim3A, %add3A_440] : memref<32x528xf32, #tpu.memory_space<vmem>>[vector<16xi32>, vector<16xi32>], vector<16xf32>,
        %add3A_446 = arith.addf %get3A_444, %gather3A_445 : vector<16xf32>
        %mul3A_447 = arith.constant 5.000000e-01 : f32
        %mul3A_448 = vector.broadcast %mul3A_447 : f32 to vector<16xf32>
        %mul3A_449 = arith.mulf %mul3A_448, %add3A_446 : vector<16xf32>
        tpu.vector_store_idx %arg10[%broadcast_in_dim3A, %add3A_440], %mul3A_449 : memref<32x516xf32, #tpu.memory_space<vmem>>[vector<16xi32>, vector<16xi32>], vector<16xf32>,
        tpu.vector_store_idx %arg11[%broadcast_in_dim3A, %add3A_440], %mul3A_449 : memref<32x516xf32, #tpu.memory_space<vmem>>[vector<16xi32>, vector<16xi32>], vector<16xf32>,
        %add3A_450 = arith.constant 432 : i32
        %add3A_451 = vector.broadcast %add3A_450 : i32 to vector<16xi32>
        %add3A_452 = arith.addi %iota3A, %add3A_451 : vector<16xi32>
        %get3A_453 = arith.constant 0 : i32
        %get3A_454 = arith.index_cast %get3A_453 : i32 to index
        %get3A_455 = arith.constant 432 : index
        %get3A_456 = tpu.vector_load %arg7[%get3A_454, %get3A_455] {strides = array<i32>} : memref<2x528xf32, #tpu.memory_space<vmem>>, vector<16xf32>,
        %gather3A_457 = tpu.vector_load_idx %arg8[%broadcast_in_dim3A, %add3A_452] : memref<32x528xf32, #tpu.memory_space<vmem>>[vector<16xi32>, vector<16xi32>], vector<16xf32>,
        %add3A_458 = arith.addf %get3A_456, %gather3A_457 : vector<16xf32>
        %mul3A_459 = arith.constant 5.000000e-01 : f32
        %mul3A_460 = vector.broadcast %mul3A_459 : f32 to vector<16xf32>
        %mul3A_461 = arith.mulf %mul3A_460, %add3A_458 : vector<16xf32>
        tpu.vector_store_idx %arg10[%broadcast_in_dim3A, %add3A_452], %mul3A_461 : memref<32x516xf32, #tpu.memory_space<vmem>>[vector<16xi32>, vector<16xi32>], vector<16xf32>,
        tpu.vector_store_idx %arg11[%broadcast_in_dim3A, %add3A_452], %mul3A_461 : memref<32x516xf32, #tpu.memory_space<vmem>>[vector<16xi32>, vector<16xi32>], vector<16xf32>,
        %add3A_462 = arith.constant 448 : i32
        %add3A_463 = vector.broadcast %add3A_462 : i32 to vector<16xi32>
        %add3A_464 = arith.addi %iota3A, %add3A_463 : vector<16xi32>
        %get3A_465 = arith.constant 0 : i32
        %get3A_466 = arith.index_cast %get3A_465 : i32 to index
        %get3A_467 = arith.constant 448 : index
        %get3A_468 = tpu.vector_load %arg7[%get3A_466, %get3A_467] {strides = array<i32>} : memref<2x528xf32, #tpu.memory_space<vmem>>, vector<16xf32>,
        %gather3A_469 = tpu.vector_load_idx %arg8[%broadcast_in_dim3A, %add3A_464] : memref<32x528xf32, #tpu.memory_space<vmem>>[vector<16xi32>, vector<16xi32>], vector<16xf32>,
        %add3A_470 = arith.addf %get3A_468, %gather3A_469 : vector<16xf32>
        %mul3A_471 = arith.constant 5.000000e-01 : f32
        %mul3A_472 = vector.broadcast %mul3A_471 : f32 to vector<16xf32>
        %mul3A_473 = arith.mulf %mul3A_472, %add3A_470 : vector<16xf32>
        tpu.vector_store_idx %arg10[%broadcast_in_dim3A, %add3A_464], %mul3A_473 : memref<32x516xf32, #tpu.memory_space<vmem>>[vector<16xi32>, vector<16xi32>], vector<16xf32>,
        tpu.vector_store_idx %arg11[%broadcast_in_dim3A, %add3A_464], %mul3A_473 : memref<32x516xf32, #tpu.memory_space<vmem>>[vector<16xi32>, vector<16xi32>], vector<16xf32>,
        %add3A_474 = arith.constant 464 : i32
        %add3A_475 = vector.broadcast %add3A_474 : i32 to vector<16xi32>
        %add3A_476 = arith.addi %iota3A, %add3A_475 : vector<16xi32>
        %get3A_477 = arith.constant 0 : i32
        %get3A_478 = arith.index_cast %get3A_477 : i32 to index
        %get3A_479 = arith.constant 464 : index
        %get3A_480 = tpu.vector_load %arg7[%get3A_478, %get3A_479] {strides = array<i32>} : memref<2x528xf32, #tpu.memory_space<vmem>>, vector<16xf32>,
        %gather3A_481 = tpu.vector_load_idx %arg8[%broadcast_in_dim3A, %add3A_476] : memref<32x528xf32, #tpu.memory_space<vmem>>[vector<16xi32>, vector<16xi32>], vector<16xf32>,
        %add3A_482 = arith.addf %get3A_480, %gather3A_481 : vector<16xf32>
        %mul3A_483 = arith.constant 5.000000e-01 : f32
        %mul3A_484 = vector.broadcast %mul3A_483 : f32 to vector<16xf32>
        %mul3A_485 = arith.mulf %mul3A_484, %add3A_482 : vector<16xf32>
        tpu.vector_store_idx %arg10[%broadcast_in_dim3A, %add3A_476], %mul3A_485 : memref<32x516xf32, #tpu.memory_space<vmem>>[vector<16xi32>, vector<16xi32>], vector<16xf32>,
        tpu.vector_store_idx %arg11[%broadcast_in_dim3A, %add3A_476], %mul3A_485 : memref<32x516xf32, #tpu.memory_space<vmem>>[vector<16xi32>, vector<16xi32>], vector<16xf32>,
        %add3A_486 = arith.constant 480 : i32
        %add3A_487 = vector.broadcast %add3A_486 : i32 to vector<16xi32>
        %add3A_488 = arith.addi %iota3A, %add3A_487 : vector<16xi32>
        %get3A_489 = arith.constant 0 : i32
        %get3A_490 = arith.index_cast %get3A_489 : i32 to index
        %get3A_491 = arith.constant 480 : index
        %get3A_492 = tpu.vector_load %arg7[%get3A_490, %get3A_491] {strides = array<i32>} : memref<2x528xf32, #tpu.memory_space<vmem>>, vector<16xf32>,
        %gather3A_493 = tpu.vector_load_idx %arg8[%broadcast_in_dim3A, %add3A_488] : memref<32x528xf32, #tpu.memory_space<vmem>>[vector<16xi32>, vector<16xi32>], vector<16xf32>,
        %add3A_494 = arith.addf %get3A_492, %gather3A_493 : vector<16xf32>
        %mul3A_495 = arith.constant 5.000000e-01 : f32
        %mul3A_496 = vector.broadcast %mul3A_495 : f32 to vector<16xf32>
        %mul3A_497 = arith.mulf %mul3A_496, %add3A_494 : vector<16xf32>
        tpu.vector_store_idx %arg10[%broadcast_in_dim3A, %add3A_488], %mul3A_497 : memref<32x516xf32, #tpu.memory_space<vmem>>[vector<16xi32>, vector<16xi32>], vector<16xf32>,
        tpu.vector_store_idx %arg11[%broadcast_in_dim3A, %add3A_488], %mul3A_497 : memref<32x516xf32, #tpu.memory_space<vmem>>[vector<16xi32>, vector<16xi32>], vector<16xf32>,
        %add3A_498 = arith.constant 496 : i32
        %add3A_499 = vector.broadcast %add3A_498 : i32 to vector<16xi32>
        %add3A_500 = arith.addi %iota3A, %add3A_499 : vector<16xi32>
        %get3A_501 = arith.constant 0 : i32
        %get3A_502 = arith.index_cast %get3A_501 : i32 to index
        %get3A_503 = arith.constant 496 : index
        %get3A_504 = tpu.vector_load %arg7[%get3A_502, %get3A_503] {strides = array<i32>} : memref<2x528xf32, #tpu.memory_space<vmem>>, vector<16xf32>,
        %gather3A_505 = tpu.vector_load_idx %arg8[%broadcast_in_dim3A, %add3A_500] : memref<32x528xf32, #tpu.memory_space<vmem>>[vector<16xi32>, vector<16xi32>], vector<16xf32>,
        %add3A_506 = arith.addf %get3A_504, %gather3A_505 : vector<16xf32>
        %mul3A_507 = arith.constant 5.000000e-01 : f32
        %mul3A_508 = vector.broadcast %mul3A_507 : f32 to vector<16xf32>
        %mul3A_509 = arith.mulf %mul3A_508, %add3A_506 : vector<16xf32>
        tpu.vector_store_idx %arg10[%broadcast_in_dim3A, %add3A_500], %mul3A_509 : memref<32x516xf32, #tpu.memory_space<vmem>>[vector<16xi32>, vector<16xi32>], vector<16xf32>,
        tpu.vector_store_idx %arg11[%broadcast_in_dim3A, %add3A_500], %mul3A_509 : memref<32x516xf32, #tpu.memory_space<vmem>>[vector<16xi32>, vector<16xi32>], vector<16xf32>,
        %add3A_510 = arith.constant 500 : i32
        %add3A_511 = vector.broadcast %add3A_510 : i32 to vector<16xi32>
        %add3A_512 = arith.addi %iota3A, %add3A_511 : vector<16xi32>
        %get3A_513 = arith.constant 0 : i32
        %get3A_514 = arith.index_cast %get3A_513 : i32 to index
        %get3A_515 = arith.constant 500 : index
        %get3A_516 = tpu.vector_load %arg7[%get3A_514, %get3A_515] {strides = array<i32>} : memref<2x528xf32, #tpu.memory_space<vmem>>, vector<16xf32>,
        %gather3A_517 = tpu.vector_load_idx %arg8[%broadcast_in_dim3A, %add3A_512] : memref<32x528xf32, #tpu.memory_space<vmem>>[vector<16xi32>, vector<16xi32>], vector<16xf32>,
        %add3A_518 = arith.addf %get3A_516, %gather3A_517 : vector<16xf32>
        %mul3A_519 = arith.constant 5.000000e-01 : f32
        %mul3A_520 = vector.broadcast %mul3A_519 : f32 to vector<16xf32>
        %mul3A_521 = arith.mulf %mul3A_520, %add3A_518 : vector<16xf32>
        tpu.vector_store_idx %arg10[%broadcast_in_dim3A, %add3A_512], %mul3A_521 : memref<32x516xf32, #tpu.memory_space<vmem>>[vector<16xi32>, vector<16xi32>], vector<16xf32>,
        tpu.vector_store_idx %arg11[%broadcast_in_dim3A, %add3A_512], %mul3A_521 : memref<32x516xf32, #tpu.memory_space<vmem>>[vector<16xi32>, vector<16xi32>], vector<16xf32>,
        %scan3A_522 = arith.constant 0 : i32
        scf.yield %scan3A_522 : i32
      }
      %scan3A_78 = arith.constant 32 : i32
      %mul3A_79 = arith.constant 32 : i32
      %mul3A_80 = arith.muli %add3A_48, %mul3A_79 : i32
      %dma_start3A_81 = arith.constant 0 : i32
      %dma_start3A_82 = tpu.memref_slice %arg5[%mul3A_80, %dma_start3A_81] : memref<262144x516xf32, #tpu.memory_space<hbm>> -> memref<32x516xf32, #tpu.memory_space<hbm>>
      %dma_start3A_83 = arith.constant 0 : i32
      %dma_start3A_84 = tpu.memref_slice %arg5[%mul3A_80, %dma_start3A_83] : memref<262144x516xf32, #tpu.memory_space<hbm>> -> memref<32x516xf32, #tpu.memory_space<hbm>>
      tpu.enqueue_dma source(%arg10 : memref<32x516xf32, #tpu.memory_space<vmem>>) target(%dma_start3A_84 : memref<32x516xf32, #tpu.memory_space<hbm>>) target_semaphore(%arg16 : memref<!tpu.dma_semaphore, #tpu.memory_space<semaphore_mem>>)
      %mul3A_85 = arith.constant 32 : i32
      %mul3A_86 = arith.muli %add3A_48, %mul3A_85 : i32
      %add3A_87 = arith.constant 131072 : i32
      %add3A_88 = arith.addi %add3A_87, %mul3A_86 : i32
      %dma_start3A_89 = arith.constant 0 : i32
      %dma_start3A_90 = tpu.memref_slice %arg5[%add3A_88, %dma_start3A_89] : memref<262144x516xf32, #tpu.memory_space<hbm>> -> memref<32x516xf32, #tpu.memory_space<hbm>>
      %dma_start3A_91 = arith.constant 0 : i32
      %dma_start3A_92 = tpu.memref_slice %arg5[%add3A_88, %dma_start3A_91] : memref<262144x516xf32, #tpu.memory_space<hbm>> -> memref<32x516xf32, #tpu.memory_space<hbm>>
      tpu.enqueue_dma source(%arg11 : memref<32x516xf32, #tpu.memory_space<vmem>>) target(%dma_start3A_92 : memref<32x516xf32, #tpu.memory_space<hbm>>) target_semaphore(%arg16 : memref<!tpu.dma_semaphore, #tpu.memory_space<semaphore_mem>>)
      %dma_wait3A_93 = tpu.memref_slice %arg6[%mul3A_61] : memref<4096xi32, #tpu.memory_space<vmem>> -> memref<32xi32, #tpu.memory_space<vmem>>
      %dma_wait3A_94 = arith.constant 0 : i32
      %dma_wait3A_95 = arith.constant 0 : i32
      %dma_wait3A_96 = tpu.memref_slice %arg4[%dma_wait3A_94, %dma_wait3A_95] : memref<16384x528xf32, #tpu.memory_space<hbm>> -> memref<16384x528xf32, #tpu.memory_space<hbm>>
      tpu.wait_indirect_dma semaphore(%arg15 : memref<!tpu.dma_semaphore, #tpu.memory_space<semaphore_mem>>) src(%dma_wait3A_96 : memref<16384x528xf32, #tpu.memory_space<hbm>>) dst(%arg9 : memref<32x528xf32, #tpu.memory_space<vmem>>)
      %scan3A_97 = arith.constant 0 : i32
      %scan3A_98 = arith.constant 0 : i32
      %scan3A_99 = arith.constant 32 : i32
      %scan3A_100 = arith.addi %scan3A_98, %scan3A_99 : i32
      %scan3A_101 = arith.constant 1 : i32
      %scan3A_102 = scf.for %scan3A_123 = %scan3A_98 to %scan3A_100 step %scan3A_101 iter_args(%scan3A_124 = %scan3A_97) -> (i32)  : i32 {
        %broadcast_in_dim3A = vector.broadcast %scan3A_123 : i32 to vector<16xi32>
        %add3A_125 = arith.constant 0 : i32
        %add3A_126 = vector.broadcast %add3A_125 : i32 to vector<16xi32>
        %add3A_127 = arith.addi %iota3A, %add3A_126 : vector<16xi32>
        %get3A = arith.constant 1 : i32
        %get3A_128 = arith.index_cast %get3A : i32 to index
        %get3A_129 = arith.constant 0 : index
        %get3A_130 = tpu.vector_load %arg7[%get3A_128, %get3A_129] {strides = array<i32>} : memref<2x528xf32, #tpu.memory_space<vmem>>, vector<16xf32>,
        %gather3A = tpu.vector_load_idx %arg9[%broadcast_in_dim3A, %add3A_127] : memref<32x528xf32, #tpu.memory_space<vmem>>[vector<16xi32>, vector<16xi32>], vector<16xf32>,
        %add3A_131 = arith.addf %get3A_130, %gather3A : vector<16xf32>
        %mul3A_132 = arith.constant 5.000000e-01 : f32
        %mul3A_133 = vector.broadcast %mul3A_132 : f32 to vector<16xf32>
        %mul3A_134 = arith.mulf %mul3A_133, %add3A_131 : vector<16xf32>
        %sub3A = arith.subf %get3A_130, %gather3A : vector<16xf32>
        %select_n3A = arith.select %lt3A_4, %sub3A, %mul3A_134 : vector<16xi1>, vector<16xf32>
        %neg3A = arith.constant 0.000000e+00 : f32
        %neg3A_135 = vector.broadcast %neg3A : f32 to vector<16xf32>
        %neg3A_136 = arith.subf %neg3A_135, %sub3A : vector<16xf32>
        %select_n3A_137 = arith.select %lt3A_4, %neg3A_136, %mul3A_134 : vector<16xi1>, vector<16xf32>
        tpu.vector_store_idx %arg12[%broadcast_in_dim3A, %add3A_127], %select_n3A : memref<32x516xf32, #tpu.memory_space<vmem>>[vector<16xi32>, vector<16xi32>], vector<16xf32>,
        tpu.vector_store_idx %arg13[%broadcast_in_dim3A, %add3A_127], %select_n3A_137 : memref<32x516xf32, #tpu.memory_space<vmem>>[vector<16xi32>, vector<16xi32>], vector<16xf32>,
        %add3A_138 = arith.constant 16 : i32
        %add3A_139 = vector.broadcast %add3A_138 : i32 to vector<16xi32>
        %add3A_140 = arith.addi %iota3A, %add3A_139 : vector<16xi32>
        %get3A_141 = arith.constant 1 : i32
        %get3A_142 = arith.index_cast %get3A_141 : i32 to index
        %get3A_143 = arith.constant 16 : index
        %get3A_144 = tpu.vector_load %arg7[%get3A_142, %get3A_143] {strides = array<i32>} : memref<2x528xf32, #tpu.memory_space<vmem>>, vector<16xf32>,
        %gather3A_145 = tpu.vector_load_idx %arg9[%broadcast_in_dim3A, %add3A_140] : memref<32x528xf32, #tpu.memory_space<vmem>>[vector<16xi32>, vector<16xi32>], vector<16xf32>,
        %add3A_146 = arith.addf %get3A_144, %gather3A_145 : vector<16xf32>
        %mul3A_147 = arith.constant 5.000000e-01 : f32
        %mul3A_148 = vector.broadcast %mul3A_147 : f32 to vector<16xf32>
        %mul3A_149 = arith.mulf %mul3A_148, %add3A_146 : vector<16xf32>
        tpu.vector_store_idx %arg12[%broadcast_in_dim3A, %add3A_140], %mul3A_149 : memref<32x516xf32, #tpu.memory_space<vmem>>[vector<16xi32>, vector<16xi32>], vector<16xf32>,
        tpu.vector_store_idx %arg13[%broadcast_in_dim3A, %add3A_140], %mul3A_149 : memref<32x516xf32, #tpu.memory_space<vmem>>[vector<16xi32>, vector<16xi32>], vector<16xf32>,
        %add3A_150 = arith.constant 32 : i32
        %add3A_151 = vector.broadcast %add3A_150 : i32 to vector<16xi32>
        %add3A_152 = arith.addi %iota3A, %add3A_151 : vector<16xi32>
        %get3A_153 = arith.constant 1 : i32
        %get3A_154 = arith.index_cast %get3A_153 : i32 to index
        %get3A_155 = arith.constant 32 : index
        %get3A_156 = tpu.vector_load %arg7[%get3A_154, %get3A_155] {strides = array<i32>} : memref<2x528xf32, #tpu.memory_space<vmem>>, vector<16xf32>,
        %gather3A_157 = tpu.vector_load_idx %arg9[%broadcast_in_dim3A, %add3A_152] : memref<32x528xf32, #tpu.memory_space<vmem>>[vector<16xi32>, vector<16xi32>], vector<16xf32>,
        %add3A_158 = arith.addf %get3A_156, %gather3A_157 : vector<16xf32>
        %mul3A_159 = arith.constant 5.000000e-01 : f32
        %mul3A_160 = vector.broadcast %mul3A_159 : f32 to vector<16xf32>
        %mul3A_161 = arith.mulf %mul3A_160, %add3A_158 : vector<16xf32>
        tpu.vector_store_idx %arg12[%broadcast_in_dim3A, %add3A_152], %mul3A_161 : memref<32x516xf32, #tpu.memory_space<vmem>>[vector<16xi32>, vector<16xi32>], vector<16xf32>,
        tpu.vector_store_idx %arg13[%broadcast_in_dim3A, %add3A_152], %mul3A_161 : memref<32x516xf32, #tpu.memory_space<vmem>>[vector<16xi32>, vector<16xi32>], vector<16xf32>,
        %add3A_162 = arith.constant 48 : i32
        %add3A_163 = vector.broadcast %add3A_162 : i32 to vector<16xi32>
        %add3A_164 = arith.addi %iota3A, %add3A_163 : vector<16xi32>
        %get3A_165 = arith.constant 1 : i32
        %get3A_166 = arith.index_cast %get3A_165 : i32 to index
        %get3A_167 = arith.constant 48 : index
        %get3A_168 = tpu.vector_load %arg7[%get3A_166, %get3A_167] {strides = array<i32>} : memref<2x528xf32, #tpu.memory_space<vmem>>, vector<16xf32>,
        %gather3A_169 = tpu.vector_load_idx %arg9[%broadcast_in_dim3A, %add3A_164] : memref<32x528xf32, #tpu.memory_space<vmem>>[vector<16xi32>, vector<16xi32>], vector<16xf32>,
        %add3A_170 = arith.addf %get3A_168, %gather3A_169 : vector<16xf32>
        %mul3A_171 = arith.constant 5.000000e-01 : f32
        %mul3A_172 = vector.broadcast %mul3A_171 : f32 to vector<16xf32>
        %mul3A_173 = arith.mulf %mul3A_172, %add3A_170 : vector<16xf32>
        tpu.vector_store_idx %arg12[%broadcast_in_dim3A, %add3A_164], %mul3A_173 : memref<32x516xf32, #tpu.memory_space<vmem>>[vector<16xi32>, vector<16xi32>], vector<16xf32>,
        tpu.vector_store_idx %arg13[%broadcast_in_dim3A, %add3A_164], %mul3A_173 : memref<32x516xf32, #tpu.memory_space<vmem>>[vector<16xi32>, vector<16xi32>], vector<16xf32>,
        %add3A_174 = arith.constant 64 : i32
        %add3A_175 = vector.broadcast %add3A_174 : i32 to vector<16xi32>
        %add3A_176 = arith.addi %iota3A, %add3A_175 : vector<16xi32>
        %get3A_177 = arith.constant 1 : i32
        %get3A_178 = arith.index_cast %get3A_177 : i32 to index
        %get3A_179 = arith.constant 64 : index
        %get3A_180 = tpu.vector_load %arg7[%get3A_178, %get3A_179] {strides = array<i32>} : memref<2x528xf32, #tpu.memory_space<vmem>>, vector<16xf32>,
        %gather3A_181 = tpu.vector_load_idx %arg9[%broadcast_in_dim3A, %add3A_176] : memref<32x528xf32, #tpu.memory_space<vmem>>[vector<16xi32>, vector<16xi32>], vector<16xf32>,
        %add3A_182 = arith.addf %get3A_180, %gather3A_181 : vector<16xf32>
        %mul3A_183 = arith.constant 5.000000e-01 : f32
        %mul3A_184 = vector.broadcast %mul3A_183 : f32 to vector<16xf32>
        %mul3A_185 = arith.mulf %mul3A_184, %add3A_182 : vector<16xf32>
        tpu.vector_store_idx %arg12[%broadcast_in_dim3A, %add3A_176], %mul3A_185 : memref<32x516xf32, #tpu.memory_space<vmem>>[vector<16xi32>, vector<16xi32>], vector<16xf32>,
        tpu.vector_store_idx %arg13[%broadcast_in_dim3A, %add3A_176], %mul3A_185 : memref<32x516xf32, #tpu.memory_space<vmem>>[vector<16xi32>, vector<16xi32>], vector<16xf32>,
        %add3A_186 = arith.constant 80 : i32
        %add3A_187 = vector.broadcast %add3A_186 : i32 to vector<16xi32>
        %add3A_188 = arith.addi %iota3A, %add3A_187 : vector<16xi32>
        %get3A_189 = arith.constant 1 : i32
        %get3A_190 = arith.index_cast %get3A_189 : i32 to index
        %get3A_191 = arith.constant 80 : index
        %get3A_192 = tpu.vector_load %arg7[%get3A_190, %get3A_191] {strides = array<i32>} : memref<2x528xf32, #tpu.memory_space<vmem>>, vector<16xf32>,
        %gather3A_193 = tpu.vector_load_idx %arg9[%broadcast_in_dim3A, %add3A_188] : memref<32x528xf32, #tpu.memory_space<vmem>>[vector<16xi32>, vector<16xi32>], vector<16xf32>,
        %add3A_194 = arith.addf %get3A_192, %gather3A_193 : vector<16xf32>
        %mul3A_195 = arith.constant 5.000000e-01 : f32
        %mul3A_196 = vector.broadcast %mul3A_195 : f32 to vector<16xf32>
        %mul3A_197 = arith.mulf %mul3A_196, %add3A_194 : vector<16xf32>
        tpu.vector_store_idx %arg12[%broadcast_in_dim3A, %add3A_188], %mul3A_197 : memref<32x516xf32, #tpu.memory_space<vmem>>[vector<16xi32>, vector<16xi32>], vector<16xf32>,
        tpu.vector_store_idx %arg13[%broadcast_in_dim3A, %add3A_188], %mul3A_197 : memref<32x516xf32, #tpu.memory_space<vmem>>[vector<16xi32>, vector<16xi32>], vector<16xf32>,
        %add3A_198 = arith.constant 96 : i32
        %add3A_199 = vector.broadcast %add3A_198 : i32 to vector<16xi32>
        %add3A_200 = arith.addi %iota3A, %add3A_199 : vector<16xi32>
        %get3A_201 = arith.constant 1 : i32
        %get3A_202 = arith.index_cast %get3A_201 : i32 to index
        %get3A_203 = arith.constant 96 : index
        %get3A_204 = tpu.vector_load %arg7[%get3A_202, %get3A_203] {strides = array<i32>} : memref<2x528xf32, #tpu.memory_space<vmem>>, vector<16xf32>,
        %gather3A_205 = tpu.vector_load_idx %arg9[%broadcast_in_dim3A, %add3A_200] : memref<32x528xf32, #tpu.memory_space<vmem>>[vector<16xi32>, vector<16xi32>], vector<16xf32>,
        %add3A_206 = arith.addf %get3A_204, %gather3A_205 : vector<16xf32>
        %mul3A_207 = arith.constant 5.000000e-01 : f32
        %mul3A_208 = vector.broadcast %mul3A_207 : f32 to vector<16xf32>
        %mul3A_209 = arith.mulf %mul3A_208, %add3A_206 : vector<16xf32>
        tpu.vector_store_idx %arg12[%broadcast_in_dim3A, %add3A_200], %mul3A_209 : memref<32x516xf32, #tpu.memory_space<vmem>>[vector<16xi32>, vector<16xi32>], vector<16xf32>,
        tpu.vector_store_idx %arg13[%broadcast_in_dim3A, %add3A_200], %mul3A_209 : memref<32x516xf32, #tpu.memory_space<vmem>>[vector<16xi32>, vector<16xi32>], vector<16xf32>,
        %add3A_210 = arith.constant 112 : i32
        %add3A_211 = vector.broadcast %add3A_210 : i32 to vector<16xi32>
        %add3A_212 = arith.addi %iota3A, %add3A_211 : vector<16xi32>
        %get3A_213 = arith.constant 1 : i32
        %get3A_214 = arith.index_cast %get3A_213 : i32 to index
        %get3A_215 = arith.constant 112 : index
        %get3A_216 = tpu.vector_load %arg7[%get3A_214, %get3A_215] {strides = array<i32>} : memref<2x528xf32, #tpu.memory_space<vmem>>, vector<16xf32>,
        %gather3A_217 = tpu.vector_load_idx %arg9[%broadcast_in_dim3A, %add3A_212] : memref<32x528xf32, #tpu.memory_space<vmem>>[vector<16xi32>, vector<16xi32>], vector<16xf32>,
        %add3A_218 = arith.addf %get3A_216, %gather3A_217 : vector<16xf32>
        %mul3A_219 = arith.constant 5.000000e-01 : f32
        %mul3A_220 = vector.broadcast %mul3A_219 : f32 to vector<16xf32>
        %mul3A_221 = arith.mulf %mul3A_220, %add3A_218 : vector<16xf32>
        tpu.vector_store_idx %arg12[%broadcast_in_dim3A, %add3A_212], %mul3A_221 : memref<32x516xf32, #tpu.memory_space<vmem>>[vector<16xi32>, vector<16xi32>], vector<16xf32>,
        tpu.vector_store_idx %arg13[%broadcast_in_dim3A, %add3A_212], %mul3A_221 : memref<32x516xf32, #tpu.memory_space<vmem>>[vector<16xi32>, vector<16xi32>], vector<16xf32>,
        %add3A_222 = arith.constant 128 : i32
        %add3A_223 = vector.broadcast %add3A_222 : i32 to vector<16xi32>
        %add3A_224 = arith.addi %iota3A, %add3A_223 : vector<16xi32>
        %get3A_225 = arith.constant 1 : i32
        %get3A_226 = arith.index_cast %get3A_225 : i32 to index
        %get3A_227 = arith.constant 128 : index
        %get3A_228 = tpu.vector_load %arg7[%get3A_226, %get3A_227] {strides = array<i32>} : memref<2x528xf32, #tpu.memory_space<vmem>>, vector<16xf32>,
        %gather3A_229 = tpu.vector_load_idx %arg9[%broadcast_in_dim3A, %add3A_224] : memref<32x528xf32, #tpu.memory_space<vmem>>[vector<16xi32>, vector<16xi32>], vector<16xf32>,
        %add3A_230 = arith.addf %get3A_228, %gather3A_229 : vector<16xf32>
        %mul3A_231 = arith.constant 5.000000e-01 : f32
        %mul3A_232 = vector.broadcast %mul3A_231 : f32 to vector<16xf32>
        %mul3A_233 = arith.mulf %mul3A_232, %add3A_230 : vector<16xf32>
        tpu.vector_store_idx %arg12[%broadcast_in_dim3A, %add3A_224], %mul3A_233 : memref<32x516xf32, #tpu.memory_space<vmem>>[vector<16xi32>, vector<16xi32>], vector<16xf32>,
        tpu.vector_store_idx %arg13[%broadcast_in_dim3A, %add3A_224], %mul3A_233 : memref<32x516xf32, #tpu.memory_space<vmem>>[vector<16xi32>, vector<16xi32>], vector<16xf32>,
        %add3A_234 = arith.constant 144 : i32
        %add3A_235 = vector.broadcast %add3A_234 : i32 to vector<16xi32>
        %add3A_236 = arith.addi %iota3A, %add3A_235 : vector<16xi32>
        %get3A_237 = arith.constant 1 : i32
        %get3A_238 = arith.index_cast %get3A_237 : i32 to index
        %get3A_239 = arith.constant 144 : index
        %get3A_240 = tpu.vector_load %arg7[%get3A_238, %get3A_239] {strides = array<i32>} : memref<2x528xf32, #tpu.memory_space<vmem>>, vector<16xf32>,
        %gather3A_241 = tpu.vector_load_idx %arg9[%broadcast_in_dim3A, %add3A_236] : memref<32x528xf32, #tpu.memory_space<vmem>>[vector<16xi32>, vector<16xi32>], vector<16xf32>,
        %add3A_242 = arith.addf %get3A_240, %gather3A_241 : vector<16xf32>
        %mul3A_243 = arith.constant 5.000000e-01 : f32
        %mul3A_244 = vector.broadcast %mul3A_243 : f32 to vector<16xf32>
        %mul3A_245 = arith.mulf %mul3A_244, %add3A_242 : vector<16xf32>
        tpu.vector_store_idx %arg12[%broadcast_in_dim3A, %add3A_236], %mul3A_245 : memref<32x516xf32, #tpu.memory_space<vmem>>[vector<16xi32>, vector<16xi32>], vector<16xf32>,
        tpu.vector_store_idx %arg13[%broadcast_in_dim3A, %add3A_236], %mul3A_245 : memref<32x516xf32, #tpu.memory_space<vmem>>[vector<16xi32>, vector<16xi32>], vector<16xf32>,
        %add3A_246 = arith.constant 160 : i32
        %add3A_247 = vector.broadcast %add3A_246 : i32 to vector<16xi32>
        %add3A_248 = arith.addi %iota3A, %add3A_247 : vector<16xi32>
        %get3A_249 = arith.constant 1 : i32
        %get3A_250 = arith.index_cast %get3A_249 : i32 to index
        %get3A_251 = arith.constant 160 : index
        %get3A_252 = tpu.vector_load %arg7[%get3A_250, %get3A_251] {strides = array<i32>} : memref<2x528xf32, #tpu.memory_space<vmem>>, vector<16xf32>,
        %gather3A_253 = tpu.vector_load_idx %arg9[%broadcast_in_dim3A, %add3A_248] : memref<32x528xf32, #tpu.memory_space<vmem>>[vector<16xi32>, vector<16xi32>], vector<16xf32>,
        %add3A_254 = arith.addf %get3A_252, %gather3A_253 : vector<16xf32>
        %mul3A_255 = arith.constant 5.000000e-01 : f32
        %mul3A_256 = vector.broadcast %mul3A_255 : f32 to vector<16xf32>
        %mul3A_257 = arith.mulf %mul3A_256, %add3A_254 : vector<16xf32>
        tpu.vector_store_idx %arg12[%broadcast_in_dim3A, %add3A_248], %mul3A_257 : memref<32x516xf32, #tpu.memory_space<vmem>>[vector<16xi32>, vector<16xi32>], vector<16xf32>,
        tpu.vector_store_idx %arg13[%broadcast_in_dim3A, %add3A_248], %mul3A_257 : memref<32x516xf32, #tpu.memory_space<vmem>>[vector<16xi32>, vector<16xi32>], vector<16xf32>,
        %add3A_258 = arith.constant 176 : i32
        %add3A_259 = vector.broadcast %add3A_258 : i32 to vector<16xi32>
        %add3A_260 = arith.addi %iota3A, %add3A_259 : vector<16xi32>
        %get3A_261 = arith.constant 1 : i32
        %get3A_262 = arith.index_cast %get3A_261 : i32 to index
        %get3A_263 = arith.constant 176 : index
        %get3A_264 = tpu.vector_load %arg7[%get3A_262, %get3A_263] {strides = array<i32>} : memref<2x528xf32, #tpu.memory_space<vmem>>, vector<16xf32>,
        %gather3A_265 = tpu.vector_load_idx %arg9[%broadcast_in_dim3A, %add3A_260] : memref<32x528xf32, #tpu.memory_space<vmem>>[vector<16xi32>, vector<16xi32>], vector<16xf32>,
        %add3A_266 = arith.addf %get3A_264, %gather3A_265 : vector<16xf32>
        %mul3A_267 = arith.constant 5.000000e-01 : f32
        %mul3A_268 = vector.broadcast %mul3A_267 : f32 to vector<16xf32>
        %mul3A_269 = arith.mulf %mul3A_268, %add3A_266 : vector<16xf32>
        tpu.vector_store_idx %arg12[%broadcast_in_dim3A, %add3A_260], %mul3A_269 : memref<32x516xf32, #tpu.memory_space<vmem>>[vector<16xi32>, vector<16xi32>], vector<16xf32>,
        tpu.vector_store_idx %arg13[%broadcast_in_dim3A, %add3A_260], %mul3A_269 : memref<32x516xf32, #tpu.memory_space<vmem>>[vector<16xi32>, vector<16xi32>], vector<16xf32>,
        %add3A_270 = arith.constant 192 : i32
        %add3A_271 = vector.broadcast %add3A_270 : i32 to vector<16xi32>
        %add3A_272 = arith.addi %iota3A, %add3A_271 : vector<16xi32>
        %get3A_273 = arith.constant 1 : i32
        %get3A_274 = arith.index_cast %get3A_273 : i32 to index
        %get3A_275 = arith.constant 192 : index
        %get3A_276 = tpu.vector_load %arg7[%get3A_274, %get3A_275] {strides = array<i32>} : memref<2x528xf32, #tpu.memory_space<vmem>>, vector<16xf32>,
        %gather3A_277 = tpu.vector_load_idx %arg9[%broadcast_in_dim3A, %add3A_272] : memref<32x528xf32, #tpu.memory_space<vmem>>[vector<16xi32>, vector<16xi32>], vector<16xf32>,
        %add3A_278 = arith.addf %get3A_276, %gather3A_277 : vector<16xf32>
        %mul3A_279 = arith.constant 5.000000e-01 : f32
        %mul3A_280 = vector.broadcast %mul3A_279 : f32 to vector<16xf32>
        %mul3A_281 = arith.mulf %mul3A_280, %add3A_278 : vector<16xf32>
        tpu.vector_store_idx %arg12[%broadcast_in_dim3A, %add3A_272], %mul3A_281 : memref<32x516xf32, #tpu.memory_space<vmem>>[vector<16xi32>, vector<16xi32>], vector<16xf32>,
        tpu.vector_store_idx %arg13[%broadcast_in_dim3A, %add3A_272], %mul3A_281 : memref<32x516xf32, #tpu.memory_space<vmem>>[vector<16xi32>, vector<16xi32>], vector<16xf32>,
        %add3A_282 = arith.constant 208 : i32
        %add3A_283 = vector.broadcast %add3A_282 : i32 to vector<16xi32>
        %add3A_284 = arith.addi %iota3A, %add3A_283 : vector<16xi32>
        %get3A_285 = arith.constant 1 : i32
        %get3A_286 = arith.index_cast %get3A_285 : i32 to index
        %get3A_287 = arith.constant 208 : index
        %get3A_288 = tpu.vector_load %arg7[%get3A_286, %get3A_287] {strides = array<i32>} : memref<2x528xf32, #tpu.memory_space<vmem>>, vector<16xf32>,
        %gather3A_289 = tpu.vector_load_idx %arg9[%broadcast_in_dim3A, %add3A_284] : memref<32x528xf32, #tpu.memory_space<vmem>>[vector<16xi32>, vector<16xi32>], vector<16xf32>,
        %add3A_290 = arith.addf %get3A_288, %gather3A_289 : vector<16xf32>
        %mul3A_291 = arith.constant 5.000000e-01 : f32
        %mul3A_292 = vector.broadcast %mul3A_291 : f32 to vector<16xf32>
        %mul3A_293 = arith.mulf %mul3A_292, %add3A_290 : vector<16xf32>
        tpu.vector_store_idx %arg12[%broadcast_in_dim3A, %add3A_284], %mul3A_293 : memref<32x516xf32, #tpu.memory_space<vmem>>[vector<16xi32>, vector<16xi32>], vector<16xf32>,
        tpu.vector_store_idx %arg13[%broadcast_in_dim3A, %add3A_284], %mul3A_293 : memref<32x516xf32, #tpu.memory_space<vmem>>[vector<16xi32>, vector<16xi32>], vector<16xf32>,
        %add3A_294 = arith.constant 224 : i32
        %add3A_295 = vector.broadcast %add3A_294 : i32 to vector<16xi32>
        %add3A_296 = arith.addi %iota3A, %add3A_295 : vector<16xi32>
        %get3A_297 = arith.constant 1 : i32
        %get3A_298 = arith.index_cast %get3A_297 : i32 to index
        %get3A_299 = arith.constant 224 : index
        %get3A_300 = tpu.vector_load %arg7[%get3A_298, %get3A_299] {strides = array<i32>} : memref<2x528xf32, #tpu.memory_space<vmem>>, vector<16xf32>,
        %gather3A_301 = tpu.vector_load_idx %arg9[%broadcast_in_dim3A, %add3A_296] : memref<32x528xf32, #tpu.memory_space<vmem>>[vector<16xi32>, vector<16xi32>], vector<16xf32>,
        %add3A_302 = arith.addf %get3A_300, %gather3A_301 : vector<16xf32>
        %mul3A_303 = arith.constant 5.000000e-01 : f32
        %mul3A_304 = vector.broadcast %mul3A_303 : f32 to vector<16xf32>
        %mul3A_305 = arith.mulf %mul3A_304, %add3A_302 : vector<16xf32>
        tpu.vector_store_idx %arg12[%broadcast_in_dim3A, %add3A_296], %mul3A_305 : memref<32x516xf32, #tpu.memory_space<vmem>>[vector<16xi32>, vector<16xi32>], vector<16xf32>,
        tpu.vector_store_idx %arg13[%broadcast_in_dim3A, %add3A_296], %mul3A_305 : memref<32x516xf32, #tpu.memory_space<vmem>>[vector<16xi32>, vector<16xi32>], vector<16xf32>,
        %add3A_306 = arith.constant 240 : i32
        %add3A_307 = vector.broadcast %add3A_306 : i32 to vector<16xi32>
        %add3A_308 = arith.addi %iota3A, %add3A_307 : vector<16xi32>
        %get3A_309 = arith.constant 1 : i32
        %get3A_310 = arith.index_cast %get3A_309 : i32 to index
        %get3A_311 = arith.constant 240 : index
        %get3A_312 = tpu.vector_load %arg7[%get3A_310, %get3A_311] {strides = array<i32>} : memref<2x528xf32, #tpu.memory_space<vmem>>, vector<16xf32>,
        %gather3A_313 = tpu.vector_load_idx %arg9[%broadcast_in_dim3A, %add3A_308] : memref<32x528xf32, #tpu.memory_space<vmem>>[vector<16xi32>, vector<16xi32>], vector<16xf32>,
        %add3A_314 = arith.addf %get3A_312, %gather3A_313 : vector<16xf32>
        %mul3A_315 = arith.constant 5.000000e-01 : f32
        %mul3A_316 = vector.broadcast %mul3A_315 : f32 to vector<16xf32>
        %mul3A_317 = arith.mulf %mul3A_316, %add3A_314 : vector<16xf32>
        tpu.vector_store_idx %arg12[%broadcast_in_dim3A, %add3A_308], %mul3A_317 : memref<32x516xf32, #tpu.memory_space<vmem>>[vector<16xi32>, vector<16xi32>], vector<16xf32>,
        tpu.vector_store_idx %arg13[%broadcast_in_dim3A, %add3A_308], %mul3A_317 : memref<32x516xf32, #tpu.memory_space<vmem>>[vector<16xi32>, vector<16xi32>], vector<16xf32>,
        %add3A_318 = arith.constant 256 : i32
        %add3A_319 = vector.broadcast %add3A_318 : i32 to vector<16xi32>
        %add3A_320 = arith.addi %iota3A, %add3A_319 : vector<16xi32>
        %get3A_321 = arith.constant 1 : i32
        %get3A_322 = arith.index_cast %get3A_321 : i32 to index
        %get3A_323 = arith.constant 256 : index
        %get3A_324 = tpu.vector_load %arg7[%get3A_322, %get3A_323] {strides = array<i32>} : memref<2x528xf32, #tpu.memory_space<vmem>>, vector<16xf32>,
        %gather3A_325 = tpu.vector_load_idx %arg9[%broadcast_in_dim3A, %add3A_320] : memref<32x528xf32, #tpu.memory_space<vmem>>[vector<16xi32>, vector<16xi32>], vector<16xf32>,
        %add3A_326 = arith.addf %get3A_324, %gather3A_325 : vector<16xf32>
        %mul3A_327 = arith.constant 5.000000e-01 : f32
        %mul3A_328 = vector.broadcast %mul3A_327 : f32 to vector<16xf32>
        %mul3A_329 = arith.mulf %mul3A_328, %add3A_326 : vector<16xf32>
        tpu.vector_store_idx %arg12[%broadcast_in_dim3A, %add3A_320], %mul3A_329 : memref<32x516xf32, #tpu.memory_space<vmem>>[vector<16xi32>, vector<16xi32>], vector<16xf32>,
        tpu.vector_store_idx %arg13[%broadcast_in_dim3A, %add3A_320], %mul3A_329 : memref<32x516xf32, #tpu.memory_space<vmem>>[vector<16xi32>, vector<16xi32>], vector<16xf32>,
        %add3A_330 = arith.constant 272 : i32
        %add3A_331 = vector.broadcast %add3A_330 : i32 to vector<16xi32>
        %add3A_332 = arith.addi %iota3A, %add3A_331 : vector<16xi32>
        %get3A_333 = arith.constant 1 : i32
        %get3A_334 = arith.index_cast %get3A_333 : i32 to index
        %get3A_335 = arith.constant 272 : index
        %get3A_336 = tpu.vector_load %arg7[%get3A_334, %get3A_335] {strides = array<i32>} : memref<2x528xf32, #tpu.memory_space<vmem>>, vector<16xf32>,
        %gather3A_337 = tpu.vector_load_idx %arg9[%broadcast_in_dim3A, %add3A_332] : memref<32x528xf32, #tpu.memory_space<vmem>>[vector<16xi32>, vector<16xi32>], vector<16xf32>,
        %add3A_338 = arith.addf %get3A_336, %gather3A_337 : vector<16xf32>
        %mul3A_339 = arith.constant 5.000000e-01 : f32
        %mul3A_340 = vector.broadcast %mul3A_339 : f32 to vector<16xf32>
        %mul3A_341 = arith.mulf %mul3A_340, %add3A_338 : vector<16xf32>
        tpu.vector_store_idx %arg12[%broadcast_in_dim3A, %add3A_332], %mul3A_341 : memref<32x516xf32, #tpu.memory_space<vmem>>[vector<16xi32>, vector<16xi32>], vector<16xf32>,
        tpu.vector_store_idx %arg13[%broadcast_in_dim3A, %add3A_332], %mul3A_341 : memref<32x516xf32, #tpu.memory_space<vmem>>[vector<16xi32>, vector<16xi32>], vector<16xf32>,
        %add3A_342 = arith.constant 288 : i32
        %add3A_343 = vector.broadcast %add3A_342 : i32 to vector<16xi32>
        %add3A_344 = arith.addi %iota3A, %add3A_343 : vector<16xi32>
        %get3A_345 = arith.constant 1 : i32
        %get3A_346 = arith.index_cast %get3A_345 : i32 to index
        %get3A_347 = arith.constant 288 : index
        %get3A_348 = tpu.vector_load %arg7[%get3A_346, %get3A_347] {strides = array<i32>} : memref<2x528xf32, #tpu.memory_space<vmem>>, vector<16xf32>,
        %gather3A_349 = tpu.vector_load_idx %arg9[%broadcast_in_dim3A, %add3A_344] : memref<32x528xf32, #tpu.memory_space<vmem>>[vector<16xi32>, vector<16xi32>], vector<16xf32>,
        %add3A_350 = arith.addf %get3A_348, %gather3A_349 : vector<16xf32>
        %mul3A_351 = arith.constant 5.000000e-01 : f32
        %mul3A_352 = vector.broadcast %mul3A_351 : f32 to vector<16xf32>
        %mul3A_353 = arith.mulf %mul3A_352, %add3A_350 : vector<16xf32>
        tpu.vector_store_idx %arg12[%broadcast_in_dim3A, %add3A_344], %mul3A_353 : memref<32x516xf32, #tpu.memory_space<vmem>>[vector<16xi32>, vector<16xi32>], vector<16xf32>,
        tpu.vector_store_idx %arg13[%broadcast_in_dim3A, %add3A_344], %mul3A_353 : memref<32x516xf32, #tpu.memory_space<vmem>>[vector<16xi32>, vector<16xi32>], vector<16xf32>,
        %add3A_354 = arith.constant 304 : i32
        %add3A_355 = vector.broadcast %add3A_354 : i32 to vector<16xi32>
        %add3A_356 = arith.addi %iota3A, %add3A_355 : vector<16xi32>
        %get3A_357 = arith.constant 1 : i32
        %get3A_358 = arith.index_cast %get3A_357 : i32 to index
        %get3A_359 = arith.constant 304 : index
        %get3A_360 = tpu.vector_load %arg7[%get3A_358, %get3A_359] {strides = array<i32>} : memref<2x528xf32, #tpu.memory_space<vmem>>, vector<16xf32>,
        %gather3A_361 = tpu.vector_load_idx %arg9[%broadcast_in_dim3A, %add3A_356] : memref<32x528xf32, #tpu.memory_space<vmem>>[vector<16xi32>, vector<16xi32>], vector<16xf32>,
        %add3A_362 = arith.addf %get3A_360, %gather3A_361 : vector<16xf32>
        %mul3A_363 = arith.constant 5.000000e-01 : f32
        %mul3A_364 = vector.broadcast %mul3A_363 : f32 to vector<16xf32>
        %mul3A_365 = arith.mulf %mul3A_364, %add3A_362 : vector<16xf32>
        tpu.vector_store_idx %arg12[%broadcast_in_dim3A, %add3A_356], %mul3A_365 : memref<32x516xf32, #tpu.memory_space<vmem>>[vector<16xi32>, vector<16xi32>], vector<16xf32>,
        tpu.vector_store_idx %arg13[%broadcast_in_dim3A, %add3A_356], %mul3A_365 : memref<32x516xf32, #tpu.memory_space<vmem>>[vector<16xi32>, vector<16xi32>], vector<16xf32>,
        %add3A_366 = arith.constant 320 : i32
        %add3A_367 = vector.broadcast %add3A_366 : i32 to vector<16xi32>
        %add3A_368 = arith.addi %iota3A, %add3A_367 : vector<16xi32>
        %get3A_369 = arith.constant 1 : i32
        %get3A_370 = arith.index_cast %get3A_369 : i32 to index
        %get3A_371 = arith.constant 320 : index
        %get3A_372 = tpu.vector_load %arg7[%get3A_370, %get3A_371] {strides = array<i32>} : memref<2x528xf32, #tpu.memory_space<vmem>>, vector<16xf32>,
        %gather3A_373 = tpu.vector_load_idx %arg9[%broadcast_in_dim3A, %add3A_368] : memref<32x528xf32, #tpu.memory_space<vmem>>[vector<16xi32>, vector<16xi32>], vector<16xf32>,
        %add3A_374 = arith.addf %get3A_372, %gather3A_373 : vector<16xf32>
        %mul3A_375 = arith.constant 5.000000e-01 : f32
        %mul3A_376 = vector.broadcast %mul3A_375 : f32 to vector<16xf32>
        %mul3A_377 = arith.mulf %mul3A_376, %add3A_374 : vector<16xf32>
        tpu.vector_store_idx %arg12[%broadcast_in_dim3A, %add3A_368], %mul3A_377 : memref<32x516xf32, #tpu.memory_space<vmem>>[vector<16xi32>, vector<16xi32>], vector<16xf32>,
        tpu.vector_store_idx %arg13[%broadcast_in_dim3A, %add3A_368], %mul3A_377 : memref<32x516xf32, #tpu.memory_space<vmem>>[vector<16xi32>, vector<16xi32>], vector<16xf32>,
        %add3A_378 = arith.constant 336 : i32
        %add3A_379 = vector.broadcast %add3A_378 : i32 to vector<16xi32>
        %add3A_380 = arith.addi %iota3A, %add3A_379 : vector<16xi32>
        %get3A_381 = arith.constant 1 : i32
        %get3A_382 = arith.index_cast %get3A_381 : i32 to index
        %get3A_383 = arith.constant 336 : index
        %get3A_384 = tpu.vector_load %arg7[%get3A_382, %get3A_383] {strides = array<i32>} : memref<2x528xf32, #tpu.memory_space<vmem>>, vector<16xf32>,
        %gather3A_385 = tpu.vector_load_idx %arg9[%broadcast_in_dim3A, %add3A_380] : memref<32x528xf32, #tpu.memory_space<vmem>>[vector<16xi32>, vector<16xi32>], vector<16xf32>,
        %add3A_386 = arith.addf %get3A_384, %gather3A_385 : vector<16xf32>
        %mul3A_387 = arith.constant 5.000000e-01 : f32
        %mul3A_388 = vector.broadcast %mul3A_387 : f32 to vector<16xf32>
        %mul3A_389 = arith.mulf %mul3A_388, %add3A_386 : vector<16xf32>
        tpu.vector_store_idx %arg12[%broadcast_in_dim3A, %add3A_380], %mul3A_389 : memref<32x516xf32, #tpu.memory_space<vmem>>[vector<16xi32>, vector<16xi32>], vector<16xf32>,
        tpu.vector_store_idx %arg13[%broadcast_in_dim3A, %add3A_380], %mul3A_389 : memref<32x516xf32, #tpu.memory_space<vmem>>[vector<16xi32>, vector<16xi32>], vector<16xf32>,
        %add3A_390 = arith.constant 352 : i32
        %add3A_391 = vector.broadcast %add3A_390 : i32 to vector<16xi32>
        %add3A_392 = arith.addi %iota3A, %add3A_391 : vector<16xi32>
        %get3A_393 = arith.constant 1 : i32
        %get3A_394 = arith.index_cast %get3A_393 : i32 to index
        %get3A_395 = arith.constant 352 : index
        %get3A_396 = tpu.vector_load %arg7[%get3A_394, %get3A_395] {strides = array<i32>} : memref<2x528xf32, #tpu.memory_space<vmem>>, vector<16xf32>,
        %gather3A_397 = tpu.vector_load_idx %arg9[%broadcast_in_dim3A, %add3A_392] : memref<32x528xf32, #tpu.memory_space<vmem>>[vector<16xi32>, vector<16xi32>], vector<16xf32>,
        %add3A_398 = arith.addf %get3A_396, %gather3A_397 : vector<16xf32>
        %mul3A_399 = arith.constant 5.000000e-01 : f32
        %mul3A_400 = vector.broadcast %mul3A_399 : f32 to vector<16xf32>
        %mul3A_401 = arith.mulf %mul3A_400, %add3A_398 : vector<16xf32>
        tpu.vector_store_idx %arg12[%broadcast_in_dim3A, %add3A_392], %mul3A_401 : memref<32x516xf32, #tpu.memory_space<vmem>>[vector<16xi32>, vector<16xi32>], vector<16xf32>,
        tpu.vector_store_idx %arg13[%broadcast_in_dim3A, %add3A_392], %mul3A_401 : memref<32x516xf32, #tpu.memory_space<vmem>>[vector<16xi32>, vector<16xi32>], vector<16xf32>,
        %add3A_402 = arith.constant 368 : i32
        %add3A_403 = vector.broadcast %add3A_402 : i32 to vector<16xi32>
        %add3A_404 = arith.addi %iota3A, %add3A_403 : vector<16xi32>
        %get3A_405 = arith.constant 1 : i32
        %get3A_406 = arith.index_cast %get3A_405 : i32 to index
        %get3A_407 = arith.constant 368 : index
        %get3A_408 = tpu.vector_load %arg7[%get3A_406, %get3A_407] {strides = array<i32>} : memref<2x528xf32, #tpu.memory_space<vmem>>, vector<16xf32>,
        %gather3A_409 = tpu.vector_load_idx %arg9[%broadcast_in_dim3A, %add3A_404] : memref<32x528xf32, #tpu.memory_space<vmem>>[vector<16xi32>, vector<16xi32>], vector<16xf32>,
        %add3A_410 = arith.addf %get3A_408, %gather3A_409 : vector<16xf32>
        %mul3A_411 = arith.constant 5.000000e-01 : f32
        %mul3A_412 = vector.broadcast %mul3A_411 : f32 to vector<16xf32>
        %mul3A_413 = arith.mulf %mul3A_412, %add3A_410 : vector<16xf32>
        tpu.vector_store_idx %arg12[%broadcast_in_dim3A, %add3A_404], %mul3A_413 : memref<32x516xf32, #tpu.memory_space<vmem>>[vector<16xi32>, vector<16xi32>], vector<16xf32>,
        tpu.vector_store_idx %arg13[%broadcast_in_dim3A, %add3A_404], %mul3A_413 : memref<32x516xf32, #tpu.memory_space<vmem>>[vector<16xi32>, vector<16xi32>], vector<16xf32>,
        %add3A_414 = arith.constant 384 : i32
        %add3A_415 = vector.broadcast %add3A_414 : i32 to vector<16xi32>
        %add3A_416 = arith.addi %iota3A, %add3A_415 : vector<16xi32>
        %get3A_417 = arith.constant 1 : i32
        %get3A_418 = arith.index_cast %get3A_417 : i32 to index
        %get3A_419 = arith.constant 384 : index
        %get3A_420 = tpu.vector_load %arg7[%get3A_418, %get3A_419] {strides = array<i32>} : memref<2x528xf32, #tpu.memory_space<vmem>>, vector<16xf32>,
        %gather3A_421 = tpu.vector_load_idx %arg9[%broadcast_in_dim3A, %add3A_416] : memref<32x528xf32, #tpu.memory_space<vmem>>[vector<16xi32>, vector<16xi32>], vector<16xf32>,
        %add3A_422 = arith.addf %get3A_420, %gather3A_421 : vector<16xf32>
        %mul3A_423 = arith.constant 5.000000e-01 : f32
        %mul3A_424 = vector.broadcast %mul3A_423 : f32 to vector<16xf32>
        %mul3A_425 = arith.mulf %mul3A_424, %add3A_422 : vector<16xf32>
        tpu.vector_store_idx %arg12[%broadcast_in_dim3A, %add3A_416], %mul3A_425 : memref<32x516xf32, #tpu.memory_space<vmem>>[vector<16xi32>, vector<16xi32>], vector<16xf32>,
        tpu.vector_store_idx %arg13[%broadcast_in_dim3A, %add3A_416], %mul3A_425 : memref<32x516xf32, #tpu.memory_space<vmem>>[vector<16xi32>, vector<16xi32>], vector<16xf32>,
        %add3A_426 = arith.constant 400 : i32
        %add3A_427 = vector.broadcast %add3A_426 : i32 to vector<16xi32>
        %add3A_428 = arith.addi %iota3A, %add3A_427 : vector<16xi32>
        %get3A_429 = arith.constant 1 : i32
        %get3A_430 = arith.index_cast %get3A_429 : i32 to index
        %get3A_431 = arith.constant 400 : index
        %get3A_432 = tpu.vector_load %arg7[%get3A_430, %get3A_431] {strides = array<i32>} : memref<2x528xf32, #tpu.memory_space<vmem>>, vector<16xf32>,
        %gather3A_433 = tpu.vector_load_idx %arg9[%broadcast_in_dim3A, %add3A_428] : memref<32x528xf32, #tpu.memory_space<vmem>>[vector<16xi32>, vector<16xi32>], vector<16xf32>,
        %add3A_434 = arith.addf %get3A_432, %gather3A_433 : vector<16xf32>
        %mul3A_435 = arith.constant 5.000000e-01 : f32
        %mul3A_436 = vector.broadcast %mul3A_435 : f32 to vector<16xf32>
        %mul3A_437 = arith.mulf %mul3A_436, %add3A_434 : vector<16xf32>
        tpu.vector_store_idx %arg12[%broadcast_in_dim3A, %add3A_428], %mul3A_437 : memref<32x516xf32, #tpu.memory_space<vmem>>[vector<16xi32>, vector<16xi32>], vector<16xf32>,
        tpu.vector_store_idx %arg13[%broadcast_in_dim3A, %add3A_428], %mul3A_437 : memref<32x516xf32, #tpu.memory_space<vmem>>[vector<16xi32>, vector<16xi32>], vector<16xf32>,
        %add3A_438 = arith.constant 416 : i32
        %add3A_439 = vector.broadcast %add3A_438 : i32 to vector<16xi32>
        %add3A_440 = arith.addi %iota3A, %add3A_439 : vector<16xi32>
        %get3A_441 = arith.constant 1 : i32
        %get3A_442 = arith.index_cast %get3A_441 : i32 to index
        %get3A_443 = arith.constant 416 : index
        %get3A_444 = tpu.vector_load %arg7[%get3A_442, %get3A_443] {strides = array<i32>} : memref<2x528xf32, #tpu.memory_space<vmem>>, vector<16xf32>,
        %gather3A_445 = tpu.vector_load_idx %arg9[%broadcast_in_dim3A, %add3A_440] : memref<32x528xf32, #tpu.memory_space<vmem>>[vector<16xi32>, vector<16xi32>], vector<16xf32>,
        %add3A_446 = arith.addf %get3A_444, %gather3A_445 : vector<16xf32>
        %mul3A_447 = arith.constant 5.000000e-01 : f32
        %mul3A_448 = vector.broadcast %mul3A_447 : f32 to vector<16xf32>
        %mul3A_449 = arith.mulf %mul3A_448, %add3A_446 : vector<16xf32>
        tpu.vector_store_idx %arg12[%broadcast_in_dim3A, %add3A_440], %mul3A_449 : memref<32x516xf32, #tpu.memory_space<vmem>>[vector<16xi32>, vector<16xi32>], vector<16xf32>,
        tpu.vector_store_idx %arg13[%broadcast_in_dim3A, %add3A_440], %mul3A_449 : memref<32x516xf32, #tpu.memory_space<vmem>>[vector<16xi32>, vector<16xi32>], vector<16xf32>,
        %add3A_450 = arith.constant 432 : i32
        %add3A_451 = vector.broadcast %add3A_450 : i32 to vector<16xi32>
        %add3A_452 = arith.addi %iota3A, %add3A_451 : vector<16xi32>
        %get3A_453 = arith.constant 1 : i32
        %get3A_454 = arith.index_cast %get3A_453 : i32 to index
        %get3A_455 = arith.constant 432 : index
        %get3A_456 = tpu.vector_load %arg7[%get3A_454, %get3A_455] {strides = array<i32>} : memref<2x528xf32, #tpu.memory_space<vmem>>, vector<16xf32>,
        %gather3A_457 = tpu.vector_load_idx %arg9[%broadcast_in_dim3A, %add3A_452] : memref<32x528xf32, #tpu.memory_space<vmem>>[vector<16xi32>, vector<16xi32>], vector<16xf32>,
        %add3A_458 = arith.addf %get3A_456, %gather3A_457 : vector<16xf32>
        %mul3A_459 = arith.constant 5.000000e-01 : f32
        %mul3A_460 = vector.broadcast %mul3A_459 : f32 to vector<16xf32>
        %mul3A_461 = arith.mulf %mul3A_460, %add3A_458 : vector<16xf32>
        tpu.vector_store_idx %arg12[%broadcast_in_dim3A, %add3A_452], %mul3A_461 : memref<32x516xf32, #tpu.memory_space<vmem>>[vector<16xi32>, vector<16xi32>], vector<16xf32>,
        tpu.vector_store_idx %arg13[%broadcast_in_dim3A, %add3A_452], %mul3A_461 : memref<32x516xf32, #tpu.memory_space<vmem>>[vector<16xi32>, vector<16xi32>], vector<16xf32>,
        %add3A_462 = arith.constant 448 : i32
        %add3A_463 = vector.broadcast %add3A_462 : i32 to vector<16xi32>
        %add3A_464 = arith.addi %iota3A, %add3A_463 : vector<16xi32>
        %get3A_465 = arith.constant 1 : i32
        %get3A_466 = arith.index_cast %get3A_465 : i32 to index
        %get3A_467 = arith.constant 448 : index
        %get3A_468 = tpu.vector_load %arg7[%get3A_466, %get3A_467] {strides = array<i32>} : memref<2x528xf32, #tpu.memory_space<vmem>>, vector<16xf32>,
        %gather3A_469 = tpu.vector_load_idx %arg9[%broadcast_in_dim3A, %add3A_464] : memref<32x528xf32, #tpu.memory_space<vmem>>[vector<16xi32>, vector<16xi32>], vector<16xf32>,
        %add3A_470 = arith.addf %get3A_468, %gather3A_469 : vector<16xf32>
        %mul3A_471 = arith.constant 5.000000e-01 : f32
        %mul3A_472 = vector.broadcast %mul3A_471 : f32 to vector<16xf32>
        %mul3A_473 = arith.mulf %mul3A_472, %add3A_470 : vector<16xf32>
        tpu.vector_store_idx %arg12[%broadcast_in_dim3A, %add3A_464], %mul3A_473 : memref<32x516xf32, #tpu.memory_space<vmem>>[vector<16xi32>, vector<16xi32>], vector<16xf32>,
        tpu.vector_store_idx %arg13[%broadcast_in_dim3A, %add3A_464], %mul3A_473 : memref<32x516xf32, #tpu.memory_space<vmem>>[vector<16xi32>, vector<16xi32>], vector<16xf32>,
        %add3A_474 = arith.constant 464 : i32
        %add3A_475 = vector.broadcast %add3A_474 : i32 to vector<16xi32>
        %add3A_476 = arith.addi %iota3A, %add3A_475 : vector<16xi32>
        %get3A_477 = arith.constant 1 : i32
        %get3A_478 = arith.index_cast %get3A_477 : i32 to index
        %get3A_479 = arith.constant 464 : index
        %get3A_480 = tpu.vector_load %arg7[%get3A_478, %get3A_479] {strides = array<i32>} : memref<2x528xf32, #tpu.memory_space<vmem>>, vector<16xf32>,
        %gather3A_481 = tpu.vector_load_idx %arg9[%broadcast_in_dim3A, %add3A_476] : memref<32x528xf32, #tpu.memory_space<vmem>>[vector<16xi32>, vector<16xi32>], vector<16xf32>,
        %add3A_482 = arith.addf %get3A_480, %gather3A_481 : vector<16xf32>
        %mul3A_483 = arith.constant 5.000000e-01 : f32
        %mul3A_484 = vector.broadcast %mul3A_483 : f32 to vector<16xf32>
        %mul3A_485 = arith.mulf %mul3A_484, %add3A_482 : vector<16xf32>
        tpu.vector_store_idx %arg12[%broadcast_in_dim3A, %add3A_476], %mul3A_485 : memref<32x516xf32, #tpu.memory_space<vmem>>[vector<16xi32>, vector<16xi32>], vector<16xf32>,
        tpu.vector_store_idx %arg13[%broadcast_in_dim3A, %add3A_476], %mul3A_485 : memref<32x516xf32, #tpu.memory_space<vmem>>[vector<16xi32>, vector<16xi32>], vector<16xf32>,
        %add3A_486 = arith.constant 480 : i32
        %add3A_487 = vector.broadcast %add3A_486 : i32 to vector<16xi32>
        %add3A_488 = arith.addi %iota3A, %add3A_487 : vector<16xi32>
        %get3A_489 = arith.constant 1 : i32
        %get3A_490 = arith.index_cast %get3A_489 : i32 to index
        %get3A_491 = arith.constant 480 : index
        %get3A_492 = tpu.vector_load %arg7[%get3A_490, %get3A_491] {strides = array<i32>} : memref<2x528xf32, #tpu.memory_space<vmem>>, vector<16xf32>,
        %gather3A_493 = tpu.vector_load_idx %arg9[%broadcast_in_dim3A, %add3A_488] : memref<32x528xf32, #tpu.memory_space<vmem>>[vector<16xi32>, vector<16xi32>], vector<16xf32>,
        %add3A_494 = arith.addf %get3A_492, %gather3A_493 : vector<16xf32>
        %mul3A_495 = arith.constant 5.000000e-01 : f32
        %mul3A_496 = vector.broadcast %mul3A_495 : f32 to vector<16xf32>
        %mul3A_497 = arith.mulf %mul3A_496, %add3A_494 : vector<16xf32>
        tpu.vector_store_idx %arg12[%broadcast_in_dim3A, %add3A_488], %mul3A_497 : memref<32x516xf32, #tpu.memory_space<vmem>>[vector<16xi32>, vector<16xi32>], vector<16xf32>,
        tpu.vector_store_idx %arg13[%broadcast_in_dim3A, %add3A_488], %mul3A_497 : memref<32x516xf32, #tpu.memory_space<vmem>>[vector<16xi32>, vector<16xi32>], vector<16xf32>,
        %add3A_498 = arith.constant 496 : i32
        %add3A_499 = vector.broadcast %add3A_498 : i32 to vector<16xi32>
        %add3A_500 = arith.addi %iota3A, %add3A_499 : vector<16xi32>
        %get3A_501 = arith.constant 1 : i32
        %get3A_502 = arith.index_cast %get3A_501 : i32 to index
        %get3A_503 = arith.constant 496 : index
        %get3A_504 = tpu.vector_load %arg7[%get3A_502, %get3A_503] {strides = array<i32>} : memref<2x528xf32, #tpu.memory_space<vmem>>, vector<16xf32>,
        %gather3A_505 = tpu.vector_load_idx %arg9[%broadcast_in_dim3A, %add3A_500] : memref<32x528xf32, #tpu.memory_space<vmem>>[vector<16xi32>, vector<16xi32>], vector<16xf32>,
        %add3A_506 = arith.addf %get3A_504, %gather3A_505 : vector<16xf32>
        %mul3A_507 = arith.constant 5.000000e-01 : f32
        %mul3A_508 = vector.broadcast %mul3A_507 : f32 to vector<16xf32>
        %mul3A_509 = arith.mulf %mul3A_508, %add3A_506 : vector<16xf32>
        tpu.vector_store_idx %arg12[%broadcast_in_dim3A, %add3A_500], %mul3A_509 : memref<32x516xf32, #tpu.memory_space<vmem>>[vector<16xi32>, vector<16xi32>], vector<16xf32>,
        tpu.vector_store_idx %arg13[%broadcast_in_dim3A, %add3A_500], %mul3A_509 : memref<32x516xf32, #tpu.memory_space<vmem>>[vector<16xi32>, vector<16xi32>], vector<16xf32>,
        %add3A_510 = arith.constant 500 : i32
        %add3A_511 = vector.broadcast %add3A_510 : i32 to vector<16xi32>
        %add3A_512 = arith.addi %iota3A, %add3A_511 : vector<16xi32>
        %get3A_513 = arith.constant 1 : i32
        %get3A_514 = arith.index_cast %get3A_513 : i32 to index
        %get3A_515 = arith.constant 500 : index
        %get3A_516 = tpu.vector_load %arg7[%get3A_514, %get3A_515] {strides = array<i32>} : memref<2x528xf32, #tpu.memory_space<vmem>>, vector<16xf32>,
        %gather3A_517 = tpu.vector_load_idx %arg9[%broadcast_in_dim3A, %add3A_512] : memref<32x528xf32, #tpu.memory_space<vmem>>[vector<16xi32>, vector<16xi32>], vector<16xf32>,
        %add3A_518 = arith.addf %get3A_516, %gather3A_517 : vector<16xf32>
        %mul3A_519 = arith.constant 5.000000e-01 : f32
        %mul3A_520 = vector.broadcast %mul3A_519 : f32 to vector<16xf32>
        %mul3A_521 = arith.mulf %mul3A_520, %add3A_518 : vector<16xf32>
        tpu.vector_store_idx %arg12[%broadcast_in_dim3A, %add3A_512], %mul3A_521 : memref<32x516xf32, #tpu.memory_space<vmem>>[vector<16xi32>, vector<16xi32>], vector<16xf32>,
        tpu.vector_store_idx %arg13[%broadcast_in_dim3A, %add3A_512], %mul3A_521 : memref<32x516xf32, #tpu.memory_space<vmem>>[vector<16xi32>, vector<16xi32>], vector<16xf32>,
        %scan3A_522 = arith.constant 0 : i32
        scf.yield %scan3A_522 : i32
      }
      %scan3A_103 = arith.constant 32 : i32
      %add3A_104 = arith.constant 1 : i32
      %add3A_105 = arith.addi %add3A_48, %add3A_104 : i32
      %mul3A_106 = arith.constant 32 : i32
      %mul3A_107 = arith.muli %add3A_105, %mul3A_106 : i32
      %dma_start3A_108 = arith.constant 0 : i32
      %dma_start3A_109 = tpu.memref_slice %arg5[%mul3A_107, %dma_start3A_108] : memref<262144x516xf32, #tpu.memory_space<hbm>> -> memref<32x516xf32, #tpu.memory_space<hbm>>
      %dma_start3A_110 = arith.constant 0 : i32
      %dma_start3A_111 = tpu.memref_slice %arg5[%mul3A_107, %dma_start3A_110] : memref<262144x516xf32, #tpu.memory_space<hbm>> -> memref<32x516xf32, #tpu.memory_space<hbm>>
      tpu.enqueue_dma source(%arg12 : memref<32x516xf32, #tpu.memory_space<vmem>>) target(%dma_start3A_111 : memref<32x516xf32, #tpu.memory_space<hbm>>) target_semaphore(%arg16 : memref<!tpu.dma_semaphore, #tpu.memory_space<semaphore_mem>>)
      %add3A_112 = arith.constant 1 : i32
      %add3A_113 = arith.addi %add3A_48, %add3A_112 : i32
      %mul3A_114 = arith.constant 32 : i32
      %mul3A_115 = arith.muli %add3A_113, %mul3A_114 : i32
      %add3A_116 = arith.constant 131072 : i32
      %add3A_117 = arith.addi %add3A_116, %mul3A_115 : i32
      %dma_start3A_118 = arith.constant 0 : i32
      %dma_start3A_119 = tpu.memref_slice %arg5[%add3A_117, %dma_start3A_118] : memref<262144x516xf32, #tpu.memory_space<hbm>> -> memref<32x516xf32, #tpu.memory_space<hbm>>
      %dma_start3A_120 = arith.constant 0 : i32
      %dma_start3A_121 = tpu.memref_slice %arg5[%add3A_117, %dma_start3A_120] : memref<262144x516xf32, #tpu.memory_space<hbm>> -> memref<32x516xf32, #tpu.memory_space<hbm>>
      tpu.enqueue_dma source(%arg13 : memref<32x516xf32, #tpu.memory_space<vmem>>) target(%dma_start3A_121 : memref<32x516xf32, #tpu.memory_space<hbm>>) target_semaphore(%arg16 : memref<!tpu.dma_semaphore, #tpu.memory_space<semaphore_mem>>)
      %scan3A_122 = arith.constant 0 : i32
      scf.yield %scan3A_122 : i32
    }
    %scan3A_12 = arith.constant 64 : i32
    %mul3A_13 = arith.constant 32 : i32
    %mul3A_14 = arith.muli %mul3A_2, %mul3A_13 : i32
    %dma_wait3A = arith.constant 0 : i32
    %dma_wait3A_15 = tpu.memref_slice %arg5[%mul3A_14, %dma_wait3A] : memref<262144x516xf32, #tpu.memory_space<hbm>> -> memref<32x516xf32, #tpu.memory_space<hbm>>
    %dma_wait3A_16 = arith.constant 0 : i32
    %dma_wait3A_17 = tpu.memref_slice %arg5[%mul3A_14, %dma_wait3A_16] : memref<262144x516xf32, #tpu.memory_space<hbm>> -> memref<32x516xf32, #tpu.memory_space<hbm>>
    tpu.wait_dma2 semaphore(%arg16 : memref<!tpu.dma_semaphore, #tpu.memory_space<semaphore_mem>>) src(%arg10 : memref<32x516xf32, #tpu.memory_space<vmem>>) dst(%dma_wait3A_17 : memref<32x516xf32, #tpu.memory_space<hbm>>)
    %mul3A_18 = arith.constant 32 : i32
    %mul3A_19 = arith.muli %mul3A_2, %mul3A_18 : i32
    %add3A_20 = arith.constant 131072 : i32
    %add3A_21 = arith.addi %add3A_20, %mul3A_19 : i32
    %dma_wait3A_22 = arith.constant 0 : i32
    %dma_wait3A_23 = tpu.memref_slice %arg5[%add3A_21, %dma_wait3A_22] : memref<262144x516xf32, #tpu.memory_space<hbm>> -> memref<32x516xf32, #tpu.memory_space<hbm>>
    %dma_wait3A_24 = arith.constant 0 : i32
    %dma_wait3A_25 = tpu.memref_slice %arg5[%add3A_21, %dma_wait3A_24] : memref<262144x516xf32, #tpu.memory_space<hbm>> -> memref<32x516xf32, #tpu.memory_space<hbm>>
    tpu.wait_dma2 semaphore(%arg16 : memref<!tpu.dma_semaphore, #tpu.memory_space<semaphore_mem>>) src(%arg11 : memref<32x516xf32, #tpu.memory_space<vmem>>) dst(%dma_wait3A_25 : memref<32x516xf32, #tpu.memory_space<hbm>>)
    %add3A_26 = arith.constant 1 : i32
    %add3A_27 = arith.addi %mul3A_2, %add3A_26 : i32
    %mul3A_28 = arith.constant 32 : i32
    %mul3A_29 = arith.muli %add3A_27, %mul3A_28 : i32
    %dma_wait3A_30 = arith.constant 0 : i32
    %dma_wait3A_31 = tpu.memref_slice %arg5[%mul3A_29, %dma_wait3A_30] : memref<262144x516xf32, #tpu.memory_space<hbm>> -> memref<32x516xf32, #tpu.memory_space<hbm>>
    %dma_wait3A_32 = arith.constant 0 : i32
    %dma_wait3A_33 = tpu.memref_slice %arg5[%mul3A_29, %dma_wait3A_32] : memref<262144x516xf32, #tpu.memory_space<hbm>> -> memref<32x516xf32, #tpu.memory_space<hbm>>
    tpu.wait_dma2 semaphore(%arg16 : memref<!tpu.dma_semaphore, #tpu.memory_space<semaphore_mem>>) src(%arg12 : memref<32x516xf32, #tpu.memory_space<vmem>>) dst(%dma_wait3A_33 : memref<32x516xf32, #tpu.memory_space<hbm>>)
    %add3A_34 = arith.constant 1 : i32
    %add3A_35 = arith.addi %mul3A_2, %add3A_34 : i32
    %mul3A_36 = arith.constant 32 : i32
    %mul3A_37 = arith.muli %add3A_35, %mul3A_36 : i32
    %add3A_38 = arith.constant 131072 : i32
    %add3A_39 = arith.addi %add3A_38, %mul3A_37 : i32
    %dma_wait3A_40 = arith.constant 0 : i32
    %dma_wait3A_41 = tpu.memref_slice %arg5[%add3A_39, %dma_wait3A_40] : memref<262144x516xf32, #tpu.memory_space<hbm>> -> memref<32x516xf32, #tpu.memory_space<hbm>>
    %dma_wait3A_42 = arith.constant 0 : i32
    %dma_wait3A_43 = tpu.memref_slice %arg5[%add3A_39, %dma_wait3A_42] : memref<262144x516xf32, #tpu.memory_space<hbm>> -> memref<32x516xf32, #tpu.memory_space<hbm>>
    tpu.wait_dma2 semaphore(%arg16 : memref<!tpu.dma_semaphore, #tpu.memory_space<semaphore_mem>>) src(%arg13 : memref<32x516xf32, #tpu.memory_space<vmem>>) dst(%dma_wait3A_43 : memref<32x516xf32, #tpu.memory_space<hbm>>)
    return
  }
}

module attributes {stable_mosaic.version = 14 : i64} {
  func.func @_table_body(%arg0: i32, %arg1: memref<512x4xf32, #tpu.memory_space<vmem>>, %arg2: memref<512x512xf32, #tpu.memory_space<vmem>>, %arg3: memref<1x2xf32, #tpu.memory_space<smem>>, %arg4: memref<512x528xf32, #tpu.memory_space<vmem>>) attributes {dimension_semantics = [#tpu.dimension_semantics<arbitrary>], iteration_bounds = array<i64: 8>, scalar_prefetch = 0 : i64, scratch_operands = 0 : i64, tpu.core_type = #tpu.core_type<tc>, window_params = [{transform_indices = @transform_0, window_bounds = array<i64: 512, 4>}, {transform_indices = @transform_1, window_bounds = array<i64: 512, 512>}, {transform_indices = @transform_2, window_bounds = array<i64: 1, 2>}, {transform_indices = @transform_3, window_bounds = array<i64: 512, 528>}]} {
    %get3A = arith.constant 0 : index
    %get3A_0 = arith.constant 0 : index
    %get3A_1 = vector.load %arg1[%get3A, %get3A_0] : memref<512x4xf32, #tpu.memory_space<vmem>>, vector<512x4xf32>
    %get3A_2 = arith.constant 0 : index
    %get3A_3 = arith.constant 0 : index
    %get3A_4 = vector.load %arg2[%get3A_2, %get3A_3] : memref<512x512xf32, #tpu.memory_space<vmem>>, vector<512x512xf32>
    %slice3A = vector.extract_strided_slice %get3A_1 {offsets = [0, 0], sizes = [512, 1], strides = [1, 1]} : vector<512x4xf32> to vector<512x1xf32>
    %slice3A_5 = vector.extract_strided_slice %get3A_1 {offsets = [0, 2], sizes = [512, 1], strides = [1, 1]} : vector<512x4xf32> to vector<512x1xf32>
    %add3A = arith.addf %slice3A, %slice3A_5 : vector<512x1xf32>
    %mul3A = arith.constant 5.000000e-01 : f32
    %mul3A_6 = vector.broadcast %mul3A : f32 to vector<512x1xf32>
    %mul3A_7 = arith.mulf %mul3A_6, %add3A : vector<512x1xf32>
    %slice3A_8 = vector.extract_strided_slice %get3A_1 {offsets = [0, 1], sizes = [512, 1], strides = [1, 1]} : vector<512x4xf32> to vector<512x1xf32>
    %slice3A_9 = vector.extract_strided_slice %get3A_1 {offsets = [0, 3], sizes = [512, 1], strides = [1, 1]} : vector<512x4xf32> to vector<512x1xf32>
    %add3A_10 = arith.addf %slice3A_8, %slice3A_9 : vector<512x1xf32>
    %mul3A_11 = arith.constant 5.000000e-01 : f32
    %mul3A_12 = vector.broadcast %mul3A_11 : f32 to vector<512x1xf32>
    %mul3A_13 = arith.mulf %mul3A_12, %add3A_10 : vector<512x1xf32>
    %slice3A_14 = vector.extract_strided_slice %get3A_1 {offsets = [0, 2], sizes = [512, 1], strides = [1, 1]} : vector<512x4xf32> to vector<512x1xf32>
    %slice3A_15 = vector.extract_strided_slice %get3A_1 {offsets = [0, 0], sizes = [512, 1], strides = [1, 1]} : vector<512x4xf32> to vector<512x1xf32>
    %sub3A = arith.subf %slice3A_14, %slice3A_15 : vector<512x1xf32>
    %max3A = arith.constant 9.99999997E-7 : f32
    %max3A_16 = vector.broadcast %max3A : f32 to vector<512x1xf32>
    %max3A_17 = arith.maximumf %sub3A, %max3A_16 : vector<512x1xf32>
    %slice3A_18 = vector.extract_strided_slice %get3A_1 {offsets = [0, 3], sizes = [512, 1], strides = [1, 1]} : vector<512x4xf32> to vector<512x1xf32>
    %slice3A_19 = vector.extract_strided_slice %get3A_1 {offsets = [0, 1], sizes = [512, 1], strides = [1, 1]} : vector<512x4xf32> to vector<512x1xf32>
    %sub3A_20 = arith.subf %slice3A_18, %slice3A_19 : vector<512x1xf32>
    %max3A_21 = arith.constant 9.99999997E-7 : f32
    %max3A_22 = vector.broadcast %max3A_21 : f32 to vector<512x1xf32>
    %max3A_23 = arith.maximumf %sub3A_20, %max3A_22 : vector<512x1xf32>
    %get3A_24 = arith.constant 0 : index
    %get3A_25 = arith.constant 0 : index
    %get3A_26 = memref.load %arg3[%get3A_24, %get3A_25] : memref<1x2xf32, #tpu.memory_space<smem>>
    %mul3A_27 = vector.broadcast %get3A_26 : f32 to vector<512x1xf32>
    %mul3A_28 = arith.mulf %mul3A_7, %mul3A_27 : vector<512x1xf32>
    %swap3A = arith.constant 0 : index
    %swap3A_29 = arith.constant 0 : index
    %swap3A_30 = vector.load %arg4[%swap3A, %swap3A_29] : memref<512x528xf32, #tpu.memory_space<vmem>>, vector<512x1xf32>
    tpu.vector_store %arg4[%swap3A, %swap3A_29], %mul3A_28 {strides = array<i32>} : memref<512x528xf32, #tpu.memory_space<vmem>>, vector<512x1xf32>,
    %get3A_31 = arith.constant 0 : index
    %get3A_32 = arith.constant 1 : index
    %get3A_33 = memref.load %arg3[%get3A_31, %get3A_32] : memref<1x2xf32, #tpu.memory_space<smem>>
    %mul3A_34 = vector.broadcast %get3A_33 : f32 to vector<512x1xf32>
    %mul3A_35 = arith.mulf %mul3A_13, %mul3A_34 : vector<512x1xf32>
    %swap3A_36 = arith.constant 0 : index
    %swap3A_37 = arith.constant 1 : index
    %swap3A_38 = vector.load %arg4[%swap3A_36, %swap3A_37] : memref<512x528xf32, #tpu.memory_space<vmem>>, vector<512x1xf32>
    tpu.vector_store %arg4[%swap3A_36, %swap3A_37], %mul3A_35 {strides = array<i32>} : memref<512x528xf32, #tpu.memory_space<vmem>>, vector<512x1xf32>,
    %log3A = math.log %max3A_17 : vector<512x1xf32>
    %swap3A_39 = arith.constant 0 : index
    %swap3A_40 = arith.constant 2 : index
    %swap3A_41 = vector.load %arg4[%swap3A_39, %swap3A_40] : memref<512x528xf32, #tpu.memory_space<vmem>>, vector<512x1xf32>
    tpu.vector_store %arg4[%swap3A_39, %swap3A_40], %log3A {strides = array<i32>} : memref<512x528xf32, #tpu.memory_space<vmem>>, vector<512x1xf32>,
    %log3A_42 = math.log %max3A_23 : vector<512x1xf32>
    %swap3A_43 = arith.constant 0 : index
    %swap3A_44 = arith.constant 3 : index
    %swap3A_45 = vector.load %arg4[%swap3A_43, %swap3A_44] : memref<512x528xf32, #tpu.memory_space<vmem>>, vector<512x1xf32>
    tpu.vector_store %arg4[%swap3A_43, %swap3A_44], %log3A_42 {strides = array<i32>} : memref<512x528xf32, #tpu.memory_space<vmem>>, vector<512x1xf32>,
    %swap3A_46 = arith.constant 0 : index
    %swap3A_47 = arith.constant 4 : index
    %swap3A_48 = vector.load %arg4[%swap3A_46, %swap3A_47] : memref<512x528xf32, #tpu.memory_space<vmem>>, vector<512x512xf32>
    tpu.vector_store %arg4[%swap3A_46, %swap3A_47], %get3A_4 {strides = array<i32>} : memref<512x528xf32, #tpu.memory_space<vmem>>, vector<512x512xf32>,
    %broadcast_in_dim3A = arith.constant 0.000000e+00 : f32
    %broadcast_in_dim3A_49 = vector.broadcast %broadcast_in_dim3A : f32 to vector<512x12xf32>
    %swap3A_50 = arith.constant 0 : index
    %swap3A_51 = arith.constant 516 : index
    %swap3A_52 = vector.load %arg4[%swap3A_50, %swap3A_51] : memref<512x528xf32, #tpu.memory_space<vmem>>, vector<512x12xf32>
    tpu.vector_store %arg4[%swap3A_50, %swap3A_51], %broadcast_in_dim3A_49 {strides = array<i32>} : memref<512x528xf32, #tpu.memory_space<vmem>>, vector<512x12xf32>,
    return
  }
  func.func @transform_0(%arg0: i32) -> (i32, i32) {
    %c0_i32 = arith.constant 0 : i32
    %c0_i32_0 = arith.constant 0 : i32
    return %arg0, %c0_i32 : i32, i32
  }
  func.func @transform_1(%arg0: i32) -> (i32, i32) {
    %c0_i32 = arith.constant 0 : i32
    %c0_i32_0 = arith.constant 0 : i32
    return %arg0, %c0_i32 : i32, i32
  }
  func.func @transform_2(%arg0: i32) -> (i32, i32) {
    %c0_i32 = arith.constant 0 : i32
    %c0_i32_0 = arith.constant 0 : i32
    %c0_i32_1 = arith.constant 0 : i32
    return %c0_i32, %c0_i32_0 : i32, i32
  }
  func.func @transform_3(%arg0: i32) -> (i32, i32) {
    %c0_i32 = arith.constant 0 : i32
    %c0_i32_0 = arith.constant 0 : i32
    return %arg0, %c0_i32 : i32, i32
  }
}

module attributes {stable_mosaic.version = 14 : i64} {
  func.func @_normalize_body(%arg0: i32, %arg1: memref<512x512xf32, #tpu.memory_space<vmem>>, %arg2: memref<512x512xf32, #tpu.memory_space<vmem>>) attributes {dimension_semantics = [#tpu.dimension_semantics<arbitrary>], iteration_bounds = array<i64: 8>, scalar_prefetch = 0 : i64, scratch_operands = 0 : i64, tpu.core_type = #tpu.core_type<tc>, window_params = [{transform_indices = @transform_0, window_bounds = array<i64: 512, 512>}, {transform_indices = @transform_1, window_bounds = array<i64: 512, 512>}]} {
    %get3A = arith.constant 0 : index
    %get3A_0 = arith.constant 0 : index
    %get3A_1 = vector.load %arg1[%get3A, %get3A_0] : memref<512x512xf32, #tpu.memory_space<vmem>>, vector<512x512xf32>
    %mul3A = arith.mulf %get3A_1, %get3A_1 : vector<512x512xf32>
    %reduce_sum3A = arith.constant dense<0.000000e+00> : vector<512xf32>
    %reduce_sum3A_2 = vector.multi_reduction <add>, %mul3A, %reduce_sum3A [1] : vector<512x512xf32> to vector<512xf32>
    %broadcast_in_dim3A = vector.shape_cast %reduce_sum3A_2 : vector<512xf32> to vector<512x1xf32>
    %sqrt3A = math.sqrt %broadcast_in_dim3A : vector<512x1xf32>
    %max3A = arith.constant 9.99999996E-13 : f32
    %max3A_3 = vector.broadcast %max3A : f32 to vector<512x1xf32>
    %max3A_4 = arith.maximumf %sqrt3A, %max3A_3 : vector<512x1xf32>
    %div3A = vector.broadcast %max3A_4 : vector<512x1xf32> to vector<512x512xf32>
    %div3A_5 = arith.divf %get3A_1, %div3A : vector<512x512xf32>
    %swap3A = arith.constant 0 : index
    %swap3A_6 = arith.constant 0 : index
    %swap3A_7 = vector.load %arg2[%swap3A, %swap3A_6] : memref<512x512xf32, #tpu.memory_space<vmem>>, vector<512x512xf32>
    tpu.vector_store %arg2[%swap3A, %swap3A_6], %div3A_5 {strides = array<i32>} : memref<512x512xf32, #tpu.memory_space<vmem>>, vector<512x512xf32>,
    return
  }
  func.func @transform_0(%arg0: i32) -> (i32, i32) {
    %c0_i32 = arith.constant 0 : i32
    %c0_i32_0 = arith.constant 0 : i32
    return %arg0, %c0_i32 : i32, i32
  }
  func.func @transform_1(%arg0: i32) -> (i32, i32) {
    %c0_i32 = arith.constant 0 : i32
    %c0_i32_0 = arith.constant 0 : i32
    return %arg0, %c0_i32 : i32, i32
  }
}

module attributes {stable_mosaic.version = 14 : i64} {
  func.func @_normalize_body(%arg0: i32, %arg1: memref<1024x512xf32, #tpu.memory_space<vmem>>, %arg2: memref<1024x512xf32, #tpu.memory_space<vmem>>) attributes {dimension_semantics = [#tpu.dimension_semantics<arbitrary>], iteration_bounds = array<i64: 16>, scalar_prefetch = 0 : i64, scratch_operands = 0 : i64, tpu.core_type = #tpu.core_type<tc>, window_params = [{transform_indices = @transform_0, window_bounds = array<i64: 1024, 512>}, {transform_indices = @transform_1, window_bounds = array<i64: 1024, 512>}]} {
    %get3A = arith.constant 0 : index
    %get3A_0 = arith.constant 0 : index
    %get3A_1 = vector.load %arg1[%get3A, %get3A_0] : memref<1024x512xf32, #tpu.memory_space<vmem>>, vector<1024x512xf32>
    %mul3A = arith.mulf %get3A_1, %get3A_1 : vector<1024x512xf32>
    %reduce_sum3A = arith.constant dense<0.000000e+00> : vector<1024xf32>
    %reduce_sum3A_2 = vector.multi_reduction <add>, %mul3A, %reduce_sum3A [1] : vector<1024x512xf32> to vector<1024xf32>
    %broadcast_in_dim3A = vector.shape_cast %reduce_sum3A_2 : vector<1024xf32> to vector<1024x1xf32>
    %sqrt3A = math.sqrt %broadcast_in_dim3A : vector<1024x1xf32>
    %max3A = arith.constant 9.99999996E-13 : f32
    %max3A_3 = vector.broadcast %max3A : f32 to vector<1024x1xf32>
    %max3A_4 = arith.maximumf %sqrt3A, %max3A_3 : vector<1024x1xf32>
    %div3A = vector.broadcast %max3A_4 : vector<1024x1xf32> to vector<1024x512xf32>
    %div3A_5 = arith.divf %get3A_1, %div3A : vector<1024x512xf32>
    %swap3A = arith.constant 0 : index
    %swap3A_6 = arith.constant 0 : index
    %swap3A_7 = vector.load %arg2[%swap3A, %swap3A_6] : memref<1024x512xf32, #tpu.memory_space<vmem>>, vector<1024x512xf32>
    tpu.vector_store %arg2[%swap3A, %swap3A_6], %div3A_5 {strides = array<i32>} : memref<1024x512xf32, #tpu.memory_space<vmem>>, vector<1024x512xf32>,
    return
  }
  func.func @transform_0(%arg0: i32) -> (i32, i32) {
    %c0_i32 = arith.constant 0 : i32
    %c0_i32_0 = arith.constant 0 : i32
    return %arg0, %c0_i32 : i32, i32
  }
  func.func @transform_1(%arg0: i32) -> (i32, i32) {
    %c0_i32 = arith.constant 0 : i32
    %c0_i32_0 = arith.constant 0 : i32
    return %arg0, %c0_i32 : i32, i32
  }
}

module attributes {stable_mosaic.version = 14 : i64} {
  func.func @_table_body(%arg0: i32, %arg1: memref<1024x4xf32, #tpu.memory_space<vmem>>, %arg2: memref<1024x512xf32, #tpu.memory_space<vmem>>, %arg3: memref<1x2xf32, #tpu.memory_space<smem>>, %arg4: memref<1024x528xf32, #tpu.memory_space<vmem>>) attributes {dimension_semantics = [#tpu.dimension_semantics<arbitrary>], iteration_bounds = array<i64: 16>, scalar_prefetch = 0 : i64, scratch_operands = 0 : i64, tpu.core_type = #tpu.core_type<tc>, window_params = [{transform_indices = @transform_0, window_bounds = array<i64: 1024, 4>}, {transform_indices = @transform_1, window_bounds = array<i64: 1024, 512>}, {transform_indices = @transform_2, window_bounds = array<i64: 1, 2>}, {transform_indices = @transform_3, window_bounds = array<i64: 1024, 528>}]} {
    %get3A = arith.constant 0 : index
    %get3A_0 = arith.constant 0 : index
    %get3A_1 = vector.load %arg1[%get3A, %get3A_0] : memref<1024x4xf32, #tpu.memory_space<vmem>>, vector<1024x4xf32>
    %get3A_2 = arith.constant 0 : index
    %get3A_3 = arith.constant 0 : index
    %get3A_4 = vector.load %arg2[%get3A_2, %get3A_3] : memref<1024x512xf32, #tpu.memory_space<vmem>>, vector<1024x512xf32>
    %slice3A = vector.extract_strided_slice %get3A_1 {offsets = [0, 0], sizes = [1024, 1], strides = [1, 1]} : vector<1024x4xf32> to vector<1024x1xf32>
    %slice3A_5 = vector.extract_strided_slice %get3A_1 {offsets = [0, 2], sizes = [1024, 1], strides = [1, 1]} : vector<1024x4xf32> to vector<1024x1xf32>
    %add3A = arith.addf %slice3A, %slice3A_5 : vector<1024x1xf32>
    %mul3A = arith.constant 5.000000e-01 : f32
    %mul3A_6 = vector.broadcast %mul3A : f32 to vector<1024x1xf32>
    %mul3A_7 = arith.mulf %mul3A_6, %add3A : vector<1024x1xf32>
    %slice3A_8 = vector.extract_strided_slice %get3A_1 {offsets = [0, 1], sizes = [1024, 1], strides = [1, 1]} : vector<1024x4xf32> to vector<1024x1xf32>
    %slice3A_9 = vector.extract_strided_slice %get3A_1 {offsets = [0, 3], sizes = [1024, 1], strides = [1, 1]} : vector<1024x4xf32> to vector<1024x1xf32>
    %add3A_10 = arith.addf %slice3A_8, %slice3A_9 : vector<1024x1xf32>
    %mul3A_11 = arith.constant 5.000000e-01 : f32
    %mul3A_12 = vector.broadcast %mul3A_11 : f32 to vector<1024x1xf32>
    %mul3A_13 = arith.mulf %mul3A_12, %add3A_10 : vector<1024x1xf32>
    %slice3A_14 = vector.extract_strided_slice %get3A_1 {offsets = [0, 2], sizes = [1024, 1], strides = [1, 1]} : vector<1024x4xf32> to vector<1024x1xf32>
    %slice3A_15 = vector.extract_strided_slice %get3A_1 {offsets = [0, 0], sizes = [1024, 1], strides = [1, 1]} : vector<1024x4xf32> to vector<1024x1xf32>
    %sub3A = arith.subf %slice3A_14, %slice3A_15 : vector<1024x1xf32>
    %max3A = arith.constant 9.99999997E-7 : f32
    %max3A_16 = vector.broadcast %max3A : f32 to vector<1024x1xf32>
    %max3A_17 = arith.maximumf %sub3A, %max3A_16 : vector<1024x1xf32>
    %slice3A_18 = vector.extract_strided_slice %get3A_1 {offsets = [0, 3], sizes = [1024, 1], strides = [1, 1]} : vector<1024x4xf32> to vector<1024x1xf32>
    %slice3A_19 = vector.extract_strided_slice %get3A_1 {offsets = [0, 1], sizes = [1024, 1], strides = [1, 1]} : vector<1024x4xf32> to vector<1024x1xf32>
    %sub3A_20 = arith.subf %slice3A_18, %slice3A_19 : vector<1024x1xf32>
    %max3A_21 = arith.constant 9.99999997E-7 : f32
    %max3A_22 = vector.broadcast %max3A_21 : f32 to vector<1024x1xf32>
    %max3A_23 = arith.maximumf %sub3A_20, %max3A_22 : vector<1024x1xf32>
    %get3A_24 = arith.constant 0 : index
    %get3A_25 = arith.constant 0 : index
    %get3A_26 = memref.load %arg3[%get3A_24, %get3A_25] : memref<1x2xf32, #tpu.memory_space<smem>>
    %mul3A_27 = vector.broadcast %get3A_26 : f32 to vector<1024x1xf32>
    %mul3A_28 = arith.mulf %mul3A_7, %mul3A_27 : vector<1024x1xf32>
    %swap3A = arith.constant 0 : index
    %swap3A_29 = arith.constant 0 : index
    %swap3A_30 = vector.load %arg4[%swap3A, %swap3A_29] : memref<1024x528xf32, #tpu.memory_space<vmem>>, vector<1024x1xf32>
    tpu.vector_store %arg4[%swap3A, %swap3A_29], %mul3A_28 {strides = array<i32>} : memref<1024x528xf32, #tpu.memory_space<vmem>>, vector<1024x1xf32>,
    %get3A_31 = arith.constant 0 : index
    %get3A_32 = arith.constant 1 : index
    %get3A_33 = memref.load %arg3[%get3A_31, %get3A_32] : memref<1x2xf32, #tpu.memory_space<smem>>
    %mul3A_34 = vector.broadcast %get3A_33 : f32 to vector<1024x1xf32>
    %mul3A_35 = arith.mulf %mul3A_13, %mul3A_34 : vector<1024x1xf32>
    %swap3A_36 = arith.constant 0 : index
    %swap3A_37 = arith.constant 1 : index
    %swap3A_38 = vector.load %arg4[%swap3A_36, %swap3A_37] : memref<1024x528xf32, #tpu.memory_space<vmem>>, vector<1024x1xf32>
    tpu.vector_store %arg4[%swap3A_36, %swap3A_37], %mul3A_35 {strides = array<i32>} : memref<1024x528xf32, #tpu.memory_space<vmem>>, vector<1024x1xf32>,
    %log3A = math.log %max3A_17 : vector<1024x1xf32>
    %swap3A_39 = arith.constant 0 : index
    %swap3A_40 = arith.constant 2 : index
    %swap3A_41 = vector.load %arg4[%swap3A_39, %swap3A_40] : memref<1024x528xf32, #tpu.memory_space<vmem>>, vector<1024x1xf32>
    tpu.vector_store %arg4[%swap3A_39, %swap3A_40], %log3A {strides = array<i32>} : memref<1024x528xf32, #tpu.memory_space<vmem>>, vector<1024x1xf32>,
    %log3A_42 = math.log %max3A_23 : vector<1024x1xf32>
    %swap3A_43 = arith.constant 0 : index
    %swap3A_44 = arith.constant 3 : index
    %swap3A_45 = vector.load %arg4[%swap3A_43, %swap3A_44] : memref<1024x528xf32, #tpu.memory_space<vmem>>, vector<1024x1xf32>
    tpu.vector_store %arg4[%swap3A_43, %swap3A_44], %log3A_42 {strides = array<i32>} : memref<1024x528xf32, #tpu.memory_space<vmem>>, vector<1024x1xf32>,
    %swap3A_46 = arith.constant 0 : index
    %swap3A_47 = arith.constant 4 : index
    %swap3A_48 = vector.load %arg4[%swap3A_46, %swap3A_47] : memref<1024x528xf32, #tpu.memory_space<vmem>>, vector<1024x512xf32>
    tpu.vector_store %arg4[%swap3A_46, %swap3A_47], %get3A_4 {strides = array<i32>} : memref<1024x528xf32, #tpu.memory_space<vmem>>, vector<1024x512xf32>,
    %broadcast_in_dim3A = arith.constant 0.000000e+00 : f32
    %broadcast_in_dim3A_49 = vector.broadcast %broadcast_in_dim3A : f32 to vector<1024x12xf32>
    %swap3A_50 = arith.constant 0 : index
    %swap3A_51 = arith.constant 516 : index
    %swap3A_52 = vector.load %arg4[%swap3A_50, %swap3A_51] : memref<1024x528xf32, #tpu.memory_space<vmem>>, vector<1024x12xf32>
    tpu.vector_store %arg4[%swap3A_50, %swap3A_51], %broadcast_in_dim3A_49 {strides = array<i32>} : memref<1024x528xf32, #tpu.memory_space<vmem>>, vector<1024x12xf32>,
    return
  }
  func.func @transform_0(%arg0: i32) -> (i32, i32) {
    %c0_i32 = arith.constant 0 : i32
    %c0_i32_0 = arith.constant 0 : i32
    return %arg0, %c0_i32 : i32, i32
  }
  func.func @transform_1(%arg0: i32) -> (i32, i32) {
    %c0_i32 = arith.constant 0 : i32
    %c0_i32_0 = arith.constant 0 : i32
    return %arg0, %c0_i32 : i32, i32
  }
  func.func @transform_2(%arg0: i32) -> (i32, i32) {
    %c0_i32 = arith.constant 0 : i32
    %c0_i32_0 = arith.constant 0 : i32
    %c0_i32_1 = arith.constant 0 : i32
    return %c0_i32, %c0_i32_0 : i32, i32
  }
  func.func @transform_3(%arg0: i32) -> (i32, i32) {
    %c0_i32 = arith.constant 0 : i32
    %c0_i32_0 = arith.constant 0 : i32
    return %arg0, %c0_i32 : i32, i32
  }
}

module attributes {stable_mosaic.version = 14 : i64} {
  func.func @_topk_body(%arg0: i32, %arg1: i32, %arg2: memref<512x512xf32, #tpu.memory_space<vmem>>, %arg3: memref<2048x512xf32, #tpu.memory_space<vmem>>, %arg4: memref<512x32xi32, #tpu.memory_space<vmem>>, %arg5: memref<512x32xf32, #tpu.memory_space<vmem>>, %arg6: memref<512x32xi32, #tpu.memory_space<vmem>>) attributes {dimension_semantics = [#tpu.dimension_semantics<arbitrary>, #tpu.dimension_semantics<arbitrary>], iteration_bounds = array<i64: 8, 8>, scalar_prefetch = 0 : i64, scratch_operands = 2 : i64, tpu.core_type = #tpu.core_type<tc>, window_params = [{transform_indices = @transform_0, window_bounds = array<i64: 512, 512>}, {transform_indices = @transform_1, window_bounds = array<i64: 2048, 512>}, {transform_indices = @transform_2, window_bounds = array<i64: 512, 32>}]} {
    %eq3A = arith.constant 0 : i32
    %eq3A_0 = arith.cmpi eq, %arg1, %eq3A : i32
    %convert_element_type3A = arith.extui %eq3A_0 : i1 to i32
    %cond3A = arith.constant 0 : i32
    %cond3A_1 = arith.cmpi ne, %convert_element_type3A, %cond3A : i32
    scf.if %cond3A_1 {
      %broadcast_in_dim3A_61 = arith.constant 0xFF800000 : f32
      %broadcast_in_dim3A_62 = vector.broadcast %broadcast_in_dim3A_61 : f32 to vector<512x32xf32>
      %swap3A_63 = arith.constant 0 : index
      %swap3A_64 = arith.constant 0 : index
      %swap3A_65 = vector.load %arg5[%swap3A_63, %swap3A_64] : memref<512x32xf32, #tpu.memory_space<vmem>>, vector<512x32xf32>
      tpu.vector_store %arg5[%swap3A_63, %swap3A_64], %broadcast_in_dim3A_62 {strides = array<i32>} : memref<512x32xf32, #tpu.memory_space<vmem>>, vector<512x32xf32>,
      %broadcast_in_dim3A_66 = arith.constant 0 : i32
      %broadcast_in_dim3A_67 = vector.broadcast %broadcast_in_dim3A_66 : i32 to vector<512x32xi32>
      %swap3A_68 = arith.constant 0 : index
      %swap3A_69 = arith.constant 0 : index
      %swap3A_70 = vector.load %arg6[%swap3A_68, %swap3A_69] : memref<512x32xi32, #tpu.memory_space<vmem>>, vector<512x32xi32>
      tpu.vector_store %arg6[%swap3A_68, %swap3A_69], %broadcast_in_dim3A_67 {strides = array<i32>} : memref<512x32xi32, #tpu.memory_space<vmem>>, vector<512x32xi32>,
    } else {
    }
    %get3A = arith.constant 0 : index
    %get3A_2 = arith.constant 0 : index
    %get3A_3 = vector.load %arg2[%get3A, %get3A_2] : memref<512x512xf32, #tpu.memory_space<vmem>>, vector<512x512xf32>
    %get3A_4 = arith.constant 0 : index
    %get3A_5 = arith.constant 0 : index
    %get3A_6 = vector.load %arg3[%get3A_4, %get3A_5] : memref<2048x512xf32, #tpu.memory_space<vmem>>, vector<2048x512xf32>
    %dot_general3A = arith.constant dense<0.000000e+00> : vector<512x2048xf32>
    %dot_general3A_7 = tpu.matmul %get3A_3, %get3A_6, %dot_general3A {dimension_numbers = #tpu.dot_dimension_numbers<[1], [1], [0], [0], [0, 0, 1, 0], [], []>, transpose_lhs_hint = false} : vector<512x512xf32>, vector<2048x512xf32>, vector<512x2048xf32> -> vector<512x2048xf32>
    %iota3A = tpu.iota {dimensions = array<i32: 1>} : vector<512x32xi32>
    %get3A_8 = arith.constant 0 : index
    %get3A_9 = arith.constant 31 : index
    %get3A_10 = vector.load %arg5[%get3A_8, %get3A_9] : memref<512x32xf32, #tpu.memory_space<vmem>>, vector<512x1xf32>
    %gt3A = vector.broadcast %get3A_10 : vector<512x1xf32> to vector<512x2048xf32>
    %gt3A_11 = arith.cmpf ogt, %dot_general3A_7, %gt3A : vector<512x2048xf32>
    %convert_element_type3A_12 = arith.extui %gt3A_11 : vector<512x2048xi1> to vector<512x2048xi32>
    %reduce_sum3A = arith.constant dense<0> : vector<512xi32>
    %reduce_sum3A_13 = vector.multi_reduction <add>, %convert_element_type3A_12, %reduce_sum3A [1] : vector<512x2048xi32> to vector<512xi32>
    %broadcast_in_dim3A = vector.shape_cast %reduce_sum3A_13 : vector<512xi32> to vector<512x1xi32>
    %reduce_max3A = vector.shape_cast %broadcast_in_dim3A : vector<512x1xi32> to vector<1x512x1xi32>
    %reduce_max3A_14 = arith.constant dense<-2147483648> : vector<1xi32>
    %reduce_max3A_15 = vector.multi_reduction <maxsi>, %reduce_max3A, %reduce_max3A_14 [1, 2] : vector<1x512x1xi32> to vector<1xi32>
    %reduce_max3A_16 = vector.shape_cast %reduce_max3A_15 : vector<1xi32> to vector<1x1x1xi32>
    %reduce_max3A_17 = vector.extract %reduce_max3A_16[0, 0, 0] : i32 from vector<1x1x1xi32>
    %min3A = arith.constant 32 : i32
    %min3A_18 = arith.minsi %reduce_max3A_17, %min3A : i32
    %broadcast_in_dim3A_19 = arith.constant 0xFF800000 : f32
    %broadcast_in_dim3A_20 = vector.broadcast %broadcast_in_dim3A_19 : f32 to vector<512x32xf32>
    %broadcast_in_dim3A_21 = arith.constant 0 : i32
    %broadcast_in_dim3A_22 = vector.broadcast %broadcast_in_dim3A_21 : i32 to vector<512x32xi32>
    %while3A = arith.constant 2147483647 : i32
    %while3A_23 = arith.constant 0 : i32
    %while3A_24 = arith.subi %min3A_18, %while3A_23 : i32
    %while3A_25 = arith.addi %while3A_23, %while3A_24 : i32
    %while3A_26 = arith.constant 1 : i32
    %while3A_27 = arith.divsi %while3A_24, %while3A_26 : i32
    %while3A_28 = arith.muli %while3A_27, %while3A_26 : i32
    %while3A_29 = arith.addi %while3A_23, %while3A_28 : i32
    %while3A_30 = arith.constant 1 : i32
    %while3A_31:3 = scf.for %while3A_61 = %while3A_23 to %while3A_29 step %while3A_30 iter_args(%while3A_62 = %dot_general3A_7, %while3A_63 = %broadcast_in_dim3A_20, %while3A_64 = %broadcast_in_dim3A_22) -> (vector<512x2048xf32>, vector<512x32xf32>, vector<512x32xi32>)  : i32 {
      %reduce_max3A_65 = arith.constant dense<0xFF800000> : vector<512xf32>
      %reduce_max3A_66 = vector.multi_reduction <maximumf>, %while3A_62, %reduce_max3A_65 [1] : vector<512x2048xf32> to vector<512xf32>
      %broadcast_in_dim3A_67 = vector.shape_cast %reduce_max3A_66 : vector<512xf32> to vector<512x1xf32>
      %eq3A_68 = vector.broadcast %broadcast_in_dim3A_67 : vector<512x1xf32> to vector<512x2048xf32>
      %eq3A_69 = arith.cmpf oeq, %while3A_62, %eq3A_68 : vector<512x2048xf32>
      %iota3A_70 = tpu.iota {dimensions = array<i32: 1>} : vector<512x2048xi32>
      %mul3A = arith.constant 2048 : i32
      %mul3A_71 = arith.muli %arg1, %mul3A : i32
      %add3A = vector.broadcast %mul3A_71 : i32 to vector<512x2048xi32>
      %add3A_72 = arith.addi %iota3A_70, %add3A : vector<512x2048xi32>
      %broadcast_in_dim3A_73 = vector.broadcast %while3A : i32 to vector<512x2048xi32>
      %select_n3A = arith.select %eq3A_69, %add3A_72, %broadcast_in_dim3A_73 : vector<512x2048xi1>, vector<512x2048xi32>
      %reduce_min3A = arith.constant dense<2147483647> : vector<512xi32>
      %reduce_min3A_74 = vector.multi_reduction <minsi>, %select_n3A, %reduce_min3A [1] : vector<512x2048xi32> to vector<512xi32>
      %broadcast_in_dim3A_75 = vector.shape_cast %reduce_min3A_74 : vector<512xi32> to vector<512x1xi32>
      %iota3A_76 = tpu.iota {dimensions = array<i32: 1>} : vector<512x2048xi32>
      %mul3A_77 = arith.constant 2048 : i32
      %mul3A_78 = arith.muli %arg1, %mul3A_77 : i32
      %add3A_79 = vector.broadcast %mul3A_78 : i32 to vector<512x2048xi32>
      %add3A_80 = arith.addi %iota3A_76, %add3A_79 : vector<512x2048xi32>
      %eq3A_81 = vector.broadcast %broadcast_in_dim3A_75 : vector<512x1xi32> to vector<512x2048xi32>
      %eq3A_82 = arith.cmpi eq, %add3A_80, %eq3A_81 : vector<512x2048xi32>
      %jit3A = arith.constant 0xFF800000 : f32
      %broadcast_in_dim3A_83 = vector.broadcast %jit3A : f32 to vector<512x2048xf32>
      %select_n3A_84 = arith.select %eq3A_82, %broadcast_in_dim3A_83, %while3A_62 : vector<512x2048xi1>, vector<512x2048xf32>
      %eq3A_85 = vector.broadcast %while3A_61 : i32 to vector<512x32xi32>
      %eq3A_86 = arith.cmpi eq, %iota3A, %eq3A_85 : vector<512x32xi32>
      %broadcast_in_dim3A_87 = vector.shape_cast %broadcast_in_dim3A_67 : vector<512x1xf32> to vector<512x1xf32>
      %broadcast_in_dim3A_88 = vector.broadcast %broadcast_in_dim3A_87 : vector<512x1xf32> to vector<512x32xf32>
      %select_n3A_89 = arith.select %eq3A_86, %broadcast_in_dim3A_88, %while3A_63 : vector<512x32xi1>, vector<512x32xf32>
      %eq3A_90 = vector.broadcast %while3A_61 : i32 to vector<512x32xi32>
      %eq3A_91 = arith.cmpi eq, %iota3A, %eq3A_90 : vector<512x32xi32>
      %broadcast_in_dim3A_92 = vector.shape_cast %broadcast_in_dim3A_75 : vector<512x1xi32> to vector<512x1xi32>
      %broadcast_in_dim3A_93 = vector.broadcast %broadcast_in_dim3A_92 : vector<512x1xi32> to vector<512x32xi32>
      %select_n3A_94 = arith.select %eq3A_91, %broadcast_in_dim3A_93, %while3A_64 : vector<512x32xi1>, vector<512x32xi32>
      scf.yield %select_n3A_84, %select_n3A_89, %select_n3A_94 : vector<512x2048xf32>, vector<512x32xf32>, vector<512x32xi32>
    }
    %while3A_32 = arith.constant 1 : i32
    %while3A_33:3 = scf.for %while3A_61 = %while3A_29 to %while3A_25 step %while3A_32 iter_args(%while3A_62 = %while3A_31#0, %while3A_63 = %while3A_31#1, %while3A_64 = %while3A_31#2) -> (vector<512x2048xf32>, vector<512x32xf32>, vector<512x32xi32>)  : i32 {
      %reduce_max3A_65 = arith.constant dense<0xFF800000> : vector<512xf32>
      %reduce_max3A_66 = vector.multi_reduction <maximumf>, %while3A_62, %reduce_max3A_65 [1] : vector<512x2048xf32> to vector<512xf32>
      %broadcast_in_dim3A_67 = vector.shape_cast %reduce_max3A_66 : vector<512xf32> to vector<512x1xf32>
      %eq3A_68 = vector.broadcast %broadcast_in_dim3A_67 : vector<512x1xf32> to vector<512x2048xf32>
      %eq3A_69 = arith.cmpf oeq, %while3A_62, %eq3A_68 : vector<512x2048xf32>
      %iota3A_70 = tpu.iota {dimensions = array<i32: 1>} : vector<512x2048xi32>
      %mul3A = arith.constant 2048 : i32
      %mul3A_71 = arith.muli %arg1, %mul3A : i32
      %add3A = vector.broadcast %mul3A_71 : i32 to vector<512x2048xi32>
      %add3A_72 = arith.addi %iota3A_70, %add3A : vector<512x2048xi32>
      %broadcast_in_dim3A_73 = vector.broadcast %while3A : i32 to vector<512x2048xi32>
      %select_n3A = arith.select %eq3A_69, %add3A_72, %broadcast_in_dim3A_73 : vector<512x2048xi1>, vector<512x2048xi32>
      %reduce_min3A = arith.constant dense<2147483647> : vector<512xi32>
      %reduce_min3A_74 = vector.multi_reduction <minsi>, %select_n3A, %reduce_min3A [1] : vector<512x2048xi32> to vector<512xi32>
      %broadcast_in_dim3A_75 = vector.shape_cast %reduce_min3A_74 : vector<512xi32> to vector<512x1xi32>
      %iota3A_76 = tpu.iota {dimensions = array<i32: 1>} : vector<512x2048xi32>
      %mul3A_77 = arith.constant 2048 : i32
      %mul3A_78 = arith.muli %arg1, %mul3A_77 : i32
      %add3A_79 = vector.broadcast %mul3A_78 : i32 to vector<512x2048xi32>
      %add3A_80 = arith.addi %iota3A_76, %add3A_79 : vector<512x2048xi32>
      %eq3A_81 = vector.broadcast %broadcast_in_dim3A_75 : vector<512x1xi32> to vector<512x2048xi32>
      %eq3A_82 = arith.cmpi eq, %add3A_80, %eq3A_81 : vector<512x2048xi32>
      %jit3A = arith.constant 0xFF800000 : f32
      %broadcast_in_dim3A_83 = vector.broadcast %jit3A : f32 to vector<512x2048xf32>
      %select_n3A_84 = arith.select %eq3A_82, %broadcast_in_dim3A_83, %while3A_62 : vector<512x2048xi1>, vector<512x2048xf32>
      %eq3A_85 = vector.broadcast %while3A_61 : i32 to vector<512x32xi32>
      %eq3A_86 = arith.cmpi eq, %iota3A, %eq3A_85 : vector<512x32xi32>
      %broadcast_in_dim3A_87 = vector.shape_cast %broadcast_in_dim3A_67 : vector<512x1xf32> to vector<512x1xf32>
      %broadcast_in_dim3A_88 = vector.broadcast %broadcast_in_dim3A_87 : vector<512x1xf32> to vector<512x32xf32>
      %select_n3A_89 = arith.select %eq3A_86, %broadcast_in_dim3A_88, %while3A_63 : vector<512x32xi1>, vector<512x32xf32>
      %eq3A_90 = vector.broadcast %while3A_61 : i32 to vector<512x32xi32>
      %eq3A_91 = arith.cmpi eq, %iota3A, %eq3A_90 : vector<512x32xi32>
      %broadcast_in_dim3A_92 = vector.shape_cast %broadcast_in_dim3A_75 : vector<512x1xi32> to vector<512x1xi32>
      %broadcast_in_dim3A_93 = vector.broadcast %broadcast_in_dim3A_92 : vector<512x1xi32> to vector<512x32xi32>
      %select_n3A_94 = arith.select %eq3A_91, %broadcast_in_dim3A_93, %while3A_64 : vector<512x32xi1>, vector<512x32xi32>
      scf.yield %select_n3A_84, %select_n3A_89, %select_n3A_94 : vector<512x2048xf32>, vector<512x32xf32>, vector<512x32xi32>
    }
    %get3A_34 = arith.constant 0 : index
    %get3A_35 = arith.constant 0 : index
    %get3A_36 = vector.load %arg5[%get3A_34, %get3A_35] : memref<512x32xf32, #tpu.memory_space<vmem>>, vector<512x32xf32>
    %concatenate3A = tpu.concatenate %get3A_36, %while3A_33#1 in 1 : vector<512x32xf32>, vector<512x32xf32> -> vector<512x64xf32>
    %get3A_37 = arith.constant 0 : index
    %get3A_38 = arith.constant 0 : index
    %get3A_39 = vector.load %arg6[%get3A_37, %get3A_38] : memref<512x32xi32, #tpu.memory_space<vmem>>, vector<512x32xi32>
    %concatenate3A_40 = tpu.concatenate %get3A_39, %while3A_33#2 in 1 : vector<512x32xi32>, vector<512x32xi32> -> vector<512x64xi32>
    %broadcast_in_dim3A_41 = arith.constant 0.000000e+00 : f32
    %broadcast_in_dim3A_42 = vector.broadcast %broadcast_in_dim3A_41 : f32 to vector<512x32xf32>
    %broadcast_in_dim3A_43 = arith.constant 0 : i32
    %broadcast_in_dim3A_44 = vector.broadcast %broadcast_in_dim3A_43 : i32 to vector<512x32xi32>
    %scan3A = arith.constant 2147483647 : i32
    %scan3A_45 = arith.constant 0 : i32
    %scan3A_46 = arith.constant 32 : i32
    %scan3A_47 = arith.addi %scan3A_45, %scan3A_46 : i32
    %scan3A_48 = arith.constant 1 : i32
    %scan3A_49:3 = scf.for %scan3A_61 = %scan3A_45 to %scan3A_47 step %scan3A_48 iter_args(%scan3A_62 = %concatenate3A, %scan3A_63 = %broadcast_in_dim3A_42, %scan3A_64 = %broadcast_in_dim3A_44) -> (vector<512x64xf32>, vector<512x32xf32>, vector<512x32xi32>)  : i32 {
      %reduce_max3A_65 = arith.constant dense<0xFF800000> : vector<512xf32>
      %reduce_max3A_66 = vector.multi_reduction <maximumf>, %scan3A_62, %reduce_max3A_65 [1] : vector<512x64xf32> to vector<512xf32>
      %broadcast_in_dim3A_67 = vector.shape_cast %reduce_max3A_66 : vector<512xf32> to vector<512x1xf32>
      %eq3A_68 = vector.broadcast %broadcast_in_dim3A_67 : vector<512x1xf32> to vector<512x64xf32>
      %eq3A_69 = arith.cmpf oeq, %scan3A_62, %eq3A_68 : vector<512x64xf32>
      %broadcast_in_dim3A_70 = vector.broadcast %scan3A : i32 to vector<512x64xi32>
      %select_n3A = arith.select %eq3A_69, %concatenate3A_40, %broadcast_in_dim3A_70 : vector<512x64xi1>, vector<512x64xi32>
      %reduce_min3A = arith.constant dense<2147483647> : vector<512xi32>
      %reduce_min3A_71 = vector.multi_reduction <minsi>, %select_n3A, %reduce_min3A [1] : vector<512x64xi32> to vector<512xi32>
      %broadcast_in_dim3A_72 = vector.shape_cast %reduce_min3A_71 : vector<512xi32> to vector<512x1xi32>
      %eq3A_73 = vector.broadcast %broadcast_in_dim3A_72 : vector<512x1xi32> to vector<512x64xi32>
      %eq3A_74 = arith.cmpi eq, %concatenate3A_40, %eq3A_73 : vector<512x64xi32>
      %and3A = arith.andi %eq3A_69, %eq3A_74 : vector<512x64xi1>
      %jit3A = arith.constant 0xFF800000 : f32
      %broadcast_in_dim3A_75 = vector.broadcast %jit3A : f32 to vector<512x64xf32>
      %select_n3A_76 = arith.select %and3A, %broadcast_in_dim3A_75, %scan3A_62 : vector<512x64xi1>, vector<512x64xf32>
      %eq3A_77 = vector.broadcast %scan3A_61 : i32 to vector<512x32xi32>
      %eq3A_78 = arith.cmpi eq, %iota3A, %eq3A_77 : vector<512x32xi32>
      %broadcast_in_dim3A_79 = vector.shape_cast %broadcast_in_dim3A_67 : vector<512x1xf32> to vector<512x1xf32>
      %broadcast_in_dim3A_80 = vector.broadcast %broadcast_in_dim3A_79 : vector<512x1xf32> to vector<512x32xf32>
      %select_n3A_81 = arith.select %eq3A_78, %broadcast_in_dim3A_80, %scan3A_63 : vector<512x32xi1>, vector<512x32xf32>
      %eq3A_82 = vector.broadcast %scan3A_61 : i32 to vector<512x32xi32>
      %eq3A_83 = arith.cmpi eq, %iota3A, %eq3A_82 : vector<512x32xi32>
      %broadcast_in_dim3A_84 = vector.shape_cast %broadcast_in_dim3A_72 : vector<512x1xi32> to vector<512x1xi32>
      %broadcast_in_dim3A_85 = vector.broadcast %broadcast_in_dim3A_84 : vector<512x1xi32> to vector<512x32xi32>
      %select_n3A_86 = arith.select %eq3A_83, %broadcast_in_dim3A_85, %scan3A_64 : vector<512x32xi1>, vector<512x32xi32>
      scf.yield %select_n3A_76, %select_n3A_81, %select_n3A_86 : vector<512x64xf32>, vector<512x32xf32>, vector<512x32xi32>
    }
    %scan3A_50 = arith.constant 32 : i32
    %swap3A = arith.constant 0 : index
    %swap3A_51 = arith.constant 0 : index
    %swap3A_52 = vector.load %arg5[%swap3A, %swap3A_51] : memref<512x32xf32, #tpu.memory_space<vmem>>, vector<512x32xf32>
    tpu.vector_store %arg5[%swap3A, %swap3A_51], %scan3A_49#1 {strides = array<i32>} : memref<512x32xf32, #tpu.memory_space<vmem>>, vector<512x32xf32>,
    %swap3A_53 = arith.constant 0 : index
    %swap3A_54 = arith.constant 0 : index
    %swap3A_55 = vector.load %arg6[%swap3A_53, %swap3A_54] : memref<512x32xi32, #tpu.memory_space<vmem>>, vector<512x32xi32>
    tpu.vector_store %arg6[%swap3A_53, %swap3A_54], %scan3A_49#2 {strides = array<i32>} : memref<512x32xi32, #tpu.memory_space<vmem>>, vector<512x32xi32>,
    %eq3A_56 = arith.constant 7 : i32
    %eq3A_57 = arith.cmpi eq, %arg1, %eq3A_56 : i32
    %convert_element_type3A_58 = arith.extui %eq3A_57 : i1 to i32
    %cond3A_59 = arith.constant 0 : i32
    %cond3A_60 = arith.cmpi ne, %convert_element_type3A_58, %cond3A_59 : i32
    scf.if %cond3A_60 {
      %get3A_61 = arith.constant 0 : index
      %get3A_62 = arith.constant 0 : index
      %get3A_63 = vector.load %arg6[%get3A_61, %get3A_62] : memref<512x32xi32, #tpu.memory_space<vmem>>, vector<512x32xi32>
      %swap3A_64 = arith.constant 0 : index
      %swap3A_65 = arith.constant 0 : index
      %swap3A_66 = vector.load %arg4[%swap3A_64, %swap3A_65] : memref<512x32xi32, #tpu.memory_space<vmem>>, vector<512x32xi32>
      tpu.vector_store %arg4[%swap3A_64, %swap3A_65], %get3A_63 {strides = array<i32>} : memref<512x32xi32, #tpu.memory_space<vmem>>, vector<512x32xi32>,
    } else {
    }
    return
  }
  func.func @transform_0(%arg0: i32, %arg1: i32) -> (i32, i32) {
    %c0_i32 = arith.constant 0 : i32
    %c0_i32_0 = arith.constant 0 : i32
    return %arg0, %c0_i32 : i32, i32
  }
  func.func @transform_1(%arg0: i32, %arg1: i32) -> (i32, i32) {
    %c0_i32 = arith.constant 0 : i32
    %c0_i32_0 = arith.constant 0 : i32
    return %arg1, %c0_i32 : i32, i32
  }
  func.func @transform_2(%arg0: i32, %arg1: i32) -> (i32, i32) {
    %c0_i32 = arith.constant 0 : i32
    %c0_i32_0 = arith.constant 0 : i32
    return %arg0, %c0_i32 : i32, i32
  }
}

</mosaic_0001>

<sc_bundles>
// kernel: kernel.8.cloned.1.call-start
scs
__scs_entry_jumppad:
0x0: {  	(pc) =	sbr.rel $0x88, $3  }
0x1: {  	(tag) =	ssettag $0x0;
	lr =	simm.s32 $0x1  }
0x2: {  	[smem:$0x3F9B] =	sst lr;
	_ =	strace $0xD0000000  }
0x3: {  	_ = 	snop  }
0x4: {  	_ = 	snop  }
0x5: {  	_ = 	snop  }
0x6: {  	_ = 	snop  }
0x7: {  	_ = 	snop  }
__scs_overlays_trampoline_lowered:
0x8: {  	[smem:$0x3FAA] =	sst s0  }
0x9: {  	[smem:$0x3FAB] =	sst s1  }
0xa: {  	[smem:$0x3FAC] =	sst s2  }
0xb: {  	[smem:$0x3FAD] =	sst s3  }
0xc: {  	[smem:$0x3FAE] =	sst s4  }
0xd: {  	[smem:$0x3FAF] =	sst s5  }
0xe: {  	[smem:$0x3FB0] =	sst s6  }
0xf: {  	[smem:$0x3FB1] =	sst s7  }
0x10: {  	[smem:$0x3FB2] =	sst s8  }
0x11: {  	[smem:$0x3FB3] =	sst s9;
	s0 =	simm.s32 @!p0 $0x0  }
0x12: {  	s1 =	sld [smem:$0x3F99];
	s0 =	simm.s32 @p0 $0x1  }
0x13: {  	[smem:$0x3FB4] =	sst s0;
	s0 =	simm.s32 @!p1 $0x0  }
0x14: {  	s2 =	sld [smem:$0x3F98];
	s0 =	simm.s32 @p1 $0x1  }
0x15: {  	[smem:$0x3FB5] =	sst s0;
	s0 =	simm.s32 @!p2 $0x0  }
0x16: {  	s3 =	sld [smem:$0x3FDB];
	s0 =	simm.s32 @p2 $0x1  }
0x17: {  	s4 =	simm.s32 $0x1BF5;
	[smem:$0x3FB7] =	sst s0  }
0x18: {  	s0 =	sld [smem:$0x3F9A];
	_ =	swait.ge [sflag:s4], $0x0  }
0x19: {  	s7 =	sld [smem:$0x3F9B]  }
0x1a: {  	s8 =	sadd.s32 $0xFFFFE003, lr  }
0x1b: {  	s9 =	sadd.s32 $0xFFFFFEF7, lr;
	s5 =	simm.s32 $0xFFFFFFFF;
	p2 =	slt.u32 s8, $0xFFFFF086  }
0x1c: {  	p1 =	slt.u32 s9, $0xF7A;
	s5 =	simm.s32 @!p2 $0x0  }
0x1d: {  	s5 =	simm.s32 @p1 $0x1;
	p0 =	seq.s32 s7, s2  }
0x1e: {  	s7 =	smul.u32 @!p0 $0xF7A, s2;
	p2 =	seq.s32 @!p0 s5, $0x0  }
0x1f: {  	s9 =	smul.u32 $0xF7A, s1;
	s8 =	simm.s32 @!p0 $0x1BF5;
	p2 =	por !p2, p0  }
0x20: {  	[sflag:s8] =	ssyncset.s32 @!p0 $0xFFFFF086;
	s6 =	sadd.s32 @!p0 s3, s7;
	s7 =	simm.s32 @!p0 $0x108  }
0x21: {  	s3 =	sadd.s32 s3, s9;
	s6 =	sadd.s32 @!p0 $0x88, s6;
	s7 =	simm.s32 @p2 $0x1082  }
0x22: {  	[simem:s7], [sflag:s8] =	dma.local @!p0 [hbm:s6], $0xF7A  }
0x23: {  	s9 =	sor.u32 $0xD0000000, s2;
	s6 =	simm.s32 $0x108;
	_ =	swait.ge @!p0 [sflag:s8], $0x0  }
0x24: {  	s3 =	sadd.s32 $0x88, s3;
	s6 =	simm.s32 @!p1 $0x1082;
	[sflag:s4] =	ssyncset.s32 $0xFFFFF086  }
0x25: {  	[simem:s6], [sflag:s4] =	dma.local [hbm:s3], $0xF7A  }
0x26: {  	[smem:$0x3F9B] =	sst s1;
	(tag) =	ssettag s2;
	_ =	strace s9  }
0x27: {  	s1 =	sld [smem:$0x3FAB]  }
0x28: {  	s2 =	sld [smem:$0x3FAC]  }
0x29: {  	s4 =	sld [smem:$0x3FAE]  }
0x2a: {  	p0 =	seq.s32 s5, $0x0;
	s5 =	sld [smem:$0x3FAF]  }
0x2b: {  	s6 =	sld [smem:$0x3FB0]  }
0x2c: {  	s7 =	sld [smem:$0x3FB1]  }
0x2d: {  	s3 =	simm.s32 $0x108;
	s8 =	sld [smem:$0x3FB2]  }
0x2e: {  	s3 =	simm.s32 @!p0 $0x1082;
	s9 =	sld [smem:$0x3FB3]  }
0x2f: {  	lr =	sadd.s32 s0, s3;
	s0 =	sld [smem:$0x3FAA]  }
0x30: {  	s3 =	sld [smem:$0x3FAD]  }
0x31: {  	[smem:$0x3FB6] =	sst s10  }
0x32: {  	s10 =	sld [smem:$0x3FB4];
	_ =	sdelay $0x3  }
0x33: {  	p0 =	seq.s32 s10, $0x1;
	s10 =	sld [smem:$0x3FB6];
	_ =	sdelay $0x3  }
0x34: {  	[smem:$0x3FB6] =	sst s10  }
0x35: {  	s10 =	sld [smem:$0x3FB5];
	_ =	sdelay $0x3  }
0x36: {  	p1 =	seq.s32 s10, $0x1;
	s10 =	sld [smem:$0x3FB6];
	_ =	sdelay $0x3  }
0x37: {  	[smem:$0x3FB6] =	sst s10  }
0x38: {  	s10 =	sld [smem:$0x3FB7]  }
0x39: {  	_ = 	snop;
	(pc) =	sbr.ind lr, $3  }
0x3a: {  	_ = 	snop  }
0x3b: {  	_ = 	snop  }
0x3c: {  	p2 =	seq.s32 s10, $0x1;
	s10 =	sld [smem:$0x3FB6]  }
0x3d: {  	_ =	shalt  }
0x3e: {  	_ =	shalt  }
0x3f: {  	_ =	shalt  }
0x40: {  	_ =	shalt  }
0x41: {  	_ =	shalt  }
0x42: {  	_ =	shalt  }
0x43: {  	_ =	shalt  }
0x44: {  	_ =	shalt  }
0x45: {  	_ =	shalt  }
0x46: {  	_ =	shalt  }
0x47: {  	_ =	shalt  }
0x48: {  	_ =	shalt  }
0x49: {  	_ =	shalt  }
0x4a: {  	_ =	shalt  }
0x4b: {  	_ =	shalt  }
0x4c: {  	_ =	shalt  }
0x4d: {  	_ =	shalt  }
0x4e: {  	_ =	shalt  }
0x4f: {  	_ =	shalt  }
0x50: {  	_ =	shalt  }
0x51: {  	_ =	shalt  }
0x52: {  	_ =	shalt  }
0x53: {  	_ =	shalt  }
0x54: {  	_ =	shalt  }
0x55: {  	_ =	shalt  }
0x56: {  	_ =	shalt  }
0x57: {  	_ =	shalt  }
0x58: {  	_ =	shalt  }
0x59: {  	_ =	shalt  }
0x5a: {  	_ =	shalt  }
0x5b: {  	_ =	shalt  }
0x5c: {  	_ =	shalt  }
0x5d: {  	_ =	shalt  }
0x5e: {  	_ =	shalt  }
0x5f: {  	_ =	shalt  }
0x60: {  	_ =	shalt  }
0x61: {  	_ =	shalt  }
0x62: {  	_ =	shalt  }
0x63: {  	_ =	shalt  }
0x64: {  	_ =	shalt  }
0x65: {  	_ =	shalt  }
0x66: {  	_ =	shalt  }
0x67: {  	_ =	shalt  }
0x68: {  	_ =	shalt  }
0x69: {  	_ =	shalt  }
0x6a: {  	_ =	shalt  }
0x6b: {  	_ =	shalt  }
0x6c: {  	_ =	shalt  }
0x6d: {  	_ =	shalt  }
0x6e: {  	_ =	shalt  }
0x6f: {  	_ =	shalt  }
0x70: {  	_ =	shalt  }
0x71: {  	_ =	shalt  }
0x72: {  	_ =	shalt  }
0x73: {  	_ =	shalt  }
0x74: {  	_ =	shalt  }
0x75: {  	_ =	shalt  }
0x76: {  	_ =	shalt  }
0x77: {  	_ =	shalt  }
0x78: {  	_ =	shalt  }
0x79: {  	_ =	shalt  }
0x7a: {  	_ =	shalt  }
0x7b: {  	_ =	shalt  }
0x7c: {  	_ =	shalt  }
0x7d: {  	_ =	shalt  }
0x7e: {  	_ =	shalt  }
0x7f: {  	_ =	shalt  }
0x80: {  	_ =	shalt  }
0x81: {  	_ =	shalt  }
0x82: {  	_ =	shalt  }
0x83: {  	_ =	shalt  }
0x84: {  	_ =	shalt  }
0x85: {  	_ =	shalt  }
0x86: {  	_ =	shalt  }
0x87: {  	_ =	shalt  }
.Lfunc_end0:
.L_simem_size_0:
called_computation.1_lowered:
.L_overlay_start_0:
0x88: {  	s2 =	sld [smem:$0x3FD9]  }
0x89: {  	s3 =	sld [smem:$0x3FFE];
	_ =	sdelay $0x1  }
0x8a: {  	s1 =	srdreg.scid  }
0x8b: {  	s0 =	sand.u32 $0x1, s1  }
0x8c: {  	s17 =	sshll.u32 s0, $0xA;
	s2 =	sadd.s32 s3, s2  }
0x8d: {  	s2 =	sadd.s32 s2, s17  }
0x8e: {  	[smem:$0x3FC2] =	sst s2  }
0x8f: {  	_ = 	snop  }
0x90: {  	s2 =	sld [smem:$0x3FD0];
	(tm) =	ssettm $0x1  }
0x91: {  	s18 =	sld [smem:$0x3FFB];
	_ =	sdelay $0x3  }
0x92: {  	_ =	strace s18  }
0x93: {  	s3 =	sld [smem:$0x3FFC];
	_ =	sdelay $0x3  }
0x94: {  	_ =	strace s3  }
0x95: {  	s3 =	sld [smem:$0x3FFD];
	_ =	sdelay $0x3  }
0x96: {  	_ =	strace s3  }
0x97: {  	_ =	strace $0x8FFFFFFF  }
0x98: {  	s19 =	sld [smem:$0x3FDB];
	_ =	sdelay $0x1  }
0x99: {  	s4 =	simm.s32 $_scs_section_size  }
0x9a: {  	s5 =	simm.s32 $_size__tile_overlayer_lowered;
	s6 =	simm.s32 $_tile_overlayer_lowered  }
0x9b: {  	s22 =	simm.s32 $0x1BFF;
	s21 =	sshll.u32 s6, $0x1;
	s3 =	sadd.s32 s4, s19  }
0x9c: {  	s7 =	simm.s32 $0x0;
	s20 =	sshll.u32 s5, $0x1;
	s5 =	sadd.s32 s21, s3  }
0x9d: {  	[timem:s7], [sflag:s22] =	dma.local [hbm:s5], s20  }
0x9e: {  	_ =	swait.ge [sflag:s22], s20  }
0x9f: {  	s4 =	ssub.s32 $0x0, s20;
	[sflag:s22] =	ssyncset.done $0x0  }
0xa0: {  	[sflag:s22] =	ssyncadd.s32 s4;
	_ =	sdelay $0x1  }
0xa1: {  	s23 =	simm.s32 $0x1B8B  }
0xa2: {  	_ =	swait.ge [sflag:s23], $0x1  }
0xa3: {  	[sflag:s23] =	ssyncset.done $0x0  }
0xa4: {  	s25 =	simm.s32 $0x1B8E;
	s24 =	sld [smem:$0x3FFE];
	[sflag:s23] =	ssyncadd.s32 $0xFFFFFFFF  }
0xa5: {  	s26 =	simm.s32 $execute0_lowered;
	[smem:$0x3FD2] =	sst s25  }
0xa6: {  	s5 =	sshll.u32 s26, $0x1;
	_ =	strace $0x80000046;
	[dreg:$0x1] =	wrdreg $0xFFFFFFFF  }
0xa7: {  	s28 =	simm.s32 $_size_execute0_lowered;
	s3 =	sadd.s32 s3, s5;
	[dreg:$0x0] =	wrdreg $0x0  }
0xa8: {  	s5 =	sshll.u32 s28, $0x1;
	[dreg:$0x2] =	wrdreg s3  }
0xa9: {  	[dreg:$0x3] =	wrdreg s5  }
0xaa: {  	[dreg:$0x4] =	wrdreg $0xC0  }
0xab: {  	_ =	task [dreg:s7], $0x5FFFF  }
0xac: {  	[dreg:$0x1] =	wrdreg $0xFFFFFFFF  }
0xad: {  	[dreg:$0x0] =	wrdreg $0x60  }
0xae: {  	[dreg:$0x2] =	wrdreg s24  }
0xaf: {  	[dreg:$0x3] =	wrdreg s2  }
0xb0: {  	[dreg:$0x4] =	wrdreg $0x9  }
0xb1: {  	_ =	task.clear_ibuf [dreg:s7], $0x5FFFF;
	_ =	strace $0x90000046  }
0xb2: {  	s29 =	simm.s32 $0x9;
	_ =	strace $0x80000048  }
0xb3: {  	_ =	swait.ge [sflag:s29], $0x1  }
0xb4: {  	[sflag:s29] =	ssyncadd.s32 $0xFFFFFFFF  }
0xb5: {  	_ =	strace $0x90000048  }
0xb6: {  	_ =	sfence  }
0xb7: {  	s30 =	sld [smem:$0x0];
	_ =	sdelay $0x2  }
0xb8: {  	s31 =	sshll.u32 s1, $0xD;
	s1 =	sshrl.u32 s1, $0x2  }
0xb9: {  	s3 =	sand.u32 $0x4000, s31;
	s1 =	sadd.s32 s1, s30  }
0xba: {  	s0 =	sor.u32 s3, s0;
	s1 =	sshll.u32 s1, $0x11  }
0xbb: {  	s0 =	sor.u32 s1, s0  }
0xbc: {  	s0 =	sadd.s32 $0x8F2B, s0  }
0xbd: {  	[sflag:s0] =	ssyncadd.remote.s32 $0x1  }
0xbe: {  	_ =	sfence.sel $0xFFFF  }
0xbf: {  	[dreg:$0x0] =	wrdreg $0xFFFFFFFF;
	(pc) =	sbr.abs _section_cstart, $3  }
0xc0: {  	[dreg:$0x1] =	wrdreg $0xFFFFFFFF  }
0xc1: {  	_ =	task.clear_ibuf [dreg:s7], $0x2FFFF;
	_ =	strace $0x9FFFFFFF  }
0xc2: {  	(tm) =	ssettm $0x7FFFFFFF  }
0xc3: {  	_ =	shalt  }
tec
execute0_lowered:
.L_overlay_start_1:
0x0: {  	(tag) =	ssettag $0x1  }
0x1: {  	s5 =	rddreg [dreg:$0x0]  }
0x2: {  	s2 =	rddreg [dreg:$0x1];
	v0 =	vlaneseq.u32  }
0x3: {  	s0 =	rddreg [dreg:$0x2];
	s4 =	srdreg.scid;
	vm0 =	vmmov $0xf;
	v1 =	vor.u32 $0x10, v0;
	v2 =	vor.u32 $0x20, v0  }
0x4: {  	s1 =	stileid.u32;
	s3 =	simm.s32 $0x0;
	s10 =	simm.s32 $0x20;
	v3 =	vor.u32 $0x30, v0;
	v4 =	vor.u32 $0x40, v0;
	v5 =	vor.u32 $0x50, v0  }
0x5: {  	s11 =	simm.s32 $0x1420;
	s12 =	simm.s32 $0x5620;
	s13 =	simm.s32 $0x1000;
	v6 =	vor.u32 $0x60, v0;
	v7 =	vor.u32 $0x70, v0;
	v8 =	vor.u32 $0x80, v0  }
0x6: {  	s14 =	simm.s32 $0x1;
	s15 =	simm.s32 $0x9820;
	s16 =	simm.s32 $0xD920;
	v9 =	vor.u32 $0x90, v0;
	v10 =	vor.u32 $0xA0, v0;
	v11 =	vor.u32 $0xB0, v0  }
0x7: {  	s17 =	simm.s32 $0x2;
	s18 =	simm.s32 $0x11A20;
	s19 =	simm.s32 $0x15B20;
	v12 =	vor.u32 $0xC0, v0;
	v13 =	vor.u32 $0xD0, v0;
	v14 =	vor.u32 $0xE0, v0  }
0x8: {  	s20 =	simm.s32 $0x3;
	s4 =	sand.u32 $0x1, s4;
	s6 =	sshll.u32 s1, $0x1;
	v15 =	vor.u32 $0xF0, v0;
	v16 =	vor.u32 $0x100, v0;
	v17 =	vor.u32 $0x110, v0  }
0x9: {  	s21 =	simm.s32 $0x0;
	[smem:$0x7FF] =	sst s3;
	v18 =	vor.u32 $0x120, v0;
	v19 =	vor.u32 $0x130, v0;
	v20 =	vor.u32 $0x140, v0;
	s6 =	sor.u32 s4, s6  }
0xa: {  	v21 =	vor.u32 $0x150, v0;
	v22 =	vor.u32 $0x160, v0;
	v23 =	vor.u32 $0x170, v0;
	_ =	strace $0x80000047;
	s8 =	ssub.s32 $0x2, s4;
	s4 =	sadd.s32 $0xC00, s5  }
0xb: {  	v24 =	vor.u32 $0x180, v0;
	v25 =	vor.u32 $0x190, v0;
	v26 =	vor.u32 $0x1A0, v0;
	s7 =	sshll.u32 s6, $0x9;
	s9 =	sshrl.u32 s8, $0x1;
	s6 =	sshll.u32 s6, $0x7  }
0xc: {  	v27 =	vor.u32 $0x1B0, v0;
	v28 =	vor.u32 $0x1C0, v0;
	v29 =	vor.u32 $0x1D0, v0;
	s7 =	sadd.s32 s7, s5;
	s5 =	sadd.s32 $0x142C00, s5;
	s8 =	ssub.s32 s8, s9  }
0xd: {  	v30 =	vor.u32 $0x1E0, v0;
	v31 =	vor.u32 $0x1F0, v0;
	v32 =	vadd.s32 $0x1F4, v0;
	s9 =	simm.s32 $0x4;
	s7 =	sadd.s32 $0x42C00, s7;
	s8 =	smax.u32 s8, $0x1  }
.LBB2_1:
0xe: {  	[tilespmem:s3], [sflag:$0x4] =	stream.linear.gather [hbm4b:s7+s3], $0x1000, $0x38;
	[tilespmem:$0x19C20] =	vst v63  }
0xf: {  	_ =	swait.ge [sflag:s9], $0x1000  }
0x10: {  	[sflag:s9] =	ssyncset.done $0x0  }
0x11: {  	s22 =	simm.s32 $0x0;
	[sflag:s9] =	ssyncadd.s32 $0xFFFFF000  }
.LBB2_2:
0x12: {  	s23 =	sshll.u32 s22, $0x1;
	s24 =	sshll.u32 s22, $0x6  }
0x13: {  	s23 =	sadd.s32 s6, s23;
	s24 =	sand.u32 $0x3FFFFFC0, s24  }
0x14: {  	[tilespmem:s11], [sflag:$0x1] =	stream.indirect.gather [hbm4b:s5+s10], $0x210, s24, s10, $0xb8;
	[tilespmem:$0x19C20] =	vst v63  }
0x15: {  	s24 =	sor.u32 $0x20, s24;
	s25 =	smul.u32 $0x42, s23  }
0x16: {  	[tilespmem:s12], [sflag:$0x2] =	stream.indirect.gather [hbm4b:s5+s10], $0x210, s24, s10, $0xb8;
	[tilespmem:$0x19C20] =	vst v63  }
0x17: {  	s31 =	sadd.s32 s4, s25  }
0x18: {  	[tilespmem:s13], [sflag:$0x4] =	stream.linear.gather [hbm4b:s31+s3], $0x420, $0x38;
	[tilespmem:$0x19C20] =	vst v63  }
0x19: {  	_ =	swait.ge [sflag:s9], $0x420  }
0x1a: {  	p0 =	seq.s32 s22, $0x0;
	[sflag:s9] =	ssyncset.done $0x0  }
0x1b: {  	s24 =	simm.s32 @!p0 $0x3;
	[sflag:s9] =	ssyncadd.s32 $0xFFFFFBE0  }
0x1c: {  	_ =	swait.ge @!p0 [sflag:s24], $0x4100  }
0x1d: {  	[sflag:s24] =	ssyncset.done @!p0 $0x0  }
0x1e: {  	[sflag:s24] =	ssyncadd.s32 @!p0 $0xFFFFBF00  }
0x1f: {  	_ =	swait.ge @!p0 [sflag:s24], $0x4100  }
0x20: {  	[sflag:s24] =	ssyncset.done @!p0 $0x0  }
0x21: {  	[sflag:s24] =	ssyncadd.s32 @!p0 $0xFFFFBF00  }
0x22: {  	_ =	swait.ge @!p0 [sflag:s24], $0x4100  }
0x23: {  	[sflag:s24] =	ssyncset.done @!p0 $0x0  }
0x24: {  	[sflag:s24] =	ssyncadd.s32 @!p0 $0xFFFFBF00  }
0x25: {  	_ =	swait.ge @!p0 [sflag:s24], $0x4100  }
0x26: {  	[sflag:s24] =	ssyncset.done @!p0 $0x0  }
0x27: {  	[sflag:s24] =	ssyncadd.s32 @!p0 $0xFFFFBF00  }
0x28: {  	_ =	swait.ge [sflag:s14], $0x4200  }
0x29: {  	[sflag:s14] =	ssyncset.done $0x0  }
0x2a: {  	s24 =	simm.s32 $0x0;
	[sflag:s14] =	ssyncadd.s32 $0xFFFFBE00  }
.LBB2_3:
0x2b: {  	v33 =	vmov s24  }
0x2c: {  	v34 =	vmul.u32 $0x210, v33;
	_ =	sdelay $0x1  }
0x2d: {  	v35 =	vor.u32 v0, v34;
	_ =	sdelay $0x3  }
0x2e: {  	v36 =	vld [tilespmem:$0x1000]  }
0x2f: {  	v35 =	vld.idx.msk [tilespmem:v35+s11+$0x0], $0xffff;
	_ =	sdelay $0x2  }
0x30: {  	v33 =	vmul.u32 $0x208, v33;
	_ =	sdelay $0x1  }
0x31: {  	v38 =	vadd.s32 v0, v33;
	v37 =	vadd.f32 v35, v36  }
0x32: {  	v35 =	vsub.f32 v36, v35  }
0x33: {  	v49 =	vmul.f32 $5.000000000e-01, v37  }
0x34: {  	v39 =	vadd.s32 v1, v34;
	v50 =	vsub.f32 $0.0e+00, v35  }
0x35: {  	v35 =	vsel vm0, v35, v49  }
0x36: {  	v36 =	vsel vm0, v50, v49;
	[tilespmem:v38+s15+$0x0] =	vst.idx.msk $0xffff, v35  }
0x37: {  	[tilespmem:v38+s16+$0x0] =	vst.idx.msk $0xffff, v36  }
0x38: {  	v35 =	vld [tilespmem:$0x1010]  }
0x39: {  	v36 =	vld.idx.msk [tilespmem:v39+s11+$0x0], $0xffff;
	_ =	sdelay $0x3  }
0x3a: {  	v51 =	vadd.s32 v1, v33  }
0x3b: {  	v35 =	vadd.f32 v36, v35;
	_ =	sdelay $0x1  }
0x3c: {  	v52 =	vadd.s32 v2, v34;
	v35 =	vmul.f32 $5.000000000e-01, v35;
	_ =	sdelay $0x1  }
0x3d: {  	[tilespmem:v51+s15+$0x0] =	vst.idx.msk $0xffff, v35  }
0x3e: {  	[tilespmem:v51+s16+$0x0] =	vst.idx.msk $0xffff, v35  }
0x3f: {  	v35 =	vld [tilespmem:$0x1020]  }
0x40: {  	v36 =	vld.idx.msk [tilespmem:v52+s11+$0x0], $0xffff;
	_ =	sdelay $0x3  }
0x41: {  	v53 =	vadd.s32 v2, v33  }
0x42: {  	v35 =	vadd.f32 v36, v35;
	_ =	sdelay $0x1  }
0x43: {  	v54 =	vadd.s32 v3, v34;
	v35 =	vmul.f32 $5.000000000e-01, v35;
	_ =	sdelay $0x1  }
0x44: {  	[tilespmem:v53+s15+$0x0] =	vst.idx.msk $0xffff, v35  }
0x45: {  	[tilespmem:v53+s16+$0x0] =	vst.idx.msk $0xffff, v35  }
0x46: {  	v35 =	vld [tilespmem:$0x1030]  }
0x47: {  	v36 =	vld.idx.msk [tilespmem:v54+s11+$0x0], $0xffff;
	_ =	sdelay $0x3  }
0x48: {  	v55 =	vadd.s32 v3, v33  }
0x49: {  	v35 =	vadd.f32 v36, v35;
	_ =	sdelay $0x1  }
0x4a: {  	v56 =	vadd.s32 v4, v34;
	v35 =	vmul.f32 $5.000000000e-01, v35;
	_ =	sdelay $0x1  }
0x4b: {  	[tilespmem:v55+s15+$0x0] =	vst.idx.msk $0xffff, v35  }
0x4c: {  	[tilespmem:v55+s16+$0x0] =	vst.idx.msk $0xffff, v35  }
0x4d: {  	v35 =	vld [tilespmem:$0x1040]  }
0x4e: {  	v36 =	vld.idx.msk [tilespmem:v56+s11+$0x0], $0xffff;
	_ =	sdelay $0x3  }
0x4f: {  	v57 =	vadd.s32 v4, v33  }
0x50: {  	v35 =	vadd.f32 v36, v35;
	_ =	sdelay $0x1  }
0x51: {  	v58 =	vadd.s32 v5, v34;
	v35 =	vmul.f32 $5.000000000e-01, v35;
	_ =	sdelay $0x1  }
0x52: {  	[tilespmem:v57+s15+$0x0] =	vst.idx.msk $0xffff, v35  }
0x53: {  	[tilespmem:v57+s16+$0x0] =	vst.idx.msk $0xffff, v35  }
0x54: {  	v35 =	vld [tilespmem:$0x1050]  }
0x55: {  	v36 =	vld.idx.msk [tilespmem:v58+s11+$0x0], $0xffff;
	_ =	sdelay $0x3  }
0x56: {  	v59 =	vadd.s32 v5, v33  }
0x57: {  	v35 =	vadd.f32 v36, v35;
	_ =	sdelay $0x1  }
0x58: {  	v60 =	vadd.s32 v6, v34;
	v35 =	vmul.f32 $5.000000000e-01, v35;
	_ =	sdelay $0x1  }
0x59: {  	[tilespmem:v59+s15+$0x0] =	vst.idx.msk $0xffff, v35  }
0x5a: {  	[tilespmem:v59+s16+$0x0] =	vst.idx.msk $0xffff, v35  }
0x5b: {  	v35 =	vld [tilespmem:$0x1060]  }
0x5c: {  	v36 =	vld.idx.msk [tilespmem:v60+s11+$0x0], $0xffff;
	_ =	sdelay $0x3  }
0x5d: {  	v61 =	vadd.s32 v6, v33  }
0x5e: {  	v35 =	vadd.f32 v36, v35;
	_ =	sdelay $0x1  }
0x5f: {  	v62 =	vadd.s32 v7, v34;
	v35 =	vmul.f32 $5.000000000e-01, v35;
	_ =	sdelay $0x1  }
0x60: {  	[tilespmem:v61+s15+$0x0] =	vst.idx.msk $0xffff, v35  }
0x61: {  	[tilespmem:v61+s16+$0x0] =	vst.idx.msk $0xffff, v35  }
0x62: {  	v35 =	vld [tilespmem:$0x1070]  }
0x63: {  	v36 =	vld.idx.msk [tilespmem:v62+s11+$0x0], $0xffff;
	_ =	sdelay $0x3  }
0x64: {  	v63 =	vadd.s32 v7, v33  }
0x65: {  	v35 =	vadd.f32 v36, v35;
	_ =	sdelay $0x1  }
0x66: {  	v40 =	vadd.s32 v8, v34;
	v35 =	vmul.f32 $5.000000000e-01, v35;
	_ =	sdelay $0x1  }
0x67: {  	[tilespmem:v63+s15+$0x0] =	vst.idx.msk $0xffff, v35  }
0x68: {  	[tilespmem:v63+s16+$0x0] =	vst.idx.msk $0xffff, v35  }
0x69: {  	v35 =	vld [tilespmem:$0x1080]  }
0x6a: {  	v36 =	vld.idx.msk [tilespmem:v40+s11+$0x0], $0xffff;
	_ =	sdelay $0x3  }
0x6b: {  	v41 =	vadd.s32 v8, v33  }
0x6c: {  	v35 =	vadd.f32 v36, v35;
	_ =	sdelay $0x1  }
0x6d: {  	v42 =	vadd.s32 v9, v34;
	v35 =	vmul.f32 $5.000000000e-01, v35;
	_ =	sdelay $0x1  }
0x6e: {  	[tilespmem:v41+s15+$0x0] =	vst.idx.msk $0xffff, v35  }
0x6f: {  	[tilespmem:v41+s16+$0x0] =	vst.idx.msk $0xffff, v35  }
0x70: {  	v35 =	vld [tilespmem:$0x1090]  }
0x71: {  	v36 =	vld.idx.msk [tilespmem:v42+s11+$0x0], $0xffff;
	_ =	sdelay $0x3  }
0x72: {  	v43 =	vadd.s32 v9, v33  }
0x73: {  	v35 =	vadd.f32 v36, v35;
	_ =	sdelay $0x1  }
0x74: {  	v44 =	vadd.s32 v10, v34;
	v35 =	vmul.f32 $5.000000000e-01, v35;
	_ =	sdelay $0x1  }
0x75: {  	[tilespmem:v43+s15+$0x0] =	vst.idx.msk $0xffff, v35  }
0x76: {  	[tilespmem:v43+s16+$0x0] =	vst.idx.msk $0xffff, v35  }
0x77: {  	v35 =	vld [tilespmem:$0x10A0]  }
0x78: {  	v36 =	vld.idx.msk [tilespmem:v44+s11+$0x0], $0xffff;
	_ =	sdelay $0x3  }
0x79: {  	v45 =	vadd.s32 v10, v33  }
0x7a: {  	v35 =	vadd.f32 v36, v35;
	_ =	sdelay $0x1  }
0x7b: {  	v46 =	vadd.s32 v11, v34;
	v35 =	vmul.f32 $5.000000000e-01, v35;
	_ =	sdelay $0x1  }
0x7c: {  	[tilespmem:v45+s15+$0x0] =	vst.idx.msk $0xffff, v35  }
0x7d: {  	[tilespmem:v45+s16+$0x0] =	vst.idx.msk $0xffff, v35  }
0x7e: {  	v35 =	vld [tilespmem:$0x10B0]  }
0x7f: {  	v36 =	vld.idx.msk [tilespmem:v46+s11+$0x0], $0xffff;
	_ =	sdelay $0x3  }
0x80: {  	v47 =	vadd.s32 v11, v33  }
0x81: {  	v35 =	vadd.f32 v36, v35;
	_ =	sdelay $0x1  }
0x82: {  	v48 =	vadd.s32 v12, v34;
	v35 =	vmul.f32 $5.000000000e-01, v35;
	_ =	sdelay $0x1  }
0x83: {  	[tilespmem:v47+s15+$0x0] =	vst.idx.msk $0xffff, v35  }
0x84: {  	[tilespmem:v47+s16+$0x0] =	vst.idx.msk $0xffff, v35  }
0x85: {  	v35 =	vld [tilespmem:$0x10C0]  }
0x86: {  	v36 =	vld.idx.msk [tilespmem:v48+s11+$0x0], $0xffff;
	_ =	sdelay $0x3  }
0x87: {  	v49 =	vadd.s32 v12, v33  }
0x88: {  	v35 =	vadd.f32 v36, v35;
	_ =	sdelay $0x1  }
0x89: {  	v50 =	vadd.s32 v13, v34;
	v35 =	vmul.f32 $5.000000000e-01, v35;
	_ =	sdelay $0x1  }
0x8a: {  	[tilespmem:v49+s15+$0x0] =	vst.idx.msk $0xffff, v35  }
0x8b: {  	[tilespmem:v49+s16+$0x0] =	vst.idx.msk $0xffff, v35  }
0x8c: {  	v35 =	vld [tilespmem:$0x10D0]  }
0x8d: {  	v36 =	vld.idx.msk [tilespmem:v50+s11+$0x0], $0xffff;
	_ =	sdelay $0x3  }
0x8e: {  	v51 =	vadd.s32 v13, v33  }
0x8f: {  	v35 =	vadd.f32 v36, v35;
	_ =	sdelay $0x1  }
0x90: {  	v52 =	vadd.s32 v14, v34;
	v35 =	vmul.f32 $5.000000000e-01, v35;
	_ =	sdelay $0x1  }
0x91: {  	[tilespmem:v51+s15+$0x0] =	vst.idx.msk $0xffff, v35  }
0x92: {  	[tilespmem:v51+s16+$0x0] =	vst.idx.msk $0xffff, v35  }
0x93: {  	v35 =	vld [tilespmem:$0x10E0]  }
0x94: {  	v36 =	vld.idx.msk [tilespmem:v52+s11+$0x0], $0xffff;
	_ =	sdelay $0x3  }
0x95: {  	v53 =	vadd.s32 v14, v33  }
0x96: {  	v35 =	vadd.f32 v36, v35;
	_ =	sdelay $0x1  }
0x97: {  	v54 =	vadd.s32 v15, v34;
	v35 =	vmul.f32 $5.000000000e-01, v35;
	_ =	sdelay $0x1  }
0x98: {  	[tilespmem:v53+s15+$0x0] =	vst.idx.msk $0xffff, v35  }
0x99: {  	[tilespmem:v53+s16+$0x0] =	vst.idx.msk $0xffff, v35  }
0x9a: {  	v35 =	vld [tilespmem:$0x10F0]  }
0x9b: {  	v36 =	vld.idx.msk [tilespmem:v54+s11+$0x0], $0xffff;
	_ =	sdelay $0x3  }
0x9c: {  	v55 =	vadd.s32 v15, v33  }
0x9d: {  	v35 =	vadd.f32 v36, v35;
	_ =	sdelay $0x1  }
0x9e: {  	v56 =	vadd.s32 v16, v34;
	v35 =	vmul.f32 $5.000000000e-01, v35;
	_ =	sdelay $0x1  }
0x9f: {  	[tilespmem:v55+s15+$0x0] =	vst.idx.msk $0xffff, v35  }
0xa0: {  	[tilespmem:v55+s16+$0x0] =	vst.idx.msk $0xffff, v35  }
0xa1: {  	v35 =	vld [tilespmem:$0x1100]  }
0xa2: {  	v36 =	vld.idx.msk [tilespmem:v56+s11+$0x0], $0xffff;
	_ =	sdelay $0x3  }
0xa3: {  	v57 =	vadd.s32 v16, v33  }
0xa4: {  	v35 =	vadd.f32 v36, v35;
	_ =	sdelay $0x1  }
0xa5: {  	v58 =	vadd.s32 v17, v34;
	v35 =	vmul.f32 $5.000000000e-01, v35;
	_ =	sdelay $0x1  }
0xa6: {  	[tilespmem:v57+s15+$0x0] =	vst.idx.msk $0xffff, v35  }
0xa7: {  	[tilespmem:v57+s16+$0x0] =	vst.idx.msk $0xffff, v35  }
0xa8: {  	v35 =	vld [tilespmem:$0x1110]  }
0xa9: {  	v36 =	vld.idx.msk [tilespmem:v58+s11+$0x0], $0xffff;
	_ =	sdelay $0x3  }
0xaa: {  	v59 =	vadd.s32 v17, v33  }
0xab: {  	v35 =	vadd.f32 v36, v35;
	_ =	sdelay $0x1  }
0xac: {  	v60 =	vadd.s32 v18, v34;
	v35 =	vmul.f32 $5.000000000e-01, v35;
	_ =	sdelay $0x1  }
0xad: {  	[tilespmem:v59+s15+$0x0] =	vst.idx.msk $0xffff, v35  }
0xae: {  	[tilespmem:v59+s16+$0x0] =	vst.idx.msk $0xffff, v35  }
0xaf: {  	v35 =	vld [tilespmem:$0x1120]  }
0xb0: {  	v36 =	vld.idx.msk [tilespmem:v60+s11+$0x0], $0xffff;
	_ =	sdelay $0x3  }
0xb1: {  	v61 =	vadd.s32 v18, v33  }
0xb2: {  	v35 =	vadd.f32 v36, v35;
	_ =	sdelay $0x1  }
0xb3: {  	v62 =	vadd.s32 v19, v34;
	v35 =	vmul.f32 $5.000000000e-01, v35;
	_ =	sdelay $0x1  }
0xb4: {  	[tilespmem:v61+s15+$0x0] =	vst.idx.msk $0xffff, v35  }
0xb5: {  	[tilespmem:v61+s16+$0x0] =	vst.idx.msk $0xffff, v35  }
0xb6: {  	v35 =	vld [tilespmem:$0x1130]  }
0xb7: {  	v36 =	vld.idx.msk [tilespmem:v62+s11+$0x0], $0xffff;
	_ =	sdelay $0x3  }
0xb8: {  	v63 =	vadd.s32 v19, v33  }
0xb9: {  	v35 =	vadd.f32 v36, v35;
	_ =	sdelay $0x1  }
0xba: {  	v40 =	vadd.s32 v20, v34;
	v35 =	vmul.f32 $5.000000000e-01, v35;
	_ =	sdelay $0x1  }
0xbb: {  	[tilespmem:v63+s15+$0x0] =	vst.idx.msk $0xffff, v35  }
0xbc: {  	[tilespmem:v63+s16+$0x0] =	vst.idx.msk $0xffff, v35  }
0xbd: {  	v35 =	vld [tilespmem:$0x1140]  }
0xbe: {  	v36 =	vld.idx.msk [tilespmem:v40+s11+$0x0], $0xffff;
	_ =	sdelay $0x3  }
0xbf: {  	v41 =	vadd.s32 v20, v33  }
0xc0: {  	v35 =	vadd.f32 v36, v35;
	_ =	sdelay $0x1  }
0xc1: {  	v42 =	vadd.s32 v21, v34;
	v35 =	vmul.f32 $5.000000000e-01, v35;
	_ =	sdelay $0x1  }
0xc2: {  	[tilespmem:v41+s15+$0x0] =	vst.idx.msk $0xffff, v35  }
0xc3: {  	[tilespmem:v41+s16+$0x0] =	vst.idx.msk $0xffff, v35  }
0xc4: {  	v35 =	vld [tilespmem:$0x1150]  }
0xc5: {  	v36 =	vld.idx.msk [tilespmem:v42+s11+$0x0], $0xffff;
	_ =	sdelay $0x3  }
0xc6: {  	v43 =	vadd.s32 v21, v33  }
0xc7: {  	v35 =	vadd.f32 v36, v35;
	_ =	sdelay $0x1  }
0xc8: {  	v44 =	vadd.s32 v22, v34;
	v35 =	vmul.f32 $5.000000000e-01, v35;
	_ =	sdelay $0x1  }
0xc9: {  	[tilespmem:v43+s15+$0x0] =	vst.idx.msk $0xffff, v35  }
0xca: {  	[tilespmem:v43+s16+$0x0] =	vst.idx.msk $0xffff, v35  }
0xcb: {  	v35 =	vld [tilespmem:$0x1160]  }
0xcc: {  	v36 =	vld.idx.msk [tilespmem:v44+s11+$0x0], $0xffff;
	_ =	sdelay $0x3  }
0xcd: {  	v45 =	vadd.s32 v22, v33  }
0xce: {  	v35 =	vadd.f32 v36, v35;
	_ =	sdelay $0x1  }
0xcf: {  	v46 =	vadd.s32 v23, v34;
	v35 =	vmul.f32 $5.000000000e-01, v35;
	_ =	sdelay $0x1  }
0xd0: {  	[tilespmem:v45+s15+$0x0] =	vst.idx.msk $0xffff, v35  }
0xd1: {  	[tilespmem:v45+s16+$0x0] =	vst.idx.msk $0xffff, v35  }
0xd2: {  	v35 =	vld [tilespmem:$0x1170]  }
0xd3: {  	v36 =	vld.idx.msk [tilespmem:v46+s11+$0x0], $0xffff;
	_ =	sdelay $0x3  }
0xd4: {  	v47 =	vadd.s32 v23, v33  }
0xd5: {  	v35 =	vadd.f32 v36, v35;
	_ =	sdelay $0x1  }
0xd6: {  	v48 =	vadd.s32 v24, v34;
	v35 =	vmul.f32 $5.000000000e-01, v35;
	_ =	sdelay $0x1  }
0xd7: {  	[tilespmem:v47+s15+$0x0] =	vst.idx.msk $0xffff, v35  }
0xd8: {  	[tilespmem:v47+s16+$0x0] =	vst.idx.msk $0xffff, v35  }
0xd9: {  	v35 =	vld [tilespmem:$0x1180]  }
0xda: {  	v36 =	vld.idx.msk [tilespmem:v48+s11+$0x0], $0xffff;
	_ =	sdelay $0x3  }
0xdb: {  	v49 =	vadd.s32 v24, v33  }
0xdc: {  	v35 =	vadd.f32 v36, v35;
	_ =	sdelay $0x1  }
0xdd: {  	v50 =	vadd.s32 v25, v34;
	v35 =	vmul.f32 $5.000000000e-01, v35;
	_ =	sdelay $0x1  }
0xde: {  	[tilespmem:v49+s15+$0x0] =	vst.idx.msk $0xffff, v35  }
0xdf: {  	[tilespmem:v49+s16+$0x0] =	vst.idx.msk $0xffff, v35  }
0xe0: {  	v35 =	vld [tilespmem:$0x1190]  }
0xe1: {  	v36 =	vld.idx.msk [tilespmem:v50+s11+$0x0], $0xffff;
	_ =	sdelay $0x3  }
0xe2: {  	v51 =	vadd.s32 v25, v33  }
0xe3: {  	v35 =	vadd.f32 v36, v35;
	_ =	sdelay $0x1  }
0xe4: {  	v52 =	vadd.s32 v26, v34;
	v35 =	vmul.f32 $5.000000000e-01, v35;
	_ =	sdelay $0x1  }
0xe5: {  	[tilespmem:v51+s15+$0x0] =	vst.idx.msk $0xffff, v35  }
0xe6: {  	[tilespmem:v51+s16+$0x0] =	vst.idx.msk $0xffff, v35  }
0xe7: {  	v35 =	vld [tilespmem:$0x11A0]  }
0xe8: {  	v36 =	vld.idx.msk [tilespmem:v52+s11+$0x0], $0xffff;
	_ =	sdelay $0x3  }
0xe9: {  	v53 =	vadd.s32 v26, v33  }
0xea: {  	v35 =	vadd.f32 v36, v35;
	_ =	sdelay $0x1  }
0xeb: {  	v54 =	vadd.s32 v27, v34;
	v35 =	vmul.f32 $5.000000000e-01, v35;
	_ =	sdelay $0x1  }
0xec: {  	[tilespmem:v53+s15+$0x0] =	vst.idx.msk $0xffff, v35  }
0xed: {  	[tilespmem:v53+s16+$0x0] =	vst.idx.msk $0xffff, v35  }
0xee: {  	v35 =	vld [tilespmem:$0x11B0]  }
0xef: {  	v36 =	vld.idx.msk [tilespmem:v54+s11+$0x0], $0xffff;
	_ =	sdelay $0x3  }
0xf0: {  	v55 =	vadd.s32 v27, v33  }
0xf1: {  	v35 =	vadd.f32 v36, v35;
	_ =	sdelay $0x1  }
0xf2: {  	v56 =	vadd.s32 v28, v34;
	v35 =	vmul.f32 $5.000000000e-01, v35;
	_ =	sdelay $0x1  }
0xf3: {  	[tilespmem:v55+s15+$0x0] =	vst.idx.msk $0xffff, v35  }
0xf4: {  	[tilespmem:v55+s16+$0x0] =	vst.idx.msk $0xffff, v35  }
0xf5: {  	v35 =	vld [tilespmem:$0x11C0]  }
0xf6: {  	v36 =	vld.idx.msk [tilespmem:v56+s11+$0x0], $0xffff;
	_ =	sdelay $0x3  }
0xf7: {  	v57 =	vadd.s32 v28, v33  }
0xf8: {  	v35 =	vadd.f32 v36, v35;
	_ =	sdelay $0x1  }
0xf9: {  	v58 =	vadd.s32 v29, v34;
	v35 =	vmul.f32 $5.000000000e-01, v35;
	_ =	sdelay $0x1  }
0xfa: {  	[tilespmem:v57+s15+$0x0] =	vst.idx.msk $0xffff, v35  }
0xfb: {  	[tilespmem:v57+s16+$0x0] =	vst.idx.msk $0xffff, v35  }
0xfc: {  	v35 =	vld [tilespmem:$0x11D0]  }
0xfd: {  	v36 =	vld.idx.msk [tilespmem:v58+s11+$0x0], $0xffff;
	_ =	sdelay $0x3  }
0xfe: {  	v59 =	vadd.s32 v29, v33  }
0xff: {  	v35 =	vadd.f32 v36, v35;
	_ =	sdelay $0x1  }
0x100: {  	v60 =	vadd.s32 v30, v34;
	v35 =	vmul.f32 $5.000000000e-01, v35;
	_ =	sdelay $0x1  }
0x101: {  	[tilespmem:v59+s15+$0x0] =	vst.idx.msk $0xffff, v35  }
0x102: {  	[tilespmem:v59+s16+$0x0] =	vst.idx.msk $0xffff, v35  }
0x103: {  	v35 =	vld [tilespmem:$0x11E0]  }
0x104: {  	v36 =	vld.idx.msk [tilespmem:v60+s11+$0x0], $0xffff;
	_ =	sdelay $0x3  }
0x105: {  	v61 =	vadd.s32 v30, v33  }
0x106: {  	v35 =	vadd.f32 v36, v35;
	_ =	sdelay $0x1  }
0x107: {  	v62 =	vadd.s32 v31, v34;
	v35 =	vmul.f32 $5.000000000e-01, v35;
	_ =	sdelay $0x1  }
0x108: {  	[tilespmem:v61+s15+$0x0] =	vst.idx.msk $0xffff, v35  }
0x109: {  	[tilespmem:v61+s16+$0x0] =	vst.idx.msk $0xffff, v35  }
0x10a: {  	v35 =	vld [tilespmem:$0x11F0]  }
0x10b: {  	v36 =	vld.idx.msk [tilespmem:v62+s11+$0x0], $0xffff;
	_ =	sdelay $0x3  }
0x10c: {  	v63 =	vadd.s32 v31, v33  }
0x10d: {  	v35 =	vadd.f32 v36, v35;
	_ =	sdelay $0x1  }
0x10e: {  	v34 =	vadd.s32 v32, v34;
	v35 =	vmul.f32 $5.000000000e-01, v35;
	_ =	sdelay $0x1  }
0x10f: {  	[tilespmem:v63+s15+$0x0] =	vst.idx.msk $0xffff, v35  }
0x110: {  	[tilespmem:v63+s16+$0x0] =	vst.idx.msk $0xffff, v35  }
0x111: {  	v35 =	vld [tilespmem:$0x11F4]  }
0x112: {  	v34 =	vld.idx.msk [tilespmem:v34+s11+$0x0], $0xffff;
	_ =	sdelay $0x3  }
0x113: {  	v33 =	vadd.s32 v32, v33  }
0x114: {  	p0 =	sne.s32 s24, $0x1F;
	v34 =	vadd.f32 v34, v35  }
.Ltmp0:
0x115: {  	_ = 	snop;
	(pc) =	sbr.rel @p0 .LBB2_3-.Ltmp0, $3  }
0x116: {  	v34 =	vmul.f32 $5.000000000e-01, v34;
	_ =	sdelay $0x1  }
0x117: {  	[tilespmem:v33+s15+$0x0] =	vst.idx.msk $0xffff, v34  }
0x118: {  	s24 =	sadd.s32 $0x1, s24;
	[tilespmem:v33+s16+$0x0] =	vst.idx.msk $0xffff, v34  }
0x119: {  	s24 =	smul.u32 $0x820, s23  }
0x11a: {  	s30 =	smul.u32 $0x4100, s23;
	_ =	sdelay $0x1  }
0x11b: {  	s25 =	sadd.s32 s2, s24;
	s24 =	simm.s32 $0x0;
	s23 =	sshrl.u32 s30, $0x3  }
0x11c: {  	[hbm4b:s25+s24] =	stream.linear.scatter [tilespmem:s15], [sflag:$0x3], $0x4100, $0x38;
	[tilespmem:$0x19C20] =	vst v63  }
0x11d: {  	s23 =	sadd.s32 s2, s23  }
0x11e: {  	s31 =	sadd.s32 $0x820000, s23  }
0x11f: {  	[hbm4b:s31+s24] =	stream.linear.scatter [tilespmem:s16], [sflag:$0x3], $0x4100, $0x38;
	[tilespmem:$0x19C20] =	vst v63  }
0x120: {  	_ =	swait.ge [sflag:s17], $0x4200  }
0x121: {  	[sflag:s17] =	ssyncset.done $0x0  }
0x122: {  	[sflag:s17] =	ssyncadd.s32 $0xFFFFBE00  }
.LBB2_5:
0x123: {  	v33 =	vmov s24  }
0x124: {  	v34 =	vmul.u32 $0x210, v33;
	_ =	sdelay $0x1  }
0x125: {  	v35 =	vor.u32 v0, v34;
	_ =	sdelay $0x3  }
0x126: {  	v36 =	vld [tilespmem:$0x1210]  }
0x127: {  	v35 =	vld.idx.msk [tilespmem:v35+s12+$0x0], $0xffff;
	_ =	sdelay $0x2  }
0x128: {  	v33 =	vmul.u32 $0x208, v33;
	_ =	sdelay $0x1  }
0x129: {  	v38 =	vadd.s32 v0, v33;
	v37 =	vadd.f32 v35, v36  }
0x12a: {  	v35 =	vsub.f32 v36, v35  }
0x12b: {  	v49 =	vmul.f32 $5.000000000e-01, v37  }
0x12c: {  	v39 =	vadd.s32 v1, v34;
	v50 =	vsub.f32 $0.0e+00, v35  }
0x12d: {  	v35 =	vsel vm0, v35, v49  }
0x12e: {  	v36 =	vsel vm0, v50, v49;
	[tilespmem:v38+s18+$0x0] =	vst.idx.msk $0xffff, v35  }
0x12f: {  	[tilespmem:v38+s19+$0x0] =	vst.idx.msk $0xffff, v36  }
0x130: {  	v35 =	vld [tilespmem:$0x1220]  }
0x131: {  	v36 =	vld.idx.msk [tilespmem:v39+s12+$0x0], $0xffff;
	_ =	sdelay $0x3  }
0x132: {  	v51 =	vadd.s32 v1, v33  }
0x133: {  	v35 =	vadd.f32 v36, v35;
	_ =	sdelay $0x1  }
0x134: {  	v52 =	vadd.s32 v2, v34;
	v35 =	vmul.f32 $5.000000000e-01, v35;
	_ =	sdelay $0x1  }
0x135: {  	[tilespmem:v51+s18+$0x0] =	vst.idx.msk $0xffff, v35  }
0x136: {  	[tilespmem:v51+s19+$0x0] =	vst.idx.msk $0xffff, v35  }
0x137: {  	v35 =	vld [tilespmem:$0x1230]  }
0x138: {  	v36 =	vld.idx.msk [tilespmem:v52+s12+$0x0], $0xffff;
	_ =	sdelay $0x3  }
0x139: {  	v53 =	vadd.s32 v2, v33  }
0x13a: {  	v35 =	vadd.f32 v36, v35;
	_ =	sdelay $0x1  }
0x13b: {  	v54 =	vadd.s32 v3, v34;
	v35 =	vmul.f32 $5.000000000e-01, v35;
	_ =	sdelay $0x1  }
0x13c: {  	[tilespmem:v53+s18+$0x0] =	vst.idx.msk $0xffff, v35  }
0x13d: {  	[tilespmem:v53+s19+$0x0] =	vst.idx.msk $0xffff, v35  }
0x13e: {  	v35 =	vld [tilespmem:$0x1240]  }
0x13f: {  	v36 =	vld.idx.msk [tilespmem:v54+s12+$0x0], $0xffff;
	_ =	sdelay $0x3  }
0x140: {  	v55 =	vadd.s32 v3, v33  }
0x141: {  	v35 =	vadd.f32 v36, v35;
	_ =	sdelay $0x1  }
0x142: {  	v56 =	vadd.s32 v4, v34;
	v35 =	vmul.f32 $5.000000000e-01, v35;
	_ =	sdelay $0x1  }
0x143: {  	[tilespmem:v55+s18+$0x0] =	vst.idx.msk $0xffff, v35  }
0x144: {  	[tilespmem:v55+s19+$0x0] =	vst.idx.msk $0xffff, v35  }
0x145: {  	v35 =	vld [tilespmem:$0x1250]  }
0x146: {  	v36 =	vld.idx.msk [tilespmem:v56+s12+$0x0], $0xffff;
	_ =	sdelay $0x3  }
0x147: {  	v57 =	vadd.s32 v4, v33  }
0x148: {  	v35 =	vadd.f32 v36, v35;
	_ =	sdelay $0x1  }
0x149: {  	v58 =	vadd.s32 v5, v34;
	v35 =	vmul.f32 $5.000000000e-01, v35;
	_ =	sdelay $0x1  }
0x14a: {  	[tilespmem:v57+s18+$0x0] =	vst.idx.msk $0xffff, v35  }
0x14b: {  	[tilespmem:v57+s19+$0x0] =	vst.idx.msk $0xffff, v35  }
0x14c: {  	v35 =	vld [tilespmem:$0x1260]  }
0x14d: {  	v36 =	vld.idx.msk [tilespmem:v58+s12+$0x0], $0xffff;
	_ =	sdelay $0x3  }
0x14e: {  	v59 =	vadd.s32 v5, v33  }
0x14f: {  	v35 =	vadd.f32 v36, v35;
	_ =	sdelay $0x1  }
0x150: {  	v60 =	vadd.s32 v6, v34;
	v35 =	vmul.f32 $5.000000000e-01, v35;
	_ =	sdelay $0x1  }
0x151: {  	[tilespmem:v59+s18+$0x0] =	vst.idx.msk $0xffff, v35  }
0x152: {  	[tilespmem:v59+s19+$0x0] =	vst.idx.msk $0xffff, v35  }
0x153: {  	v35 =	vld [tilespmem:$0x1270]  }
0x154: {  	v36 =	vld.idx.msk [tilespmem:v60+s12+$0x0], $0xffff;
	_ =	sdelay $0x3  }
0x155: {  	v61 =	vadd.s32 v6, v33  }
0x156: {  	v35 =	vadd.f32 v36, v35;
	_ =	sdelay $0x1  }
0x157: {  	v62 =	vadd.s32 v7, v34;
	v35 =	vmul.f32 $5.000000000e-01, v35;
	_ =	sdelay $0x1  }
0x158: {  	[tilespmem:v61+s18+$0x0] =	vst.idx.msk $0xffff, v35  }
0x159: {  	[tilespmem:v61+s19+$0x0] =	vst.idx.msk $0xffff, v35  }
0x15a: {  	v35 =	vld [tilespmem:$0x1280]  }
0x15b: {  	v36 =	vld.idx.msk [tilespmem:v62+s12+$0x0], $0xffff;
	_ =	sdelay $0x3  }
0x15c: {  	v63 =	vadd.s32 v7, v33  }
0x15d: {  	v35 =	vadd.f32 v36, v35;
	_ =	sdelay $0x1  }
0x15e: {  	v40 =	vadd.s32 v8, v34;
	v35 =	vmul.f32 $5.000000000e-01, v35;
	_ =	sdelay $0x1  }
0x15f: {  	[tilespmem:v63+s18+$0x0] =	vst.idx.msk $0xffff, v35  }
0x160: {  	[tilespmem:v63+s19+$0x0] =	vst.idx.msk $0xffff, v35  }
0x161: {  	v35 =	vld [tilespmem:$0x1290]  }
0x162: {  	v36 =	vld.idx.msk [tilespmem:v40+s12+$0x0], $0xffff;
	_ =	sdelay $0x3  }
0x163: {  	v41 =	vadd.s32 v8, v33  }
0x164: {  	v35 =	vadd.f32 v36, v35;
	_ =	sdelay $0x1  }
0x165: {  	v42 =	vadd.s32 v9, v34;
	v35 =	vmul.f32 $5.000000000e-01, v35;
	_ =	sdelay $0x1  }
0x166: {  	[tilespmem:v41+s18+$0x0] =	vst.idx.msk $0xffff, v35  }
0x167: {  	[tilespmem:v41+s19+$0x0] =	vst.idx.msk $0xffff, v35  }
0x168: {  	v35 =	vld [tilespmem:$0x12A0]  }
0x169: {  	v36 =	vld.idx.msk [tilespmem:v42+s12+$0x0], $0xffff;
	_ =	sdelay $0x3  }
0x16a: {  	v43 =	vadd.s32 v9, v33  }
0x16b: {  	v35 =	vadd.f32 v36, v35;
	_ =	sdelay $0x1  }
0x16c: {  	v44 =	vadd.s32 v10, v34;
	v35 =	vmul.f32 $5.000000000e-01, v35;
	_ =	sdelay $0x1  }
0x16d: {  	[tilespmem:v43+s18+$0x0] =	vst.idx.msk $0xffff, v35  }
0x16e: {  	[tilespmem:v43+s19+$0x0] =	vst.idx.msk $0xffff, v35  }
0x16f: {  	v35 =	vld [tilespmem:$0x12B0]  }
0x170: {  	v36 =	vld.idx.msk [tilespmem:v44+s12+$0x0], $0xffff;
	_ =	sdelay $0x3  }
0x171: {  	v45 =	vadd.s32 v10, v33  }
0x172: {  	v35 =	vadd.f32 v36, v35;
	_ =	sdelay $0x1  }
0x173: {  	v46 =	vadd.s32 v11, v34;
	v35 =	vmul.f32 $5.000000000e-01, v35;
	_ =	sdelay $0x1  }
0x174: {  	[tilespmem:v45+s18+$0x0] =	vst.idx.msk $0xffff, v35  }
0x175: {  	[tilespmem:v45+s19+$0x0] =	vst.idx.msk $0xffff, v35  }
0x176: {  	v35 =	vld [tilespmem:$0x12C0]  }
0x177: {  	v36 =	vld.idx.msk [tilespmem:v46+s12+$0x0], $0xffff;
	_ =	sdelay $0x3  }
0x178: {  	v47 =	vadd.s32 v11, v33  }
0x179: {  	v35 =	vadd.f32 v36, v35;
	_ =	sdelay $0x1  }
0x17a: {  	v48 =	vadd.s32 v12, v34;
	v35 =	vmul.f32 $5.000000000e-01, v35;
	_ =	sdelay $0x1  }
0x17b: {  	[tilespmem:v47+s18+$0x0] =	vst.idx.msk $0xffff, v35  }
0x17c: {  	[tilespmem:v47+s19+$0x0] =	vst.idx.msk $0xffff, v35  }
0x17d: {  	v35 =	vld [tilespmem:$0x12D0]  }
0x17e: {  	v36 =	vld.idx.msk [tilespmem:v48+s12+$0x0], $0xffff;
	_ =	sdelay $0x3  }
0x17f: {  	v49 =	vadd.s32 v12, v33  }
0x180: {  	v35 =	vadd.f32 v36, v35;
	_ =	sdelay $0x1  }
0x181: {  	v50 =	vadd.s32 v13, v34;
	v35 =	vmul.f32 $5.000000000e-01, v35;
	_ =	sdelay $0x1  }
0x182: {  	[tilespmem:v49+s18+$0x0] =	vst.idx.msk $0xffff, v35  }
0x183: {  	[tilespmem:v49+s19+$0x0] =	vst.idx.msk $0xffff, v35  }
0x184: {  	v35 =	vld [tilespmem:$0x12E0]  }
0x185: {  	v36 =	vld.idx.msk [tilespmem:v50+s12+$0x0], $0xffff;
	_ =	sdelay $0x3  }
0x186: {  	v51 =	vadd.s32 v13, v33  }
0x187: {  	v35 =	vadd.f32 v36, v35;
	_ =	sdelay $0x1  }
0x188: {  	v52 =	vadd.s32 v14, v34;
	v35 =	vmul.f32 $5.000000000e-01, v35;
	_ =	sdelay $0x1  }
0x189: {  	[tilespmem:v51+s18+$0x0] =	vst.idx.msk $0xffff, v35  }
0x18a: {  	[tilespmem:v51+s19+$0x0] =	vst.idx.msk $0xffff, v35  }
0x18b: {  	v35 =	vld [tilespmem:$0x12F0]  }
0x18c: {  	v36 =	vld.idx.msk [tilespmem:v52+s12+$0x0], $0xffff;
	_ =	sdelay $0x3  }
0x18d: {  	v53 =	vadd.s32 v14, v33  }
0x18e: {  	v35 =	vadd.f32 v36, v35;
	_ =	sdelay $0x1  }
0x18f: {  	v54 =	vadd.s32 v15, v34;
	v35 =	vmul.f32 $5.000000000e-01, v35;
	_ =	sdelay $0x1  }
0x190: {  	[tilespmem:v53+s18+$0x0] =	vst.idx.msk $0xffff, v35  }
0x191: {  	[tilespmem:v53+s19+$0x0] =	vst.idx.msk $0xffff, v35  }
0x192: {  	v35 =	vld [tilespmem:$0x1300]  }
0x193: {  	v36 =	vld.idx.msk [tilespmem:v54+s12+$0x0], $0xffff;
	_ =	sdelay $0x3  }
0x194: {  	v55 =	vadd.s32 v15, v33  }
0x195: {  	v35 =	vadd.f32 v36, v35;
	_ =	sdelay $0x1  }
0x196: {  	v56 =	vadd.s32 v16, v34;
	v35 =	vmul.f32 $5.000000000e-01, v35;
	_ =	sdelay $0x1  }
0x197: {  	[tilespmem:v55+s18+$0x0] =	vst.idx.msk $0xffff, v35  }
0x198: {  	[tilespmem:v55+s19+$0x0] =	vst.idx.msk $0xffff, v35  }
0x199: {  	v35 =	vld [tilespmem:$0x1310]  }
0x19a: {  	v36 =	vld.idx.msk [tilespmem:v56+s12+$0x0], $0xffff;
	_ =	sdelay $0x3  }
0x19b: {  	v57 =	vadd.s32 v16, v33  }
0x19c: {  	v35 =	vadd.f32 v36, v35;
	_ =	sdelay $0x1  }
0x19d: {  	v58 =	vadd.s32 v17, v34;
	v35 =	vmul.f32 $5.000000000e-01, v35;
	_ =	sdelay $0x1  }
0x19e: {  	[tilespmem:v57+s18+$0x0] =	vst.idx.msk $0xffff, v35  }
0x19f: {  	[tilespmem:v57+s19+$0x0] =	vst.idx.msk $0xffff, v35  }
0x1a0: {  	v35 =	vld [tilespmem:$0x1320]  }
0x1a1: {  	v36 =	vld.idx.msk [tilespmem:v58+s12+$0x0], $0xffff;
	_ =	sdelay $0x3  }
0x1a2: {  	v59 =	vadd.s32 v17, v33  }
0x1a3: {  	v35 =	vadd.f32 v36, v35;
	_ =	sdelay $0x1  }
0x1a4: {  	v60 =	vadd.s32 v18, v34;
	v35 =	vmul.f32 $5.000000000e-01, v35;
	_ =	sdelay $0x1  }
0x1a5: {  	[tilespmem:v59+s18+$0x0] =	vst.idx.msk $0xffff, v35  }
0x1a6: {  	[tilespmem:v59+s19+$0x0] =	vst.idx.msk $0xffff, v35  }
0x1a7: {  	v35 =	vld [tilespmem:$0x1330]  }
0x1a8: {  	v36 =	vld.idx.msk [tilespmem:v60+s12+$0x0], $0xffff;
	_ =	sdelay $0x3  }
0x1a9: {  	v61 =	vadd.s32 v18, v33  }
0x1aa: {  	v35 =	vadd.f32 v36, v35;
	_ =	sdelay $0x1  }
0x1ab: {  	v62 =	vadd.s32 v19, v34;
	v35 =	vmul.f32 $5.000000000e-01, v35;
	_ =	sdelay $0x1  }
0x1ac: {  	[tilespmem:v61+s18+$0x0] =	vst.idx.msk $0xffff, v35  }
0x1ad: {  	[tilespmem:v61+s19+$0x0] =	vst.idx.msk $0xffff, v35  }
0x1ae: {  	v35 =	vld [tilespmem:$0x1340]  }
0x1af: {  	v36 =	vld.idx.msk [tilespmem:v62+s12+$0x0], $0xffff;
	_ =	sdelay $0x3  }
0x1b0: {  	v63 =	vadd.s32 v19, v33  }
0x1b1: {  	v35 =	vadd.f32 v36, v35;
	_ =	sdelay $0x1  }
0x1b2: {  	v40 =	vadd.s32 v20, v34;
	v35 =	vmul.f32 $5.000000000e-01, v35;
	_ =	sdelay $0x1  }
0x1b3: {  	[tilespmem:v63+s18+$0x0] =	vst.idx.msk $0xffff, v35  }
0x1b4: {  	[tilespmem:v63+s19+$0x0] =	vst.idx.msk $0xffff, v35  }
0x1b5: {  	v35 =	vld [tilespmem:$0x1350]  }
0x1b6: {  	v36 =	vld.idx.msk [tilespmem:v40+s12+$0x0], $0xffff;
	_ =	sdelay $0x3  }
0x1b7: {  	v41 =	vadd.s32 v20, v33  }
0x1b8: {  	v35 =	vadd.f32 v36, v35;
	_ =	sdelay $0x1  }
0x1b9: {  	v42 =	vadd.s32 v21, v34;
	v35 =	vmul.f32 $5.000000000e-01, v35;
	_ =	sdelay $0x1  }
0x1ba: {  	[tilespmem:v41+s18+$0x0] =	vst.idx.msk $0xffff, v35  }
0x1bb: {  	[tilespmem:v41+s19+$0x0] =	vst.idx.msk $0xffff, v35  }
0x1bc: {  	v35 =	vld [tilespmem:$0x1360]  }
0x1bd: {  	v36 =	vld.idx.msk [tilespmem:v42+s12+$0x0], $0xffff;
	_ =	sdelay $0x3  }
0x1be: {  	v43 =	vadd.s32 v21, v33  }
0x1bf: {  	v35 =	vadd.f32 v36, v35;
	_ =	sdelay $0x1  }
0x1c0: {  	v44 =	vadd.s32 v22, v34;
	v35 =	vmul.f32 $5.000000000e-01, v35;
	_ =	sdelay $0x1  }
0x1c1: {  	[tilespmem:v43+s18+$0x0] =	vst.idx.msk $0xffff, v35  }
0x1c2: {  	[tilespmem:v43+s19+$0x0] =	vst.idx.msk $0xffff, v35  }
0x1c3: {  	v35 =	vld [tilespmem:$0x1370]  }
0x1c4: {  	v36 =	vld.idx.msk [tilespmem:v44+s12+$0x0], $0xffff;
	_ =	sdelay $0x3  }
0x1c5: {  	v45 =	vadd.s32 v22, v33  }
0x1c6: {  	v35 =	vadd.f32 v36, v35;
	_ =	sdelay $0x1  }
0x1c7: {  	v46 =	vadd.s32 v23, v34;
	v35 =	vmul.f32 $5.000000000e-01, v35;
	_ =	sdelay $0x1  }
0x1c8: {  	[tilespmem:v45+s18+$0x0] =	vst.idx.msk $0xffff, v35  }
0x1c9: {  	[tilespmem:v45+s19+$0x0] =	vst.idx.msk $0xffff, v35  }
0x1ca: {  	v35 =	vld [tilespmem:$0x1380]  }
0x1cb: {  	v36 =	vld.idx.msk [tilespmem:v46+s12+$0x0], $0xffff;
	_ =	sdelay $0x3  }
0x1cc: {  	v47 =	vadd.s32 v23, v33  }
0x1cd: {  	v35 =	vadd.f32 v36, v35;
	_ =	sdelay $0x1  }
0x1ce: {  	v48 =	vadd.s32 v24, v34;
	v35 =	vmul.f32 $5.000000000e-01, v35;
	_ =	sdelay $0x1  }
0x1cf: {  	[tilespmem:v47+s18+$0x0] =	vst.idx.msk $0xffff, v35  }
0x1d0: {  	[tilespmem:v47+s19+$0x0] =	vst.idx.msk $0xffff, v35  }
0x1d1: {  	v35 =	vld [tilespmem:$0x1390]  }
0x1d2: {  	v36 =	vld.idx.msk [tilespmem:v48+s12+$0x0], $0xffff;
	_ =	sdelay $0x3  }
0x1d3: {  	v49 =	vadd.s32 v24, v33  }
0x1d4: {  	v35 =	vadd.f32 v36, v35;
	_ =	sdelay $0x1  }
0x1d5: {  	v50 =	vadd.s32 v25, v34;
	v35 =	vmul.f32 $5.000000000e-01, v35;
	_ =	sdelay $0x1  }
0x1d6: {  	[tilespmem:v49+s18+$0x0] =	vst.idx.msk $0xffff, v35  }
0x1d7: {  	[tilespmem:v49+s19+$0x0] =	vst.idx.msk $0xffff, v35  }
0x1d8: {  	v35 =	vld [tilespmem:$0x13A0]  }
0x1d9: {  	v36 =	vld.idx.msk [tilespmem:v50+s12+$0x0], $0xffff;
	_ =	sdelay $0x3  }
0x1da: {  	v51 =	vadd.s32 v25, v33  }
0x1db: {  	v35 =	vadd.f32 v36, v35;
	_ =	sdelay $0x1  }
0x1dc: {  	v52 =	vadd.s32 v26, v34;
	v35 =	vmul.f32 $5.000000000e-01, v35;
	_ =	sdelay $0x1  }
0x1dd: {  	[tilespmem:v51+s18+$0x0] =	vst.idx.msk $0xffff, v35  }
0x1de: {  	[tilespmem:v51+s19+$0x0] =	vst.idx.msk $0xffff, v35  }
0x1df: {  	v35 =	vld [tilespmem:$0x13B0]  }
0x1e0: {  	v36 =	vld.idx.msk [tilespmem:v52+s12+$0x0], $0xffff;
	_ =	sdelay $0x3  }
0x1e1: {  	v53 =	vadd.s32 v26, v33  }
0x1e2: {  	v35 =	vadd.f32 v36, v35;
	_ =	sdelay $0x1  }
0x1e3: {  	v54 =	vadd.s32 v27, v34;
	v35 =	vmul.f32 $5.000000000e-01, v35;
	_ =	sdelay $0x1  }
0x1e4: {  	[tilespmem:v53+s18+$0x0] =	vst.idx.msk $0xffff, v35  }
0x1e5: {  	[tilespmem:v53+s19+$0x0] =	vst.idx.msk $0xffff, v35  }
0x1e6: {  	v35 =	vld [tilespmem:$0x13C0]  }
0x1e7: {  	v36 =	vld.idx.msk [tilespmem:v54+s12+$0x0], $0xffff;
	_ =	sdelay $0x3  }
0x1e8: {  	v55 =	vadd.s32 v27, v33  }
0x1e9: {  	v35 =	vadd.f32 v36, v35;
	_ =	sdelay $0x1  }
0x1ea: {  	v56 =	vadd.s32 v28, v34;
	v35 =	vmul.f32 $5.000000000e-01, v35;
	_ =	sdelay $0x1  }
0x1eb: {  	[tilespmem:v55+s18+$0x0] =	vst.idx.msk $0xffff, v35  }
0x1ec: {  	[tilespmem:v55+s19+$0x0] =	vst.idx.msk $0xffff, v35  }
0x1ed: {  	v35 =	vld [tilespmem:$0x13D0]  }
0x1ee: {  	v36 =	vld.idx.msk [tilespmem:v56+s12+$0x0], $0xffff;
	_ =	sdelay $0x3  }
0x1ef: {  	v57 =	vadd.s32 v28, v33  }
0x1f0: {  	v35 =	vadd.f32 v36, v35;
	_ =	sdelay $0x1  }
0x1f1: {  	v58 =	vadd.s32 v29, v34;
	v35 =	vmul.f32 $5.000000000e-01, v35;
	_ =	sdelay $0x1  }
0x1f2: {  	[tilespmem:v57+s18+$0x0] =	vst.idx.msk $0xffff, v35  }
0x1f3: {  	[tilespmem:v57+s19+$0x0] =	vst.idx.msk $0xffff, v35  }
0x1f4: {  	v35 =	vld [tilespmem:$0x13E0]  }
0x1f5: {  	v36 =	vld.idx.msk [tilespmem:v58+s12+$0x0], $0xffff;
	_ =	sdelay $0x3  }
0x1f6: {  	v59 =	vadd.s32 v29, v33  }
0x1f7: {  	v35 =	vadd.f32 v36, v35;
	_ =	sdelay $0x1  }
0x1f8: {  	v60 =	vadd.s32 v30, v34;
	v35 =	vmul.f32 $5.000000000e-01, v35;
	_ =	sdelay $0x1  }
0x1f9: {  	[tilespmem:v59+s18+$0x0] =	vst.idx.msk $0xffff, v35  }
0x1fa: {  	[tilespmem:v59+s19+$0x0] =	vst.idx.msk $0xffff, v35  }
0x1fb: {  	v35 =	vld [tilespmem:$0x13F0]  }
0x1fc: {  	v36 =	vld.idx.msk [tilespmem:v60+s12+$0x0], $0xffff;
	_ =	sdelay $0x3  }
0x1fd: {  	v61 =	vadd.s32 v30, v33  }
0x1fe: {  	v35 =	vadd.f32 v36, v35;
	_ =	sdelay $0x1  }
0x1ff: {  	v62 =	vadd.s32 v31, v34;
	v35 =	vmul.f32 $5.000000000e-01, v35;
	_ =	sdelay $0x1  }
0x200: {  	[tilespmem:v61+s18+$0x0] =	vst.idx.msk $0xffff, v35  }
0x201: {  	[tilespmem:v61+s19+$0x0] =	vst.idx.msk $0xffff, v35  }
0x202: {  	v35 =	vld [tilespmem:$0x1400]  }
0x203: {  	v36 =	vld.idx.msk [tilespmem:v62+s12+$0x0], $0xffff;
	_ =	sdelay $0x3  }
0x204: {  	v63 =	vadd.s32 v31, v33  }
0x205: {  	v35 =	vadd.f32 v36, v35;
	_ =	sdelay $0x1  }
0x206: {  	v34 =	vadd.s32 v32, v34;
	v35 =	vmul.f32 $5.000000000e-01, v35;
	_ =	sdelay $0x1  }
0x207: {  	[tilespmem:v63+s18+$0x0] =	vst.idx.msk $0xffff, v35  }
0x208: {  	[tilespmem:v63+s19+$0x0] =	vst.idx.msk $0xffff, v35  }
0x209: {  	v35 =	vld [tilespmem:$0x1404]  }
0x20a: {  	v34 =	vld.idx.msk [tilespmem:v34+s12+$0x0], $0xffff;
	_ =	sdelay $0x3  }
0x20b: {  	v33 =	vadd.s32 v32, v33  }
0x20c: {  	p0 =	sne.s32 s24, $0x1F;
	v34 =	vadd.f32 v34, v35  }
.Ltmp1:
0x20d: {  	_ = 	snop;
	(pc) =	sbr.rel @p0 .LBB2_5-.Ltmp1, $3  }
0x20e: {  	v34 =	vmul.f32 $5.000000000e-01, v34;
	_ =	sdelay $0x1  }
0x20f: {  	[tilespmem:v33+s18+$0x0] =	vst.idx.msk $0xffff, v34  }
0x210: {  	s24 =	sadd.s32 $0x1, s24;
	[tilespmem:v33+s19+$0x0] =	vst.idx.msk $0xffff, v34  }
0x211: {  	s22 =	sadd.s32 $0x1, s22  }
0x212: {  	p0 =	sne.s32 s22, $0x40  }
.Ltmp2:
0x213: {  	_ = 	snop;
	(pc) =	sbr.rel @p0 .LBB2_2-.Ltmp2, $4  }
0x214: {  	s24 =	sadd.s32 $0x820, s23  }
0x215: {  	[hbm4b:s24+s3] =	stream.linear.scatter [tilespmem:s18], [sflag:$0x3], $0x4100, $0x38;
	[tilespmem:$0x19C20] =	vst v63  }
0x216: {  	s31 =	sadd.s32 $0x820820, s23  }
0x217: {  	[hbm4b:s31+s3] =	stream.linear.scatter [tilespmem:s19], [sflag:$0x3], $0x4100, $0x38;
	[tilespmem:$0x19C20] =	vst v63  }
0x218: {  	_ =	swait.ge [sflag:s20], $0x4100  }
0x219: {  	[sflag:s20] =	ssyncset.done $0x0  }
0x21a: {  	[sflag:s20] =	ssyncadd.s32 $0xFFFFBF00  }
0x21b: {  	_ =	swait.ge [sflag:s20], $0x4100  }
0x21c: {  	[sflag:s20] =	ssyncset.done $0x0  }
0x21d: {  	s21 =	sadd.s32 $0x1, s21;
	[sflag:s20] =	ssyncadd.s32 $0xFFFFBF00  }
0x21e: {  	p0 =	sne.s32 s21, s8;
	_ =	swait.ge [sflag:s20], $0x4100  }
.Ltmp3:
0x21f: {  	[sflag:s20] =	ssyncset.done $0x0;
	(pc) =	sbr.rel @p0 .LBB2_1-.Ltmp3, $4  }
0x220: {  	[sflag:s20] =	ssyncadd.s32 $0xFFFFBF00  }
0x221: {  	_ =	swait.ge [sflag:s20], $0x4100  }
0x222: {  	[sflag:s20] =	ssyncset.done $0x0  }
0x223: {  	[sflag:s20] =	ssyncadd.s32 $0xFFFFBF00  }
0x224: {  	_ =	sfence.sel $0x180000  }
0x225: {  	[bflag:$0x0] =	sbarrier.arrive $0xFFFF  }
0x226: {  	p0 =	sne.s32 s1, $0x0;
	_ =	strace $0x90000047  }
0x227: {  	s0 =	sadd.s32 @!p0 $0x100000, s0;
	[bflag:$0x2] =	sbarrier.arrive $0xFFFF  }
0x228: {  	[sflag:s0] =	ssyncadd.tile.s32 @!p0 $0x1;
	_ =	shalt  }
.Lfunc_end2:
_tile_overlayer_lowered:
.L_overlay_start_2:
0x229: {  	(tag) =	ssettag $0x2  }
0x22a: {  	s0 =	rddreg [dreg:$0x0];
	s2 =	stileid.u32  }
0x22b: {  	s1 =	rddreg [dreg:$0x1];
	p0 =	sne.s32 s2, $0x0  }
0x22c: {  	s3 =	rddreg [dreg:$0x2];
	[bflag:$0x3] =	sbarrier.arrive $0xFFFF;
	s2 =	simm.s32 @!p0 $0x1C04  }
0x22d: {  	[timem:s3], [sflag:s2] =	dma.local @!p0 [hbm:s0], s1  }
0x22e: {  	s0 =	simm.s32 @!p0 $0x4  }
0x22f: {  	_ =	swait.ge @!p0 [sflag:s0], s1  }
0x230: {  	s1 =	ssub.s32 @!p0 $0x0, s1;
	[sflag:s0] =	ssyncset.done @!p0 $0x0  }
0x231: {  	[sflag:s0] =	ssyncadd.s32 @!p0 s1  }
0x232: {  	[bflag:$0x3] =	sbarrier.arrive $0xFFFF  }
0x233: {  	_ =	shalt  }

// kernel: sparse-core-data-format-call.cloned.1.call-start
scs
called_computation_lowered:
.L_overlay_start_0:
0x0: {  	s2 =	sld [smem:$0x3FD9]  }
0x1: {  	s3 =	sld [smem:$0x3FFE];
	_ =	sdelay $0x1  }
0x2: {  	s1 =	srdreg.scid  }
0x3: {  	s0 =	sand.u32 $0x1, s1  }
0x4: {  	s18 =	sshll.u32 s0, $0xA;
	s2 =	sadd.s32 s3, s2  }
0x5: {  	s2 =	sadd.s32 s2, s18  }
0x6: {  	[smem:$0x3FC2] =	sst s2  }
0x7: {  	_ = 	snop  }
0x8: {  	s2 =	sld [smem:$0x3FD0];
	(tm) =	ssettm $0x1  }
0x9: {  	s19 =	sld [smem:$0x3FFB];
	_ =	sdelay $0x3  }
0xa: {  	_ =	strace s19  }
0xb: {  	s3 =	sld [smem:$0x3FFC];
	_ =	sdelay $0x3  }
0xc: {  	_ =	strace s3  }
0xd: {  	s3 =	sld [smem:$0x3FFD];
	_ =	sdelay $0x3  }
0xe: {  	_ =	strace s3  }
0xf: {  	_ =	strace $0x8FFFFFFF  }
0x10: {  	s20 =	sld [smem:$0x3FDB];
	_ =	sdelay $0x1  }
0x11: {  	s4 =	simm.s32 $_scs_section_size  }
0x12: {  	s5 =	simm.s32 $_size__tile_overlayer_lowered;
	s6 =	simm.s32 $_tile_overlayer_lowered  }
0x13: {  	s23 =	simm.s32 $0x1BFF;
	s22 =	sshll.u32 s6, $0x1;
	s3 =	sadd.s32 s4, s20  }
0x14: {  	s7 =	simm.s32 $0x0;
	s21 =	sshll.u32 s5, $0x1;
	s5 =	sadd.s32 s22, s3  }
0x15: {  	[timem:s7], [sflag:s23] =	dma.local [hbm:s5], s21  }
0x16: {  	_ =	swait.ge [sflag:s23], s21  }
0x17: {  	s4 =	ssub.s32 $0x0, s21;
	[sflag:s23] =	ssyncset.done $0x0  }
0x18: {  	[sflag:s23] =	ssyncadd.s32 s4;
	_ =	sdelay $0x1  }
0x19: {  	s24 =	simm.s32 $0x1B8B  }
0x1a: {  	_ =	swait.ge [sflag:s24], $0x1  }
0x1b: {  	[sflag:s24] =	ssyncset.done $0x0  }
0x1c: {  	s26 =	simm.s32 $0x1B8E;
	s25 =	sld [smem:$0x3FFE];
	[sflag:s24] =	ssyncadd.s32 $0xFFFFFFFF  }
0x1d: {  	s27 =	simm.s32 $execute0_lowered;
	[smem:$0x3FD2] =	sst s26  }
0x1e: {  	s5 =	sshll.u32 s27, $0x1;
	_ =	strace $0x80000049;
	[dreg:$0x1] =	wrdreg $0xFFFFFFFF  }
0x1f: {  	s28 =	simm.s32 $_size_execute0_lowered;
	s3 =	sadd.s32 s3, s5;
	[dreg:$0x0] =	wrdreg $0x0  }
0x20: {  	s5 =	sshll.u32 s28, $0x1;
	[dreg:$0x2] =	wrdreg s3  }
0x21: {  	[dreg:$0x3] =	wrdreg s5  }
0x22: {  	[dreg:$0x4] =	wrdreg $0xC0  }
0x23: {  	_ =	task [dreg:s7], $0x5FFFF  }
0x24: {  	[dreg:$0x1] =	wrdreg $0xFFFFFFFF  }
0x25: {  	[dreg:$0x0] =	wrdreg $0x60  }
0x26: {  	[dreg:$0x2] =	wrdreg s25  }
0x27: {  	[dreg:$0x3] =	wrdreg s2  }
0x28: {  	[dreg:$0x4] =	wrdreg $0x9  }
0x29: {  	_ =	task.clear_ibuf [dreg:s7], $0x5FFFF;
	_ =	strace $0x90000049  }
0x2a: {  	s29 =	simm.s32 $0x9;
	_ =	strace $0x8000004B  }
0x2b: {  	_ =	swait.ge [sflag:s29], $0x1  }
0x2c: {  	[sflag:s29] =	ssyncadd.s32 $0xFFFFFFFF  }
0x2d: {  	_ =	strace $0x9000004B  }
0x2e: {  	_ =	sfence  }
0x2f: {  	s30 =	sld [smem:$0x0];
	_ =	sdelay $0x2  }
0x30: {  	s31 =	sshll.u32 s1, $0xD;
	s1 =	sshrl.u32 s1, $0x2  }
0x31: {  	s3 =	sand.u32 $0x4000, s31;
	s1 =	sadd.s32 s1, s30  }
0x32: {  	s0 =	sor.u32 s3, s0;
	s1 =	sshll.u32 s1, $0x11  }
0x33: {  	s0 =	sor.u32 s1, s0  }
0x34: {  	s0 =	sadd.s32 $0x8F2B, s0  }
0x35: {  	[sflag:s0] =	ssyncadd.remote.s32 $0x1  }
0x36: {  	_ =	sfence.sel $0xFFFF  }
0x37: {  	[dreg:$0x0] =	wrdreg $0xFFFFFFFF;
	(pc) =	sbr.abs _section_cstart, $3  }
0x38: {  	[dreg:$0x1] =	wrdreg $0xFFFFFFFF  }
0x39: {  	_ =	task.clear_ibuf [dreg:s7], $0x2FFFF;
	_ =	strace $0x9FFFFFFF  }
0x3a: {  	(tm) =	ssettm $0x7FFFFFFF  }
0x3b: {  	_ =	shalt  }
tec
execute0_lowered:
.L_overlay_start_1:
0x0: {  	(tag) =	ssettag $0x1  }
0x1: {  	s0 =	srdreg.scid  }
0x2: {  	s1 =	sshll.u32 s0, $0x4  }
0x3: {  	s6 =	rddreg [dreg:$0x0];
	s0 =	stileid.u32;
	s1 =	sand.u32 $0x10, s1  }
0x4: {  	s3 =	rddreg [dreg:$0x1];
	s1 =	sor.u32 s0, s1  }
0x5: {  	s5 =	simm.s32 $0x1;
	s31 =	simm.s32 $0x2;
	s2 =	sshll.u32 s1, $0x7  }
0x6: {  	s15 =	simm.s32 $0x0;
	s8 =	simm.s32 $0x200000;
	s4 =	ssub.s32 $0x40000, s2  }
0x7: {  	s14 =	simm.s32 $0x0;
	s9 =	simm.s32 $0x0;
	s30 =	sand.u32 $0xF80, s4  }
0x8: {  	s10 =	simm.s32 $0x0;
	s11 =	simm.s32 $0x0;
	p0 =	sne.s32 s30, $0x0  }
.Ltmp0:
0x9: {  	s7 =	sshrl.u32 s4, $0xC;
	s5 =	simm.s32 @!p0 $0x0;
	(pc) =	sbr.rel .LBB1_1-.Ltmp0, $4  }
0xa: {  	s13 =	simm.s32 $0x0;
	s1 =	rddreg [dreg:$0x2];
	s5 =	sadd.s32 s5, s7  }
0xb: {  	_ =	strace $0x8000004A;
	s4 =	simm.s32 $0x1;
	s5 =	smul.u32 $0x5, s5  }
0xc: {  	s6 =	sadd.s32 $0xC00, s6;
	s12 =	smov.u32 s2;
	[sflag:s4] =	ssyncpa.u1 $0x0  }
0xd: {  	[sflag:s31] =	ssyncpa.u1 $0x0;
	p0 =	por $0x0, $0x0;
	s7 =	sadd.s32 $0x1, s5  }
.LBB1_4:
0xe: {  	s21 =	sshll.u32 s9, $0x12;
	s22 =	sshll.u32 s10, $0x3;
	s20 =	sshra.s32 s20, $0x2  }
0xf: {  	s28 =	sand.u32 $0x78, s10;
	s29 =	sshll.u32 s9, $0x7;
	p1 =	sgt.s32 s9, $0x188  }
0x10: {  	s25 =	sshra.s32 s9, $0x1F;
	s31 =	sshra.s32 s10, $0x1F;
	s21 =	sand.u32 $0xFFE00000, s21  }
0x11: {  	s23 =	sand.u32 $0xFFFFFC00, s22;
	s19 =	sadd.s32 s20, s19;
	s22 =	sand.u32 $0x3FC00, s22  }
0x12: {  	v5 =	vld [tilespmem:s17+$0xFFFFFFD0];
	[tilespmem:s18+$0x2040 ss:$0x81] =	vst.msk $0xffff, v4;
	s25 =	sand.u32 s25, s9;
	s27 =	sadd.s32 s23, s21;
	s23 =	sand.u32 $0x380, s29  }
0x13: {  	v58 =	vld [tilespmem:s17+$0xFFFFFFE0];
	[tilespmem:s18+$0x2850 ss:$0x81] =	vst.msk $0xffff, v3;
	s21 =	sor.u32 s28, s22;
	s22 =	smov.u32 s9;
	s20 =	sshrl.u32 s27, $0x12  }
0x14: {  	v59 =	vld [tilespmem:s17+$0xFFFFFFF0];
	[tilespmem:s18+$0x3060 ss:$0x81] =	vst.msk $0xffff, v2;
	s22 =	simm.s32 @!p1 $0x188;
	p1 =	sgt.s32 s10, $0x3FF80;
	s24 =	smul.u32 $0xFC1, s20  }
0x15: {  	v60 =	vld [tilespmem:s17+$0x0];
	[tilespmem:s18+$0x0 ss:$0x81] =	vst.msk $0xffff, v1;
	s21 =	sor.u32 s23, s21;
	s30 =	ssub.s32 s22, s25;
	s22 =	smov.u32 s10  }
0x16: {  	v61 =	vld [tilespmem:s17+$0x10];
	[tilespmem:s19+$0x3870 ss:$0x81] =	vst.msk $0xffff, v0;
	s25 =	sand.u32 s31, s10;
	s22 =	simm.s32 @!p1 $0x3FF80;
	s24 =	sshrl.u32 s24, $0x15  }
0x17: {  	v62 =	vld [tilespmem:s17+$0x20];
	[tilespmem:s19+$0x810 ss:$0x81] =	vst.msk $0xffff, v5;
	s26 =	sadd.s32 $0xFFFFFE78, s30;
	s22 =	ssub.s32 s22, s25;
	s24 =	smul.u32 $0x208, s24  }
0x18: {  	v63 =	vld [tilespmem:s17+$0xFFFFFFC0];
	[tilespmem:s19+$0x1020 ss:$0x81] =	vst.msk $0xffff, v58;
	s18 =	ssub.s32 $0x208, s30;
	p1 =	sgt.s32 s26, $0x7F;
	s28 =	sadd.s32 $0xFFFC0080, s22  }
0x19: {  	[tilespmem:s19+$0x1830 ss:$0x81] =	vst.msk $0xffff, v59;
	p2 =	sgt.s32 s28, $0x7F;
	s27 =	ssub.s32 s20, s24;
	s20 =	ssub.s32 $0x40000, s22  }
0x1a: {  	s29 =	sshrl.u32 s21, $0x3;
	[tilespmem:s19+$0x2040 ss:$0x81] =	vst.msk $0xffff, v60;
	s18 =	simm.s32 @p1 $0x0;
	s20 =	simm.s32 @p2 $0x0  }
0x1b: {  	[tilespmem:s19+$0x2850 ss:$0x81] =	vst.msk $0xffff, v61;
	s30 =	sand.u32 $0x7, s10;
	s17 =	sand.u32 $0xFFFF, s27;
	s18 =	smul.u32 s20, s18  }
0x1c: {  	[tilespmem:s19+$0x3060 ss:$0x81] =	vst.msk $0xffff, v62;
	s21 =	sshll.u32 s30, $0x12;
	s17 =	sshll.u32 s17, $0xF;
	s20 =	sadd.s32 s3, s29  }
0x1d: {  	[tilespmem:s19+$0x0 ss:$0x81] =	vst.msk $0xffff, v63;
	s31 =	sor.u32 $0x400, s21;
	s17 =	sadd.s32 s17, s20;
	s18 =	sand.u32 $0x3FFFFFFF, s18  }
0x1e: {  	[hbm4b:s17+s31] =	stream.strided.scatter [tilespmem:s16], [sflag:$0x2], s18, s8, s31, $0x20;
	[tilespmem:$0x10100] =	vst v63  }
.LBB1_5:
0x1f: {  	p1 =	slt.u32 s13, $0x2  }
0x20: {  	s17 =	smov.u32 s15;
	p2 =	sgt.s32 @!p1 s15, $0x188;
	s16 =	sshra.s32 @!p1 s15, $0x1F  }
0x21: {  	p3 =	sgt.s32 @!p1 s14, $0x3FF80;
	s18 =	sshra.s32 @!p1 s14, $0x1F;
	p2 =	por !p2, p1  }
0x22: {  	s15 =	sand.u32 @!p1 s16, s15;
	p3 =	por !p3, p1;
	s16 =	smov.u32 s14  }
0x23: {  	s14 =	sand.u32 @!p1 s18, s14;
	s17 =	simm.s32 @p2 $0x188;
	s16 =	simm.s32 @p3 $0x3FF80  }
0x24: {  	s15 =	ssub.s32 @!p1 s17, s15;
	s14 =	ssub.s32 @!p1 s16, s14  }
0x25: {  	s18 =	smov.u32 s12;
	s16 =	sadd.s32 @!p1 $0xFFFFFE78, s15;
	s17 =	sadd.s32 @!p1 $0xFFFC0080, s14  }
0x26: {  	s15 =	ssub.s32 @!p1 $0x208, s15;
	p2 =	sgt.s32 @!p1 s16, $0x7F;
	p3 =	sgt.s32 @!p1 s17, $0x7F  }
0x27: {  	s14 =	ssub.s32 @!p1 $0x40000, s14;
	p2 =	por !p2, p1;
	p3 =	por !p3, p1  }
0x28: {  	s16 =	sadd.s32 $0x80, s11;
	s15 =	simm.s32 @!p2 $0x0;
	s14 =	simm.s32 @!p3 $0x0  }
0x29: {  	p2 =	sgt.s32 s16, $0x203;
	s14 =	smul.u32 @!p1 s14, s15;
	s15 =	sadd.s32 $0x1000, s12  }
0x2a: {  	s18 =	smov.u32 @p2 s15  }
0x2b: {  	s16 =	simm.s32 @p2 $0x0;
	p2 =	sgt.s32 s18, $0x3FFFF  }
0x2c: {  	s18 =	smov.u32 @p2 s2;
	p2 =	sne.s32 s13, s7  }
.Ltmp1:
0x2d: {  	p0 =	por !p0, !p0;
	s17 =	simm.s32 @!p1 $0x2;
	(pc) =	sbr.rel @!p2 .LBB1_6-.Ltmp1, $4  }
0x2e: {  	s15 =	smov.u32 s9;
	s9 =	smov.u32 s11;
	s14 =	sand.u32 @!p1 $0x3FFFFFFF, s14  }
0x2f: {  	s11 =	smov.u32 s16;
	_ =	swait.ge @!p1 [sflag:s17], s14;
	s19 =	ssub.s32 @!p1 $0x0, s14  }
0x30: {  	s14 =	smov.u32 s10;
	s13 =	sadd.s32 $0x1, s13;
	[sflag:s17] =	ssyncset.done @!p1 $0x0  }
0x31: {  	s10 =	smov.u32 s12;
	s12 =	smov.u32 s18;
	[sflag:s17] =	ssyncadd.s32 @!p1 s19  }
.LBB1_1:
0x32: {  	p1 =	sge.u32 s13, s5  }
0x33: {  	s16 =	sshrl.u32 @!p1 s12, $0x3  }
0x34: {  	s17 =	sshll.u32 @!p1 s11, $0x3;
	s16 =	smul.u32 @!p1 $0x1400, s16  }
0x35: {  	s18 =	sshll.u32 @!p1 s12, $0x7;
	s17 =	sand.u32 @!p1 $0xFFFFFC00, s17  }
0x36: {  	s16 =	sadd.s32 @!p1 s16, s17;
	s17 =	sand.u32 @!p1 $0x380, s18  }
0x37: {  	s18 =	sand.u32 @!p1 $0x7F, s11;
	s16 =	sor.u32 @!p1 s17, s16  }
0x38: {  	s17 =	sor.u32 @!p1 s18, s16  }
0x39: {  	s18 =	smulhi.u32 @!p1 $0xCCCCCCCD, s17;
	_ =	sdelay $0x1  }
0x3a: {  	s16 =	smulhi.u32 @!p1 $0xCCCCCCCD, s16;
	s18 =	sshrl.u32 @!p1 s18, $0x9  }
0x3b: {  	s18 =	smul.u32 @!p1 $0x280, s18  }
0x3c: {  	s31 =	sadd.s32 $0xFFFFFFFF, s13;
	s19 =	sxor.u32 @!p1 $0xFFFFFFFF, s13;
	s16 =	sshrl.u32 @!p1 s16, $0x9  }
0x3d: {  	s19 =	sshll.u32 @!p1 s19, $0xE;
	s16 =	sand.u32 @!p1 $0x3FFFF, s16;
	s17 =	ssub.s32 @!p1 s17, s18  }
0x3e: {  	s16 =	smul.u32 @!p1 $0x50, s16;
	s18 =	sshrl.u32 @!p1 s17, $0x3;
	s17 =	sand.u32 @!p1 $0x7, s17  }
0x3f: {  	s19 =	sand.u32 @!p1 $0x4000, s19;
	s18 =	sadd.s32 @!p1 s6, s18;
	s17 =	sshll.u32 @!p1 s17, $0x12  }
0x40: {  	s16 =	sadd.s32 @!p1 s16, s18;
	s17 =	sor.u32 @!p1 $0x400, s17;
	s18 =	simm.s32 @!p1 $0x1400  }
0x41: {  	[tilespmem:s19], [sflag:$0x1] =	stream.strided.gather @!p1 [hbm4b:s16+s17], $0x4000, s18, s17, $0x38;
	[tilespmem:$0x10100] =	vst v63  }
0x42: {  	p1 =	sge.u32 s31, s5  }
.Ltmp2:
0x43: {  	_ = 	snop;
	(pc) =	sbr.rel @p1 .LBB1_5-.Ltmp2, $1  }
0x44: {  	_ =	sdelay $0x3  }
0x45: {  	s16 =	simm.s32 $0x1  }
0x46: {  	_ =	swait.ge [sflag:s4], $0x4000;
	s16 =	simm.s32 @!p0 $0x0  }
0x47: {  	[sflag:s4] =	ssyncset.done $0x0;
	s17 =	sshll.u32 s16, $0xE  }
0x48: {  	[sflag:s4] =	ssyncadd.s32 $0xFFFFC000;
	s17 =	sor.u32 $0x40, s17  }
0x49: {  	s16 =	smul.u32 $0x10200, s16;
	v0 =	vld [tilespmem:s17+$0x30]  }
0x4a: {  	v1 =	vld [tilespmem:s17+$0xFFFFFFD0]  }
0x4b: {  	s16 =	sshrl.u32 s16, $0x2;
	v5 =	vld [tilespmem:s17+$0xFFFFFFE0]  }
0x4c: {  	v6 =	vld [tilespmem:s17+$0xFFFFFFF0];
	s19 =	sor.u32 $0x8000, s16  }
0x4d: {  	s31 =	sand.u32 $0x1, s13;
	v4 =	vld [tilespmem:s17+$0x0];
	s18 =	sadd.s32 $0x0, s19  }
0x4e: {  	v3 =	vld [tilespmem:s17+$0x10];
	s16 =	smul.u32 $0x10200, s31;
	[tilespmem:s18+$0x3870 ss:$0x81] =	vst.msk $0xffff, v0  }
0x4f: {  	v2 =	vld [tilespmem:s17+$0x20];
	[tilespmem:s18+$0x810 ss:$0x81] =	vst.msk $0xffff, v1  }
0x50: {  	s16 =	sshrl.u32 s16, $0x2;
	v1 =	vld [tilespmem:s17+$0xFFFFFFC0];
	[tilespmem:s18+$0x1020 ss:$0x81] =	vst.msk $0xffff, v5;
	s17 =	sadd.s32 $0x80, s17  }
0x51: {  	s20 =	simm.s32 $0x4;
	s21 =	simm.s32 $0x8;
	s16 =	sor.u32 $0x8000, s16;
	[tilespmem:s18+$0x1830 ss:$0x81] =	vst.msk $0xffff, v6;
	v0 =	vld [tilespmem:s17+$0x30]  }
.LBB1_3:
0x52: {  	p1 =	sne.s32 s21, $0x1FC;
	v5 =	vld [tilespmem:s17+$0xFFFFFFD0];
	[tilespmem:s18+$0x2040 ss:$0x81] =	vst.msk $0xffff, v4  }
0x53: {  	v6 =	vld [tilespmem:s17+$0xFFFFFFE0];
	[tilespmem:s18+$0x2850 ss:$0x81] =	vst.msk $0xffff, v3  }
0x54: {  	s22 =	sshra.s32 s20, $0x2;
	s20 =	smov.u32 s21;
	v7 =	vld [tilespmem:s17+$0xFFFFFFF0];
	[tilespmem:s18+$0x3060 ss:$0x81] =	vst.msk $0xffff, v2  }
.Ltmp3:
0x55: {  	v4 =	vld [tilespmem:s17+$0x0];
	[tilespmem:s18+$0x0 ss:$0x81] =	vst.msk $0xffff, v1;
	s18 =	sadd.s32 s22, s19;
	(pc) =	sbr.rel @p1 .LBB1_3-.Ltmp3, $4  }
0x56: {  	v3 =	vld [tilespmem:s17+$0x10];
	[tilespmem:s18+$0x3870 ss:$0x81] =	vst.msk $0xffff, v0  }
0x57: {  	[tilespmem:s18+$0x810 ss:$0x81] =	vst.msk $0xffff, v5;
	v2 =	vld [tilespmem:s17+$0x20]  }
0x58: {  	v1 =	vld [tilespmem:s17+$0xFFFFFFC0];
	[tilespmem:s18+$0x1020 ss:$0x81] =	vst.msk $0xffff, v6;
	s17 =	sadd.s32 $0x80, s17  }
0x59: {  	s21 =	sadd.s32 $0x4, s21;
	v0 =	vld [tilespmem:s17+$0x30];
	[tilespmem:s18+$0x1830 ss:$0x81] =	vst.msk $0xffff, v7  }
.Ltmp4:
0x5a: {  	_ = 	snop;
	(pc) =	sbr.rel .LBB1_4-.Ltmp4, $1  }
0x5b: {  	_ =	sdelay $0x3  }
.LBB1_6:
0x5c: {  	_ =	sfence.sel $0x180000  }
0x5d: {  	s2 =	simm.s32 $0x1;
	[bflag:$0x0] =	sbarrier.arrive $0xFFFF  }
0x5e: {  	s31 =	simm.s32 $0x2;
	[sflag:s2] =	ssyncpa.u1 $0x1  }
0x5f: {  	[sflag:s31] =	ssyncpa.u1 $0x1  }
0x60: {  	p0 =	sne.s32 s0, $0x0;
	_ =	strace $0x9000004A  }
0x61: {  	s0 =	sadd.s32 @!p0 $0x100000, s1;
	[bflag:$0x2] =	sbarrier.arrive $0xFFFF  }
0x62: {  	[sflag:s0] =	ssyncadd.tile.s32 @!p0 $0x1;
	_ =	shalt  }
.Lfunc_end1:
_tile_overlayer_lowered:
.L_overlay_start_2:
0x63: {  	(tag) =	ssettag $0x2  }
0x64: {  	s0 =	rddreg [dreg:$0x0];
	s2 =	stileid.u32  }
0x65: {  	s1 =	rddreg [dreg:$0x1];
	p0 =	sne.s32 s2, $0x0  }
0x66: {  	s3 =	rddreg [dreg:$0x2];
	[bflag:$0x3] =	sbarrier.arrive $0xFFFF;
	s2 =	simm.s32 @!p0 $0x1C01  }
0x67: {  	[timem:s3], [sflag:s2] =	dma.local @!p0 [hbm:s0], s1  }
0x68: {  	s0 =	simm.s32 @!p0 $0x1  }
0x69: {  	_ =	swait.ge @!p0 [sflag:s0], s1  }
0x6a: {  	s1 =	ssub.s32 @!p0 $0x0, s1;
	[sflag:s0] =	ssyncset.done @!p0 $0x0  }
0x6b: {  	[sflag:s0] =	ssyncadd.s32 @!p0 s1  }
0x6c: {  	[bflag:$0x3] =	sbarrier.arrive $0xFFFF  }
0x6d: {  	_ =	shalt  }

</sc_bundles>
